<compile_context>
chip_gen: v7x
topology: tpu7x:2x2x1
jax: 0.10.2.dev20260603
libtpu: 0.0.44.dev20260713+nightly
codegen_flags: <defaults>
</compile_context>

<pallas_src>
import functools

import jax
import jax.numpy as jnp
from jax import lax
from jax.experimental import pallas as pl
from jax.experimental.pallas import tpu as pltpu
from jax.experimental.pallas import tpu_sc as plsc

_GAMMA = 0.9
_N = 16384
_C = 1000
_W = 512
_CHUNK = 64
_NSLOT = 2
_NCHUNK = _N // (16 * _CHUNK)
_UNITS = _C // 8


def _zero16():
    return jnp.zeros((16,), jnp.float32)


def _body(preds_hbm, labels_hbm, sums_hbm, cnt_hbm,
          buf2, idx2, ones_v, z8, sems, acc_sp, cnt_sp):
    cid = lax.axis_index("c")
    sid = lax.axis_index("s")
    col0 = cid * (_C - _W)

    base = sid * (_N // 16)

    def _start_fetch(k, slot):
        r0 = base + k * _CHUNK
        pltpu.async_copy(labels_hbm.at[pl.ds(r0, _CHUNK)], idx2.at[slot],
                         sems.at[slot])
        pltpu.async_copy(preds_hbm.at[pl.ds(r0, _CHUNK), pl.ds(col0, _W)],
                         buf2.at[slot], sems.at[slot])

    def _wait_fetch(slot):
        pltpu.make_async_copy(labels_hbm.at[pl.ds(0, _CHUNK)], idx2.at[slot],
                              sems.at[slot]).wait()
        pltpu.make_async_copy(preds_hbm.at[pl.ds(0, _CHUNK), pl.ds(0, _W)],
                              buf2.at[slot], sems.at[slot]).wait()

    for k in range(_NSLOT):
        _start_fetch(k, k)

    def _zrow(r, _):
        def _zc(c, _):
            z8[r, pl.ds(c * 16, 16)] = _zero16()
            return 0
        return lax.fori_loop(0, _W // 16, _zc, 0)
    lax.fori_loop(0, 8, _zrow, 0)

    def _obuf(i, _):
        ones_v[pl.ds(i * 16, 16)] = _zero16() + 1.0
        return 0
    lax.fori_loop(0, _CHUNK // 16, _obuf, 0)

    def _zunit(j, _):
        u = sid + j * 16

        @pl.when(u < _UNITS)
        def _():
            pltpu.sync_copy(z8, acc_sp.at[pl.ds(u * 8, 8)])
        return 0
    lax.fori_loop(0, (_UNITS + 15) // 16, _zunit, 0)

    @pl.when(sid < 8)
    def _():
        pltpu.sync_copy(z8.at[0, pl.ds(0, 128)],
                        cnt_sp.at[pl.ds(sid * 128, 128)])

    plsc.subcore_barrier()

    is0 = cid == 0
    for k in range(_NCHUNK):
        slot = k % _NSLOT
        _wait_fetch(slot)
        pltpu.sync_copy(buf2.at[slot], acc_sp.at[idx2.at[slot]], add=True)

        @pl.when(is0)
        def _():
            pltpu.sync_copy(ones_v, cnt_sp.at[idx2.at[slot]], add=True)
        if k + _NSLOT < _NCHUNK:
            _start_fetch(k + _NSLOT, slot)

    plsc.subcore_barrier()

    def _wunit(j, _):
        u = sid + j * 16

        @pl.when(u < _UNITS)
        def _():
            pltpu.sync_copy(acc_sp.at[pl.ds(u * 8, 8)],
                            sums_hbm.at[pl.ds(u * 8, 8), pl.ds(col0, _W)])
        return 0
    lax.fori_loop(0, (_UNITS + 15) // 16, _wunit, 0)

    @pl.when(jnp.logical_and(cid == 0, sid < 8))
    def _():
        pltpu.sync_copy(cnt_sp.at[pl.ds(sid * 128, 128)],
                        cnt_hbm.at[pl.ds(sid * 128, 128)])


@functools.partial(
    pl.kernel,
    out_type=(
        jax.ShapeDtypeStruct((_C, _C), jnp.float32),
        jax.ShapeDtypeStruct((1024,), jnp.float32),
    ),
    mesh=plsc.VectorSubcoreMesh(core_axis_name="c", subcore_axis_name="s"),
    compiler_params=pltpu.CompilerParams(
        use_tc_tiling_on_sc=False, needs_layout_passes=False),
    scratch_types=[
        pltpu.VMEM((_NSLOT, _CHUNK, _W), jnp.float32),
        pltpu.VMEM((_NSLOT, _CHUNK), jnp.int32),
        pltpu.VMEM((_CHUNK,), jnp.float32),
        pltpu.VMEM((8, _W), jnp.float32),
        pltpu.SemaphoreType.DMA((_NSLOT,)),
        pltpu.VMEM_SHARED((_C, _W), jnp.float32),
        pltpu.VMEM_SHARED((1024,), jnp.float32),
    ],
)
def _segment_sums(preds_hbm, labels_hbm, sums_hbm, cnt_hbm, *scratch):
    _body(preds_hbm, labels_hbm, sums_hbm, cnt_hbm, *scratch)


_BLK = 200


def _ema_body(s_ref, c_ref, vp_ref, out_ref):
    s = s_ref[...]
    cnt = c_ref[...]
    has = cnt > 0.0
    a = jnp.where(has, (1.0 - _GAMMA) / jnp.where(has, cnt, 1.0), 0.0)
    b = jnp.where(has, jnp.float32(_GAMMA), 1.0)
    out_ref[...] = s * a + vp_ref[...] * b


_ema = pl.pallas_call(
    _ema_body,
    grid=(_C // _BLK,),
    in_specs=[
        pl.BlockSpec((_BLK, _C), lambda i: (i, 0)),
        pl.BlockSpec((_BLK, 1), lambda i: (i, 0)),
        pl.BlockSpec((_BLK, _C), lambda i: (i, 0)),
    ],
    out_specs=pl.BlockSpec((_BLK, _C), lambda i: (i, 0)),
    out_shape=jax.ShapeDtypeStruct((_C, _C), jnp.float32),
)


def kernel(preds, labels, val_preds):
    sums, cnt = _segment_sums(preds, labels)
    return _ema(sums, cnt[:_C, None], val_preds)

# --- scband reference (transcript-rebuilt; emitter-appended) ---
"""Pipeline reference for scband-val-scores-17016660426754 (READ-ONLY COPY).

The authoritative reference and input builder live on the scoring server;
editing this copy changes nothing except your own understanding.
"""

import jax, jax.numpy as jnp
import numpy as np

NUM_CLASSES = 1000
GAMMA = 0.9


def setup_inputs(seed: int = 0) -> dict:
    key = jax.random.key(seed)
    k1, k2 = jax.random.split(key)
    preds = jax.random.normal(k1, (16384, NUM_CLASSES), dtype=jnp.float32)
    labels = jax.random.randint(k2, (16384,), 0, NUM_CLASSES, dtype=jnp.int32)
    # persistent memory buffer (the module's self.val_preds); zero-initialized as in __init__
    val_preds = jnp.zeros((NUM_CLASSES, NUM_CLASSES), dtype=jnp.float32)
    return {"preds": preds, "labels": labels, "val_preds": val_preds}


def reference(preds, labels, val_preds):
    # Faithful vectorized translation of ValScores.update:
    #   for each class c present in labels:
    #     val_preds[c] = (1-gamma) * mean(preds[labels==c]) + gamma * val_preds[c]
    #   classes with no instances are left unchanged.
    C = val_preds.shape[0]
    ones = jnp.ones((preds.shape[0],), dtype=preds.dtype)
    counts = jax.ops.segment_sum(ones, labels, num_segments=C)          # [C]
    sums = jax.ops.segment_sum(preds, labels, num_segments=C)          # [C, C]
    safe_counts = jnp.where(counts > 0, counts, jnp.ones_like(counts))
    class_means = sums / safe_counts[:, None]                           # [C, C]
    updated = (1.0 - GAMMA) * class_means + GAMMA * val_preds
    has_instances = (counts > 0)[:, None]
    new_val_preds = jnp.where(has_instances, updated, val_preds)        # scatter-overwrite of rows
    return new_val_preds

if __name__ == "__main__":
    import jax
    _d = setup_inputs()
    print(jax.jit(kernel)(*tuple(_d.values())))

</pallas_src>

<mosaic_0001>
#map = affine_map<(d0, d1) -> (0, 0)>
#map1 = affine_map<(d0, d1) -> (0)>
module attributes {stable_mosaic.version = 14 : i64} {
  func.func @_segment_sums(%arg0: i32, %arg1: i32, %arg2: memref<16384x1000xf32, #tpu.memory_space<hbm>>, %arg3: memref<16384xi32, #tpu.memory_space<hbm>>, %arg4: memref<1000x1000xf32, #tpu.memory_space<hbm>>, %arg5: memref<1024xf32, #tpu.memory_space<hbm>>, %arg6: memref<2x64x512xf32, #tpu.memory_space<vmem>>, %arg7: memref<2x64xi32, #tpu.memory_space<vmem>>, %arg8: memref<64xf32, #tpu.memory_space<vmem>>, %arg9: memref<8x512xf32, #tpu.memory_space<vmem>>, %arg10: memref<2x!tpu.dma_semaphore, #tpu.memory_space<semaphore_mem>>, %arg11: memref<1000x512xf32, #tpu.memory_space<vmem_shared>>, %arg12: memref<1024xf32, #tpu.memory_space<vmem_shared>>) attributes {dimension_semantics = [#tpu.dimension_semantics<core_parallel>, #tpu.dimension_semantics<subcore_parallel>], iteration_bounds = array<i64: 2, 16>, scalar_prefetch = 0 : i64, scratch_operands = 7 : i64, tpu.core_type = #tpu.core_type<sc_vector_subcore>, window_params = [{transform_indices = #map}, {transform_indices = #map1}, {transform_indices = #map}, {transform_indices = #map1}]} {
    %mul3A = arith.constant 488 : i32
    %mul3A_0 = arith.muli %arg0, %mul3A : i32
    %mul3A_1 = arith.constant 1024 : i32
    %mul3A_2 = arith.muli %arg1, %mul3A_1 : i32
    %add3A = arith.constant 0 : i32
    %add3A_3 = arith.addi %mul3A_2, %add3A : i32
    %dma_start3A = arith.constant 0 : i32
    %dma_start3A_4 = arith.constant 0 : i32
    %dma_start3A_5 = arith.constant 0 : i32
    %dma_start3A_6 = tpu.memref_slice %arg7[%dma_start3A, %dma_start3A_5] : memref<2x64xi32, #tpu.memory_space<vmem>> -> memref<1x64xi32, #tpu.memory_space<vmem>>
    %dma_start3A_7 = tpu.memref_squeeze %dma_start3A_6 : memref<1x64xi32, #tpu.memory_space<vmem>> -> memref<64xi32, #tpu.memory_space<vmem>>
    %dma_start3A_8 = tpu.memref_slice %arg3[%add3A_3] : memref<16384xi32, #tpu.memory_space<hbm>> -> memref<64xi32, #tpu.memory_space<hbm>>
    %dma_start3A_9 = tpu.memref_slice %arg10[%dma_start3A_4] : memref<2x!tpu.dma_semaphore, #tpu.memory_space<semaphore_mem>> -> memref<1x!tpu.dma_semaphore, #tpu.memory_space<semaphore_mem>>
    %dma_start3A_10 = tpu.memref_squeeze %dma_start3A_9 : memref<1x!tpu.dma_semaphore, #tpu.memory_space<semaphore_mem>> -> memref<!tpu.dma_semaphore, #tpu.memory_space<semaphore_mem>>
    %dma_start3A_11 = arith.constant 0 : i32
    %dma_start3A_12 = tpu.memref_slice %arg7[%dma_start3A, %dma_start3A_11] : memref<2x64xi32, #tpu.memory_space<vmem>> -> memref<1x64xi32, #tpu.memory_space<vmem>>
    %dma_start3A_13 = tpu.memref_squeeze %dma_start3A_12 : memref<1x64xi32, #tpu.memory_space<vmem>> -> memref<64xi32, #tpu.memory_space<vmem>>
    %dma_start3A_14 = tpu.memref_slice %arg3[%add3A_3] : memref<16384xi32, #tpu.memory_space<hbm>> -> memref<64xi32, #tpu.memory_space<hbm>>
    tpu.enqueue_dma source(%dma_start3A_14 : memref<64xi32, #tpu.memory_space<hbm>>) target(%dma_start3A_13 : memref<64xi32, #tpu.memory_space<vmem>>) target_semaphore(%dma_start3A_10 : memref<!tpu.dma_semaphore, #tpu.memory_space<semaphore_mem>>)
    %dma_start3A_15 = arith.constant 0 : i32
    %dma_start3A_16 = arith.constant 0 : i32
    %dma_start3A_17 = arith.constant 0 : i32
    %dma_start3A_18 = arith.constant 0 : i32
    %dma_start3A_19 = tpu.memref_slice %arg6[%dma_start3A_15, %dma_start3A_17, %dma_start3A_18] : memref<2x64x512xf32, #tpu.memory_space<vmem>> -> memref<1x64x512xf32, #tpu.memory_space<vmem>>
    %dma_start3A_20 = tpu.memref_squeeze %dma_start3A_19 : memref<1x64x512xf32, #tpu.memory_space<vmem>> -> memref<64x512xf32, #tpu.memory_space<vmem>>
    %dma_start3A_21 = tpu.memref_slice %arg2[%add3A_3, %mul3A_0] : memref<16384x1000xf32, #tpu.memory_space<hbm>> -> memref<64x512xf32, #tpu.memory_space<hbm>>
    %dma_start3A_22 = tpu.memref_slice %arg10[%dma_start3A_16] : memref<2x!tpu.dma_semaphore, #tpu.memory_space<semaphore_mem>> -> memref<1x!tpu.dma_semaphore, #tpu.memory_space<semaphore_mem>>
    %dma_start3A_23 = tpu.memref_squeeze %dma_start3A_22 : memref<1x!tpu.dma_semaphore, #tpu.memory_space<semaphore_mem>> -> memref<!tpu.dma_semaphore, #tpu.memory_space<semaphore_mem>>
    %dma_start3A_24 = arith.constant 0 : i32
    %dma_start3A_25 = arith.constant 0 : i32
    %dma_start3A_26 = tpu.memref_slice %arg6[%dma_start3A_15, %dma_start3A_24, %dma_start3A_25] : memref<2x64x512xf32, #tpu.memory_space<vmem>> -> memref<1x64x512xf32, #tpu.memory_space<vmem>>
    %dma_start3A_27 = tpu.memref_squeeze %dma_start3A_26 : memref<1x64x512xf32, #tpu.memory_space<vmem>> -> memref<64x512xf32, #tpu.memory_space<vmem>>
    %dma_start3A_28 = tpu.memref_slice %arg2[%add3A_3, %mul3A_0] : memref<16384x1000xf32, #tpu.memory_space<hbm>> -> memref<64x512xf32, #tpu.memory_space<hbm>>
    tpu.enqueue_dma source(%dma_start3A_28 : memref<64x512xf32, #tpu.memory_space<hbm>>) target(%dma_start3A_27 : memref<64x512xf32, #tpu.memory_space<vmem>>) target_semaphore(%dma_start3A_23 : memref<!tpu.dma_semaphore, #tpu.memory_space<semaphore_mem>>)
    %add3A_29 = arith.constant 64 : i32
    %add3A_30 = arith.addi %mul3A_2, %add3A_29 : i32
    %dma_start3A_31 = arith.constant 1 : i32
    %dma_start3A_32 = arith.constant 1 : i32
    %dma_start3A_33 = arith.constant 0 : i32
    %dma_start3A_34 = tpu.memref_slice %arg7[%dma_start3A_31, %dma_start3A_33] : memref<2x64xi32, #tpu.memory_space<vmem>> -> memref<1x64xi32, #tpu.memory_space<vmem>>
    %dma_start3A_35 = tpu.memref_squeeze %dma_start3A_34 : memref<1x64xi32, #tpu.memory_space<vmem>> -> memref<64xi32, #tpu.memory_space<vmem>>
    %dma_start3A_36 = tpu.memref_slice %arg3[%add3A_30] : memref<16384xi32, #tpu.memory_space<hbm>> -> memref<64xi32, #tpu.memory_space<hbm>>
    %dma_start3A_37 = tpu.memref_slice %arg10[%dma_start3A_32] : memref<2x!tpu.dma_semaphore, #tpu.memory_space<semaphore_mem>> -> memref<1x!tpu.dma_semaphore, #tpu.memory_space<semaphore_mem>>
    %dma_start3A_38 = tpu.memref_squeeze %dma_start3A_37 : memref<1x!tpu.dma_semaphore, #tpu.memory_space<semaphore_mem>> -> memref<!tpu.dma_semaphore, #tpu.memory_space<semaphore_mem>>
    %dma_start3A_39 = arith.constant 0 : i32
    %dma_start3A_40 = tpu.memref_slice %arg7[%dma_start3A_31, %dma_start3A_39] : memref<2x64xi32, #tpu.memory_space<vmem>> -> memref<1x64xi32, #tpu.memory_space<vmem>>
    %dma_start3A_41 = tpu.memref_squeeze %dma_start3A_40 : memref<1x64xi32, #tpu.memory_space<vmem>> -> memref<64xi32, #tpu.memory_space<vmem>>
    %dma_start3A_42 = tpu.memref_slice %arg3[%add3A_30] : memref<16384xi32, #tpu.memory_space<hbm>> -> memref<64xi32, #tpu.memory_space<hbm>>
    tpu.enqueue_dma source(%dma_start3A_42 : memref<64xi32, #tpu.memory_space<hbm>>) target(%dma_start3A_41 : memref<64xi32, #tpu.memory_space<vmem>>) target_semaphore(%dma_start3A_38 : memref<!tpu.dma_semaphore, #tpu.memory_space<semaphore_mem>>)
    %dma_start3A_43 = arith.constant 1 : i32
    %dma_start3A_44 = arith.constant 1 : i32
    %dma_start3A_45 = arith.constant 0 : i32
    %dma_start3A_46 = arith.constant 0 : i32
    %dma_start3A_47 = tpu.memref_slice %arg6[%dma_start3A_43, %dma_start3A_45, %dma_start3A_46] : memref<2x64x512xf32, #tpu.memory_space<vmem>> -> memref<1x64x512xf32, #tpu.memory_space<vmem>>
    %dma_start3A_48 = tpu.memref_squeeze %dma_start3A_47 : memref<1x64x512xf32, #tpu.memory_space<vmem>> -> memref<64x512xf32, #tpu.memory_space<vmem>>
    %dma_start3A_49 = tpu.memref_slice %arg2[%add3A_30, %mul3A_0] : memref<16384x1000xf32, #tpu.memory_space<hbm>> -> memref<64x512xf32, #tpu.memory_space<hbm>>
    %dma_start3A_50 = tpu.memref_slice %arg10[%dma_start3A_44] : memref<2x!tpu.dma_semaphore, #tpu.memory_space<semaphore_mem>> -> memref<1x!tpu.dma_semaphore, #tpu.memory_space<semaphore_mem>>
    %dma_start3A_51 = tpu.memref_squeeze %dma_start3A_50 : memref<1x!tpu.dma_semaphore, #tpu.memory_space<semaphore_mem>> -> memref<!tpu.dma_semaphore, #tpu.memory_space<semaphore_mem>>
    %dma_start3A_52 = arith.constant 0 : i32
    %dma_start3A_53 = arith.constant 0 : i32
    %dma_start3A_54 = tpu.memref_slice %arg6[%dma_start3A_43, %dma_start3A_52, %dma_start3A_53] : memref<2x64x512xf32, #tpu.memory_space<vmem>> -> memref<1x64x512xf32, #tpu.memory_space<vmem>>
    %dma_start3A_55 = tpu.memref_squeeze %dma_start3A_54 : memref<1x64x512xf32, #tpu.memory_space<vmem>> -> memref<64x512xf32, #tpu.memory_space<vmem>>
    %dma_start3A_56 = tpu.memref_slice %arg2[%add3A_30, %mul3A_0] : memref<16384x1000xf32, #tpu.memory_space<hbm>> -> memref<64x512xf32, #tpu.memory_space<hbm>>
    tpu.enqueue_dma source(%dma_start3A_56 : memref<64x512xf32, #tpu.memory_space<hbm>>) target(%dma_start3A_55 : memref<64x512xf32, #tpu.memory_space<vmem>>) target_semaphore(%dma_start3A_51 : memref<!tpu.dma_semaphore, #tpu.memory_space<semaphore_mem>>)
    %scan3A = arith.constant 0 : i32
    %scan3A_57 = arith.constant 0 : i32
    %scan3A_58 = arith.constant 8 : i32
    %scan3A_59 = arith.addi %scan3A_57, %scan3A_58 : i32
    %scan3A_60 = arith.constant 1 : i32
    %scan3A_61 = scf.for %scan3A_1077 = %scan3A_57 to %scan3A_59 step %scan3A_60 iter_args(%scan3A_1078 = %scan3A) -> (i32)  : i32 {
      %scan3A_1079 = arith.constant 0 : i32
      %scan3A_1080 = arith.constant 0 : i32
      %scan3A_1081 = arith.constant 32 : i32
      %scan3A_1082 = arith.addi %scan3A_1080, %scan3A_1081 : i32
      %scan3A_1083 = arith.constant 1 : i32
      %scan3A_1084 = scf.for %scan3A_1086 = %scan3A_1080 to %scan3A_1082 step %scan3A_1083 iter_args(%scan3A_1087 = %scan3A_1079) -> (i32)  : i32 {
        %broadcast_in_dim3A = arith.constant 0.000000e+00 : f32
        %broadcast_in_dim3A_1088 = vector.broadcast %broadcast_in_dim3A : f32 to vector<16xf32>
        %mul3A_1089 = arith.constant 16 : i32
        %mul3A_1090 = arith.muli %scan3A_1086, %mul3A_1089 : i32
        %swap3A = arith.index_cast %scan3A_1077 : i32 to index
        %swap3A_1091 = arith.index_cast %mul3A_1090 : i32 to index
        %swap3A_1092 = tpu.vector_load %arg9[%swap3A, %swap3A_1091] {strides = array<i32>} : memref<8x512xf32, #tpu.memory_space<vmem>>, vector<16xf32>,
        tpu.vector_store %arg9[%swap3A, %swap3A_1091], %broadcast_in_dim3A_1088 {strides = array<i32>} : memref<8x512xf32, #tpu.memory_space<vmem>>, vector<16xf32>,
        %scan3A_1093 = arith.constant 0 : i32
        scf.yield %scan3A_1093 : i32
      }
      %scan3A_1085 = arith.constant 32 : i32
      scf.yield %scan3A_1084 : i32
    }
    %scan3A_62 = arith.constant 8 : i32
    %scan3A_63 = arith.constant 0 : i32
    %scan3A_64 = arith.constant 0 : i32
    %scan3A_65 = arith.constant 4 : i32
    %scan3A_66 = arith.addi %scan3A_64, %scan3A_65 : i32
    %scan3A_67 = arith.constant 1 : i32
    %scan3A_68 = scf.for %scan3A_1077 = %scan3A_64 to %scan3A_66 step %scan3A_67 iter_args(%scan3A_1078 = %scan3A_63) -> (i32)  : i32 {
      %broadcast_in_dim3A = arith.constant 0.000000e+00 : f32
      %broadcast_in_dim3A_1079 = vector.broadcast %broadcast_in_dim3A : f32 to vector<16xf32>
      %add3A_1080 = arith.constant 1.000000e+00 : f32
      %add3A_1081 = vector.broadcast %add3A_1080 : f32 to vector<16xf32>
      %add3A_1082 = arith.addf %broadcast_in_dim3A_1079, %add3A_1081 : vector<16xf32>
      %mul3A_1083 = arith.constant 16 : i32
      %mul3A_1084 = arith.muli %scan3A_1077, %mul3A_1083 : i32
      %swap3A = arith.index_cast %mul3A_1084 : i32 to index
      %swap3A_1085 = tpu.vector_load %arg8[%swap3A] {strides = array<i32>} : memref<64xf32, #tpu.memory_space<vmem>>, vector<16xf32>,
      tpu.vector_store %arg8[%swap3A], %add3A_1082 {strides = array<i32>} : memref<64xf32, #tpu.memory_space<vmem>>, vector<16xf32>,
      %scan3A_1086 = arith.constant 0 : i32
      scf.yield %scan3A_1086 : i32
    }
    %scan3A_69 = arith.constant 4 : i32
    %scan3A_70 = arith.constant 0 : i32
    %scan3A_71 = arith.constant 0 : i32
    %scan3A_72 = arith.constant 8 : i32
    %scan3A_73 = arith.addi %scan3A_71, %scan3A_72 : i32
    %scan3A_74 = arith.constant 1 : i32
    %scan3A_75 = scf.for %scan3A_1077 = %scan3A_71 to %scan3A_73 step %scan3A_74 iter_args(%scan3A_1078 = %scan3A_70) -> (i32)  : i32 {
      %mul3A_1079 = arith.constant 16 : i32
      %mul3A_1080 = arith.muli %scan3A_1077, %mul3A_1079 : i32
      %add3A_1081 = arith.addi %arg1, %mul3A_1080 : i32
      %lt3A_1082 = arith.constant 125 : i32
      %lt3A_1083 = arith.cmpi slt, %add3A_1081, %lt3A_1082 : i32
      %convert_element_type3A_1084 = arith.extui %lt3A_1083 : i1 to i32
      %cond3A_1085 = arith.constant 0 : i32
      %cond3A_1086 = arith.cmpi ne, %convert_element_type3A_1084, %cond3A_1085 : i32
      scf.if %cond3A_1086 {
        %mul3A_1088 = arith.constant 8 : i32
        %mul3A_1089 = arith.muli %add3A_1081, %mul3A_1088 : i32
        "tpu.region"() ({
          %run_scoped3A_1090 = tpu.sem_alloc : memref<!tpu.dma_semaphore, #tpu.memory_space<semaphore_mem>>
          %dma_start3A_1091 = arith.constant 0 : i32
          %dma_start3A_1092 = tpu.memref_slice %arg11[%mul3A_1089, %dma_start3A_1091] : memref<1000x512xf32, #tpu.memory_space<vmem_shared>> -> memref<8x512xf32, #tpu.memory_space<vmem_shared>>
          %dma_start3A_1093 = arith.constant 0 : i32
          %dma_start3A_1094 = tpu.memref_slice %arg11[%mul3A_1089, %dma_start3A_1093] : memref<1000x512xf32, #tpu.memory_space<vmem_shared>> -> memref<8x512xf32, #tpu.memory_space<vmem_shared>>
          tpu.enqueue_dma source(%arg9 : memref<8x512xf32, #tpu.memory_space<vmem>>) target(%dma_start3A_1094 : memref<8x512xf32, #tpu.memory_space<vmem_shared>>) target_semaphore(%run_scoped3A_1090 : memref<!tpu.dma_semaphore, #tpu.memory_space<semaphore_mem>>)
          %dma_wait3A_1095 = arith.constant 0 : i32
          %dma_wait3A_1096 = tpu.memref_slice %arg11[%mul3A_1089, %dma_wait3A_1095] : memref<1000x512xf32, #tpu.memory_space<vmem_shared>> -> memref<8x512xf32, #tpu.memory_space<vmem_shared>>
          %dma_wait3A_1097 = arith.constant 0 : i32
          %dma_wait3A_1098 = tpu.memref_slice %arg11[%mul3A_1089, %dma_wait3A_1097] : memref<1000x512xf32, #tpu.memory_space<vmem_shared>> -> memref<8x512xf32, #tpu.memory_space<vmem_shared>>
          tpu.wait_dma2 semaphore(%run_scoped3A_1090 : memref<!tpu.dma_semaphore, #tpu.memory_space<semaphore_mem>>) src(%arg9 : memref<8x512xf32, #tpu.memory_space<vmem>>) dst(%dma_wait3A_1098 : memref<8x512xf32, #tpu.memory_space<vmem_shared>>)
          tpu.yield
        }) : () -> ()
      } else {
      }
      %scan3A_1087 = arith.constant 0 : i32
      scf.yield %scan3A_1087 : i32
    }
    %scan3A_76 = arith.constant 8 : i32
    %lt3A = arith.constant 8 : i32
    %lt3A_77 = arith.cmpi slt, %arg1, %lt3A : i32
    %convert_element_type3A = arith.extui %lt3A_77 : i1 to i32
    %cond3A = arith.constant 0 : i32
    %cond3A_78 = arith.cmpi ne, %convert_element_type3A, %cond3A : i32
    scf.if %cond3A_78 {
      %mul3A_1077 = arith.constant 128 : i32
      %mul3A_1078 = arith.muli %arg1, %mul3A_1077 : i32
      %run_scoped3A_1079 = arith.constant 0 : i32
      "tpu.region"() ({
        %run_scoped3A_1080 = tpu.sem_alloc : memref<!tpu.dma_semaphore, #tpu.memory_space<semaphore_mem>>
        %dma_start3A_1081 = arith.constant 0 : i32
        %dma_start3A_1082 = tpu.memref_slice %arg9[%run_scoped3A_1079, %dma_start3A_1081] : memref<8x512xf32, #tpu.memory_space<vmem>> -> memref<1x128xf32, #tpu.memory_space<vmem>>
        %dma_start3A_1083 = tpu.memref_squeeze %dma_start3A_1082 : memref<1x128xf32, #tpu.memory_space<vmem>> -> memref<128xf32, #tpu.memory_space<vmem>>
        %dma_start3A_1084 = tpu.memref_slice %arg12[%mul3A_1078] : memref<1024xf32, #tpu.memory_space<vmem_shared>> -> memref<128xf32, #tpu.memory_space<vmem_shared>>
        %dma_start3A_1085 = tpu.memref_slice %arg12[%mul3A_1078] : memref<1024xf32, #tpu.memory_space<vmem_shared>> -> memref<128xf32, #tpu.memory_space<vmem_shared>>
        %dma_start3A_1086 = arith.constant 0 : i32
        %dma_start3A_1087 = tpu.memref_slice %arg9[%run_scoped3A_1079, %dma_start3A_1086] : memref<8x512xf32, #tpu.memory_space<vmem>> -> memref<1x128xf32, #tpu.memory_space<vmem>>
        %dma_start3A_1088 = tpu.memref_squeeze %dma_start3A_1087 : memref<1x128xf32, #tpu.memory_space<vmem>> -> memref<128xf32, #tpu.memory_space<vmem>>
        tpu.enqueue_dma source(%dma_start3A_1088 : memref<128xf32, #tpu.memory_space<vmem>>) target(%dma_start3A_1085 : memref<128xf32, #tpu.memory_space<vmem_shared>>) target_semaphore(%run_scoped3A_1080 : memref<!tpu.dma_semaphore, #tpu.memory_space<semaphore_mem>>)
        %dma_wait3A_1089 = arith.constant 0 : i32
        %dma_wait3A_1090 = tpu.memref_slice %arg9[%run_scoped3A_1079, %dma_wait3A_1089] : memref<8x512xf32, #tpu.memory_space<vmem>> -> memref<1x128xf32, #tpu.memory_space<vmem>>
        %dma_wait3A_1091 = tpu.memref_squeeze %dma_wait3A_1090 : memref<1x128xf32, #tpu.memory_space<vmem>> -> memref<128xf32, #tpu.memory_space<vmem>>
        %dma_wait3A_1092 = tpu.memref_slice %arg12[%mul3A_1078] : memref<1024xf32, #tpu.memory_space<vmem_shared>> -> memref<128xf32, #tpu.memory_space<vmem_shared>>
        %dma_wait3A_1093 = tpu.memref_slice %arg12[%mul3A_1078] : memref<1024xf32, #tpu.memory_space<vmem_shared>> -> memref<128xf32, #tpu.memory_space<vmem_shared>>
        %dma_wait3A_1094 = arith.constant 0 : i32
        %dma_wait3A_1095 = tpu.memref_slice %arg9[%run_scoped3A_1079, %dma_wait3A_1094] : memref<8x512xf32, #tpu.memory_space<vmem>> -> memref<1x128xf32, #tpu.memory_space<vmem>>
        %dma_wait3A_1096 = tpu.memref_squeeze %dma_wait3A_1095 : memref<1x128xf32, #tpu.memory_space<vmem>> -> memref<128xf32, #tpu.memory_space<vmem>>
        tpu.wait_dma2 semaphore(%run_scoped3A_1080 : memref<!tpu.dma_semaphore, #tpu.memory_space<semaphore_mem>>) src(%dma_wait3A_1096 : memref<128xf32, #tpu.memory_space<vmem>>) dst(%dma_wait3A_1093 : memref<128xf32, #tpu.memory_space<vmem_shared>>)
        tpu.yield
      }) : () -> ()
    } else {
    }
    %barrier3A = arith.constant 0 : index
    tpu.barrier barrier_id(%barrier3A)
    %eq3A = arith.constant 0 : i32
    %eq3A_79 = arith.cmpi eq, %arg0, %eq3A : i32
    %dma_wait3A = arith.constant 0 : i32
    %dma_wait3A_80 = arith.constant 0 : i32
    %dma_wait3A_81 = arith.constant 0 : i32
    %dma_wait3A_82 = tpu.memref_slice %arg7[%dma_wait3A, %dma_wait3A_81] : memref<2x64xi32, #tpu.memory_space<vmem>> -> memref<1x64xi32, #tpu.memory_space<vmem>>
    %dma_wait3A_83 = tpu.memref_squeeze %dma_wait3A_82 : memref<1x64xi32, #tpu.memory_space<vmem>> -> memref<64xi32, #tpu.memory_space<vmem>>
    %dma_wait3A_84 = arith.constant 0 : i32
    %dma_wait3A_85 = tpu.memref_slice %arg3[%dma_wait3A_84] : memref<16384xi32, #tpu.memory_space<hbm>> -> memref<64xi32, #tpu.memory_space<hbm>>
    %dma_wait3A_86 = tpu.memref_slice %arg10[%dma_wait3A_80] : memref<2x!tpu.dma_semaphore, #tpu.memory_space<semaphore_mem>> -> memref<1x!tpu.dma_semaphore, #tpu.memory_space<semaphore_mem>>
    %dma_wait3A_87 = tpu.memref_squeeze %dma_wait3A_86 : memref<1x!tpu.dma_semaphore, #tpu.memory_space<semaphore_mem>> -> memref<!tpu.dma_semaphore, #tpu.memory_space<semaphore_mem>>
    %dma_wait3A_88 = arith.constant 0 : i32
    %dma_wait3A_89 = tpu.memref_slice %arg7[%dma_wait3A, %dma_wait3A_88] : memref<2x64xi32, #tpu.memory_space<vmem>> -> memref<1x64xi32, #tpu.memory_space<vmem>>
    %dma_wait3A_90 = tpu.memref_squeeze %dma_wait3A_89 : memref<1x64xi32, #tpu.memory_space<vmem>> -> memref<64xi32, #tpu.memory_space<vmem>>
    %dma_wait3A_91 = arith.constant 0 : i32
    %dma_wait3A_92 = tpu.memref_slice %arg3[%dma_wait3A_91] : memref<16384xi32, #tpu.memory_space<hbm>> -> memref<64xi32, #tpu.memory_space<hbm>>
    tpu.wait_dma2 semaphore(%dma_wait3A_87 : memref<!tpu.dma_semaphore, #tpu.memory_space<semaphore_mem>>) src(%dma_wait3A_92 : memref<64xi32, #tpu.memory_space<hbm>>) dst(%dma_wait3A_90 : memref<64xi32, #tpu.memory_space<vmem>>)
    %dma_wait3A_93 = arith.constant 0 : i32
    %dma_wait3A_94 = arith.constant 0 : i32
    %dma_wait3A_95 = arith.constant 0 : i32
    %dma_wait3A_96 = arith.constant 0 : i32
    %dma_wait3A_97 = tpu.memref_slice %arg6[%dma_wait3A_93, %dma_wait3A_95, %dma_wait3A_96] : memref<2x64x512xf32, #tpu.memory_space<vmem>> -> memref<1x64x512xf32, #tpu.memory_space<vmem>>
    %dma_wait3A_98 = tpu.memref_squeeze %dma_wait3A_97 : memref<1x64x512xf32, #tpu.memory_space<vmem>> -> memref<64x512xf32, #tpu.memory_space<vmem>>
    %dma_wait3A_99 = arith.constant 0 : i32
    %dma_wait3A_100 = arith.constant 0 : i32
    %dma_wait3A_101 = tpu.memref_slice %arg2[%dma_wait3A_99, %dma_wait3A_100] : memref<16384x1000xf32, #tpu.memory_space<hbm>> -> memref<64x512xf32, #tpu.memory_space<hbm>>
    %dma_wait3A_102 = tpu.memref_slice %arg10[%dma_wait3A_94] : memref<2x!tpu.dma_semaphore, #tpu.memory_space<semaphore_mem>> -> memref<1x!tpu.dma_semaphore, #tpu.memory_space<semaphore_mem>>
    %dma_wait3A_103 = tpu.memref_squeeze %dma_wait3A_102 : memref<1x!tpu.dma_semaphore, #tpu.memory_space<semaphore_mem>> -> memref<!tpu.dma_semaphore, #tpu.memory_space<semaphore_mem>>
    %dma_wait3A_104 = arith.constant 0 : i32
    %dma_wait3A_105 = arith.constant 0 : i32
    %dma_wait3A_106 = tpu.memref_slice %arg6[%dma_wait3A_93, %dma_wait3A_104, %dma_wait3A_105] : memref<2x64x512xf32, #tpu.memory_space<vmem>> -> memref<1x64x512xf32, #tpu.memory_space<vmem>>
    %dma_wait3A_107 = tpu.memref_squeeze %dma_wait3A_106 : memref<1x64x512xf32, #tpu.memory_space<vmem>> -> memref<64x512xf32, #tpu.memory_space<vmem>>
    %dma_wait3A_108 = arith.constant 0 : i32
    %dma_wait3A_109 = arith.constant 0 : i32
    %dma_wait3A_110 = tpu.memref_slice %arg2[%dma_wait3A_108, %dma_wait3A_109] : memref<16384x1000xf32, #tpu.memory_space<hbm>> -> memref<64x512xf32, #tpu.memory_space<hbm>>
    tpu.wait_dma2 semaphore(%dma_wait3A_103 : memref<!tpu.dma_semaphore, #tpu.memory_space<semaphore_mem>>) src(%dma_wait3A_110 : memref<64x512xf32, #tpu.memory_space<hbm>>) dst(%dma_wait3A_107 : memref<64x512xf32, #tpu.memory_space<vmem>>)
    %run_scoped3A = arith.constant 0 : i32
    %run_scoped3A_111 = arith.constant 0 : i32
    "tpu.region"() ({
      %run_scoped3A_1077 = tpu.sem_alloc : memref<!tpu.dma_semaphore, #tpu.memory_space<semaphore_mem>>
      %dma_start3A_1078 = arith.constant 0 : i32
      %dma_start3A_1079 = arith.constant 0 : i32
      %dma_start3A_1080 = tpu.memref_slice %arg6[%run_scoped3A, %dma_start3A_1078, %dma_start3A_1079] : memref<2x64x512xf32, #tpu.memory_space<vmem>> -> memref<1x64x512xf32, #tpu.memory_space<vmem>>
      %dma_start3A_1081 = tpu.memref_squeeze %dma_start3A_1080 : memref<1x64x512xf32, #tpu.memory_space<vmem>> -> memref<64x512xf32, #tpu.memory_space<vmem>>
      %dma_start3A_1082 = arith.constant 0 : i32
      %dma_start3A_1083 = tpu.memref_slice %arg7[%run_scoped3A_111, %dma_start3A_1082] : memref<2x64xi32, #tpu.memory_space<vmem>> -> memref<1x64xi32, #tpu.memory_space<vmem>>
      %dma_start3A_1084 = tpu.memref_squeeze %dma_start3A_1083 : memref<1x64xi32, #tpu.memory_space<vmem>> -> memref<64xi32, #tpu.memory_space<vmem>>
      %dma_start3A_1085 = arith.constant 0 : i32
      %dma_start3A_1086 = arith.constant 0 : i32
      %dma_start3A_1087 = tpu.memref_slice %arg11[%dma_start3A_1085, %dma_start3A_1086] : memref<1000x512xf32, #tpu.memory_space<vmem_shared>> -> memref<1000x512xf32, #tpu.memory_space<vmem_shared>>
      tpu.enqueue_indirect_dma source(%dma_start3A_1081 : memref<64x512xf32, #tpu.memory_space<vmem>>) target(%dma_start3A_1087 : memref<1000x512xf32, #tpu.memory_space<vmem_shared>>) offsets(%dma_start3A_1084 : memref<64xi32, #tpu.memory_space<vmem>>) semaphore(%run_scoped3A_1077 : memref<!tpu.dma_semaphore, #tpu.memory_space<semaphore_mem>>) {add = true}
      %dma_wait3A_1088 = arith.constant 0 : i32
      %dma_wait3A_1089 = arith.constant 0 : i32
      %dma_wait3A_1090 = tpu.memref_slice %arg6[%run_scoped3A, %dma_wait3A_1088, %dma_wait3A_1089] : memref<2x64x512xf32, #tpu.memory_space<vmem>> -> memref<1x64x512xf32, #tpu.memory_space<vmem>>
      %dma_wait3A_1091 = tpu.memref_squeeze %dma_wait3A_1090 : memref<1x64x512xf32, #tpu.memory_space<vmem>> -> memref<64x512xf32, #tpu.memory_space<vmem>>
      %dma_wait3A_1092 = arith.constant 0 : i32
      %dma_wait3A_1093 = tpu.memref_slice %arg7[%run_scoped3A_111, %dma_wait3A_1092] : memref<2x64xi32, #tpu.memory_space<vmem>> -> memref<1x64xi32, #tpu.memory_space<vmem>>
      %dma_wait3A_1094 = tpu.memref_squeeze %dma_wait3A_1093 : memref<1x64xi32, #tpu.memory_space<vmem>> -> memref<64xi32, #tpu.memory_space<vmem>>
      %dma_wait3A_1095 = arith.constant 0 : i32
      %dma_wait3A_1096 = arith.constant 0 : i32
      %dma_wait3A_1097 = tpu.memref_slice %arg11[%dma_wait3A_1095, %dma_wait3A_1096] : memref<1000x512xf32, #tpu.memory_space<vmem_shared>> -> memref<1000x512xf32, #tpu.memory_space<vmem_shared>>
      tpu.wait_indirect_dma semaphore(%run_scoped3A_1077 : memref<!tpu.dma_semaphore, #tpu.memory_space<semaphore_mem>>) src(%dma_wait3A_1091 : memref<64x512xf32, #tpu.memory_space<vmem>>) dst(%dma_wait3A_1097 : memref<1000x512xf32, #tpu.memory_space<vmem_shared>>)
      tpu.yield
    }) : () -> ()
    %convert_element_type3A_112 = arith.extui %eq3A_79 : i1 to i32
    %cond3A_113 = arith.constant 0 : i32
    %cond3A_114 = arith.cmpi ne, %convert_element_type3A_112, %cond3A_113 : i32
    scf.if %cond3A_114 {
      %run_scoped3A_1077 = arith.constant 0 : i32
      "tpu.region"() ({
        %run_scoped3A_1078 = tpu.sem_alloc : memref<!tpu.dma_semaphore, #tpu.memory_space<semaphore_mem>>
        %dma_start3A_1079 = arith.constant 0 : i32
        %dma_start3A_1080 = tpu.memref_slice %arg7[%run_scoped3A_1077, %dma_start3A_1079] : memref<2x64xi32, #tpu.memory_space<vmem>> -> memref<1x64xi32, #tpu.memory_space<vmem>>
        %dma_start3A_1081 = tpu.memref_squeeze %dma_start3A_1080 : memref<1x64xi32, #tpu.memory_space<vmem>> -> memref<64xi32, #tpu.memory_space<vmem>>
        %dma_start3A_1082 = arith.constant 0 : i32
        %dma_start3A_1083 = tpu.memref_slice %arg12[%dma_start3A_1082] : memref<1024xf32, #tpu.memory_space<vmem_shared>> -> memref<1024xf32, #tpu.memory_space<vmem_shared>>
        tpu.enqueue_indirect_dma source(%arg8 : memref<64xf32, #tpu.memory_space<vmem>>) target(%dma_start3A_1083 : memref<1024xf32, #tpu.memory_space<vmem_shared>>) offsets(%dma_start3A_1081 : memref<64xi32, #tpu.memory_space<vmem>>) semaphore(%run_scoped3A_1078 : memref<!tpu.dma_semaphore, #tpu.memory_space<semaphore_mem>>) {add = true}
        %dma_wait3A_1084 = arith.constant 0 : i32
        %dma_wait3A_1085 = tpu.memref_slice %arg7[%run_scoped3A_1077, %dma_wait3A_1084] : memref<2x64xi32, #tpu.memory_space<vmem>> -> memref<1x64xi32, #tpu.memory_space<vmem>>
        %dma_wait3A_1086 = tpu.memref_squeeze %dma_wait3A_1085 : memref<1x64xi32, #tpu.memory_space<vmem>> -> memref<64xi32, #tpu.memory_space<vmem>>
        %dma_wait3A_1087 = arith.constant 0 : i32
        %dma_wait3A_1088 = tpu.memref_slice %arg12[%dma_wait3A_1087] : memref<1024xf32, #tpu.memory_space<vmem_shared>> -> memref<1024xf32, #tpu.memory_space<vmem_shared>>
        tpu.wait_indirect_dma semaphore(%run_scoped3A_1078 : memref<!tpu.dma_semaphore, #tpu.memory_space<semaphore_mem>>) src(%arg8 : memref<64xf32, #tpu.memory_space<vmem>>) dst(%dma_wait3A_1088 : memref<1024xf32, #tpu.memory_space<vmem_shared>>)
        tpu.yield
      }) : () -> ()
    } else {
    }
    %add3A_115 = arith.constant 128 : i32
    %add3A_116 = arith.addi %mul3A_2, %add3A_115 : i32
    %dma_start3A_117 = arith.constant 0 : i32
    %dma_start3A_118 = arith.constant 0 : i32
    %dma_start3A_119 = arith.constant 0 : i32
    %dma_start3A_120 = tpu.memref_slice %arg7[%dma_start3A_117, %dma_start3A_119] : memref<2x64xi32, #tpu.memory_space<vmem>> -> memref<1x64xi32, #tpu.memory_space<vmem>>
    %dma_start3A_121 = tpu.memref_squeeze %dma_start3A_120 : memref<1x64xi32, #tpu.memory_space<vmem>> -> memref<64xi32, #tpu.memory_space<vmem>>
    %dma_start3A_122 = tpu.memref_slice %arg3[%add3A_116] : memref<16384xi32, #tpu.memory_space<hbm>> -> memref<64xi32, #tpu.memory_space<hbm>>
    %dma_start3A_123 = tpu.memref_slice %arg10[%dma_start3A_118] : memref<2x!tpu.dma_semaphore, #tpu.memory_space<semaphore_mem>> -> memref<1x!tpu.dma_semaphore, #tpu.memory_space<semaphore_mem>>
    %dma_start3A_124 = tpu.memref_squeeze %dma_start3A_123 : memref<1x!tpu.dma_semaphore, #tpu.memory_space<semaphore_mem>> -> memref<!tpu.dma_semaphore, #tpu.memory_space<semaphore_mem>>
    %dma_start3A_125 = arith.constant 0 : i32
    %dma_start3A_126 = tpu.memref_slice %arg7[%dma_start3A_117, %dma_start3A_125] : memref<2x64xi32, #tpu.memory_space<vmem>> -> memref<1x64xi32, #tpu.memory_space<vmem>>
    %dma_start3A_127 = tpu.memref_squeeze %dma_start3A_126 : memref<1x64xi32, #tpu.memory_space<vmem>> -> memref<64xi32, #tpu.memory_space<vmem>>
    %dma_start3A_128 = tpu.memref_slice %arg3[%add3A_116] : memref<16384xi32, #tpu.memory_space<hbm>> -> memref<64xi32, #tpu.memory_space<hbm>>
    tpu.enqueue_dma source(%dma_start3A_128 : memref<64xi32, #tpu.memory_space<hbm>>) target(%dma_start3A_127 : memref<64xi32, #tpu.memory_space<vmem>>) target_semaphore(%dma_start3A_124 : memref<!tpu.dma_semaphore, #tpu.memory_space<semaphore_mem>>)
    %dma_start3A_129 = arith.constant 0 : i32
    %dma_start3A_130 = arith.constant 0 : i32
    %dma_start3A_131 = arith.constant 0 : i32
    %dma_start3A_132 = arith.constant 0 : i32
    %dma_start3A_133 = tpu.memref_slice %arg6[%dma_start3A_129, %dma_start3A_131, %dma_start3A_132] : memref<2x64x512xf32, #tpu.memory_space<vmem>> -> memref<1x64x512xf32, #tpu.memory_space<vmem>>
    %dma_start3A_134 = tpu.memref_squeeze %dma_start3A_133 : memref<1x64x512xf32, #tpu.memory_space<vmem>> -> memref<64x512xf32, #tpu.memory_space<vmem>>
    %dma_start3A_135 = tpu.memref_slice %arg2[%add3A_116, %mul3A_0] : memref<16384x1000xf32, #tpu.memory_space<hbm>> -> memref<64x512xf32, #tpu.memory_space<hbm>>
    %dma_start3A_136 = tpu.memref_slice %arg10[%dma_start3A_130] : memref<2x!tpu.dma_semaphore, #tpu.memory_space<semaphore_mem>> -> memref<1x!tpu.dma_semaphore, #tpu.memory_space<semaphore_mem>>
    %dma_start3A_137 = tpu.memref_squeeze %dma_start3A_136 : memref<1x!tpu.dma_semaphore, #tpu.memory_space<semaphore_mem>> -> memref<!tpu.dma_semaphore, #tpu.memory_space<semaphore_mem>>
    %dma_start3A_138 = arith.constant 0 : i32
    %dma_start3A_139 = arith.constant 0 : i32
    %dma_start3A_140 = tpu.memref_slice %arg6[%dma_start3A_129, %dma_start3A_138, %dma_start3A_139] : memref<2x64x512xf32, #tpu.memory_space<vmem>> -> memref<1x64x512xf32, #tpu.memory_space<vmem>>
    %dma_start3A_141 = tpu.memref_squeeze %dma_start3A_140 : memref<1x64x512xf32, #tpu.memory_space<vmem>> -> memref<64x512xf32, #tpu.memory_space<vmem>>
    %dma_start3A_142 = tpu.memref_slice %arg2[%add3A_116, %mul3A_0] : memref<16384x1000xf32, #tpu.memory_space<hbm>> -> memref<64x512xf32, #tpu.memory_space<hbm>>
    tpu.enqueue_dma source(%dma_start3A_142 : memref<64x512xf32, #tpu.memory_space<hbm>>) target(%dma_start3A_141 : memref<64x512xf32, #tpu.memory_space<vmem>>) target_semaphore(%dma_start3A_137 : memref<!tpu.dma_semaphore, #tpu.memory_space<semaphore_mem>>)
    %dma_wait3A_143 = arith.constant 1 : i32
    %dma_wait3A_144 = arith.constant 1 : i32
    %dma_wait3A_145 = arith.constant 0 : i32
    %dma_wait3A_146 = tpu.memref_slice %arg7[%dma_wait3A_143, %dma_wait3A_145] : memref<2x64xi32, #tpu.memory_space<vmem>> -> memref<1x64xi32, #tpu.memory_space<vmem>>
    %dma_wait3A_147 = tpu.memref_squeeze %dma_wait3A_146 : memref<1x64xi32, #tpu.memory_space<vmem>> -> memref<64xi32, #tpu.memory_space<vmem>>
    %dma_wait3A_148 = arith.constant 0 : i32
    %dma_wait3A_149 = tpu.memref_slice %arg3[%dma_wait3A_148] : memref<16384xi32, #tpu.memory_space<hbm>> -> memref<64xi32, #tpu.memory_space<hbm>>
    %dma_wait3A_150 = tpu.memref_slice %arg10[%dma_wait3A_144] : memref<2x!tpu.dma_semaphore, #tpu.memory_space<semaphore_mem>> -> memref<1x!tpu.dma_semaphore, #tpu.memory_space<semaphore_mem>>
    %dma_wait3A_151 = tpu.memref_squeeze %dma_wait3A_150 : memref<1x!tpu.dma_semaphore, #tpu.memory_space<semaphore_mem>> -> memref<!tpu.dma_semaphore, #tpu.memory_space<semaphore_mem>>
    %dma_wait3A_152 = arith.constant 0 : i32
    %dma_wait3A_153 = tpu.memref_slice %arg7[%dma_wait3A_143, %dma_wait3A_152] : memref<2x64xi32, #tpu.memory_space<vmem>> -> memref<1x64xi32, #tpu.memory_space<vmem>>
    %dma_wait3A_154 = tpu.memref_squeeze %dma_wait3A_153 : memref<1x64xi32, #tpu.memory_space<vmem>> -> memref<64xi32, #tpu.memory_space<vmem>>
    %dma_wait3A_155 = arith.constant 0 : i32
    %dma_wait3A_156 = tpu.memref_slice %arg3[%dma_wait3A_155] : memref<16384xi32, #tpu.memory_space<hbm>> -> memref<64xi32, #tpu.memory_space<hbm>>
    tpu.wait_dma2 semaphore(%dma_wait3A_151 : memref<!tpu.dma_semaphore, #tpu.memory_space<semaphore_mem>>) src(%dma_wait3A_156 : memref<64xi32, #tpu.memory_space<hbm>>) dst(%dma_wait3A_154 : memref<64xi32, #tpu.memory_space<vmem>>)
    %dma_wait3A_157 = arith.constant 1 : i32
    %dma_wait3A_158 = arith.constant 1 : i32
    %dma_wait3A_159 = arith.constant 0 : i32
    %dma_wait3A_160 = arith.constant 0 : i32
    %dma_wait3A_161 = tpu.memref_slice %arg6[%dma_wait3A_157, %dma_wait3A_159, %dma_wait3A_160] : memref<2x64x512xf32, #tpu.memory_space<vmem>> -> memref<1x64x512xf32, #tpu.memory_space<vmem>>
    %dma_wait3A_162 = tpu.memref_squeeze %dma_wait3A_161 : memref<1x64x512xf32, #tpu.memory_space<vmem>> -> memref<64x512xf32, #tpu.memory_space<vmem>>
    %dma_wait3A_163 = arith.constant 0 : i32
    %dma_wait3A_164 = arith.constant 0 : i32
    %dma_wait3A_165 = tpu.memref_slice %arg2[%dma_wait3A_163, %dma_wait3A_164] : memref<16384x1000xf32, #tpu.memory_space<hbm>> -> memref<64x512xf32, #tpu.memory_space<hbm>>
    %dma_wait3A_166 = tpu.memref_slice %arg10[%dma_wait3A_158] : memref<2x!tpu.dma_semaphore, #tpu.memory_space<semaphore_mem>> -> memref<1x!tpu.dma_semaphore, #tpu.memory_space<semaphore_mem>>
    %dma_wait3A_167 = tpu.memref_squeeze %dma_wait3A_166 : memref<1x!tpu.dma_semaphore, #tpu.memory_space<semaphore_mem>> -> memref<!tpu.dma_semaphore, #tpu.memory_space<semaphore_mem>>
    %dma_wait3A_168 = arith.constant 0 : i32
    %dma_wait3A_169 = arith.constant 0 : i32
    %dma_wait3A_170 = tpu.memref_slice %arg6[%dma_wait3A_157, %dma_wait3A_168, %dma_wait3A_169] : memref<2x64x512xf32, #tpu.memory_space<vmem>> -> memref<1x64x512xf32, #tpu.memory_space<vmem>>
    %dma_wait3A_171 = tpu.memref_squeeze %dma_wait3A_170 : memref<1x64x512xf32, #tpu.memory_space<vmem>> -> memref<64x512xf32, #tpu.memory_space<vmem>>
    %dma_wait3A_172 = arith.constant 0 : i32
    %dma_wait3A_173 = arith.constant 0 : i32
    %dma_wait3A_174 = tpu.memref_slice %arg2[%dma_wait3A_172, %dma_wait3A_173] : memref<16384x1000xf32, #tpu.memory_space<hbm>> -> memref<64x512xf32, #tpu.memory_space<hbm>>
    tpu.wait_dma2 semaphore(%dma_wait3A_167 : memref<!tpu.dma_semaphore, #tpu.memory_space<semaphore_mem>>) src(%dma_wait3A_174 : memref<64x512xf32, #tpu.memory_space<hbm>>) dst(%dma_wait3A_171 : memref<64x512xf32, #tpu.memory_space<vmem>>)
    %run_scoped3A_175 = arith.constant 1 : i32
    %run_scoped3A_176 = arith.constant 1 : i32
    "tpu.region"() ({
      %run_scoped3A_1077 = tpu.sem_alloc : memref<!tpu.dma_semaphore, #tpu.memory_space<semaphore_mem>>
      %dma_start3A_1078 = arith.constant 0 : i32
      %dma_start3A_1079 = arith.constant 0 : i32
      %dma_start3A_1080 = tpu.memref_slice %arg6[%run_scoped3A_175, %dma_start3A_1078, %dma_start3A_1079] : memref<2x64x512xf32, #tpu.memory_space<vmem>> -> memref<1x64x512xf32, #tpu.memory_space<vmem>>
      %dma_start3A_1081 = tpu.memref_squeeze %dma_start3A_1080 : memref<1x64x512xf32, #tpu.memory_space<vmem>> -> memref<64x512xf32, #tpu.memory_space<vmem>>
      %dma_start3A_1082 = arith.constant 0 : i32
      %dma_start3A_1083 = tpu.memref_slice %arg7[%run_scoped3A_176, %dma_start3A_1082] : memref<2x64xi32, #tpu.memory_space<vmem>> -> memref<1x64xi32, #tpu.memory_space<vmem>>
      %dma_start3A_1084 = tpu.memref_squeeze %dma_start3A_1083 : memref<1x64xi32, #tpu.memory_space<vmem>> -> memref<64xi32, #tpu.memory_space<vmem>>
      %dma_start3A_1085 = arith.constant 0 : i32
      %dma_start3A_1086 = arith.constant 0 : i32
      %dma_start3A_1087 = tpu.memref_slice %arg11[%dma_start3A_1085, %dma_start3A_1086] : memref<1000x512xf32, #tpu.memory_space<vmem_shared>> -> memref<1000x512xf32, #tpu.memory_space<vmem_shared>>
      tpu.enqueue_indirect_dma source(%dma_start3A_1081 : memref<64x512xf32, #tpu.memory_space<vmem>>) target(%dma_start3A_1087 : memref<1000x512xf32, #tpu.memory_space<vmem_shared>>) offsets(%dma_start3A_1084 : memref<64xi32, #tpu.memory_space<vmem>>) semaphore(%run_scoped3A_1077 : memref<!tpu.dma_semaphore, #tpu.memory_space<semaphore_mem>>) {add = true}
      %dma_wait3A_1088 = arith.constant 0 : i32
      %dma_wait3A_1089 = arith.constant 0 : i32
      %dma_wait3A_1090 = tpu.memref_slice %arg6[%run_scoped3A_175, %dma_wait3A_1088, %dma_wait3A_1089] : memref<2x64x512xf32, #tpu.memory_space<vmem>> -> memref<1x64x512xf32, #tpu.memory_space<vmem>>
      %dma_wait3A_1091 = tpu.memref_squeeze %dma_wait3A_1090 : memref<1x64x512xf32, #tpu.memory_space<vmem>> -> memref<64x512xf32, #tpu.memory_space<vmem>>
      %dma_wait3A_1092 = arith.constant 0 : i32
      %dma_wait3A_1093 = tpu.memref_slice %arg7[%run_scoped3A_176, %dma_wait3A_1092] : memref<2x64xi32, #tpu.memory_space<vmem>> -> memref<1x64xi32, #tpu.memory_space<vmem>>
      %dma_wait3A_1094 = tpu.memref_squeeze %dma_wait3A_1093 : memref<1x64xi32, #tpu.memory_space<vmem>> -> memref<64xi32, #tpu.memory_space<vmem>>
      %dma_wait3A_1095 = arith.constant 0 : i32
      %dma_wait3A_1096 = arith.constant 0 : i32
      %dma_wait3A_1097 = tpu.memref_slice %arg11[%dma_wait3A_1095, %dma_wait3A_1096] : memref<1000x512xf32, #tpu.memory_space<vmem_shared>> -> memref<1000x512xf32, #tpu.memory_space<vmem_shared>>
      tpu.wait_indirect_dma semaphore(%run_scoped3A_1077 : memref<!tpu.dma_semaphore, #tpu.memory_space<semaphore_mem>>) src(%dma_wait3A_1091 : memref<64x512xf32, #tpu.memory_space<vmem>>) dst(%dma_wait3A_1097 : memref<1000x512xf32, #tpu.memory_space<vmem_shared>>)
      tpu.yield
    }) : () -> ()
    %convert_element_type3A_177 = arith.extui %eq3A_79 : i1 to i32
    %cond3A_178 = arith.constant 0 : i32
    %cond3A_179 = arith.cmpi ne, %convert_element_type3A_177, %cond3A_178 : i32
    scf.if %cond3A_179 {
      %run_scoped3A_1077 = arith.constant 1 : i32
      "tpu.region"() ({
        %run_scoped3A_1078 = tpu.sem_alloc : memref<!tpu.dma_semaphore, #tpu.memory_space<semaphore_mem>>
        %dma_start3A_1079 = arith.constant 0 : i32
        %dma_start3A_1080 = tpu.memref_slice %arg7[%run_scoped3A_1077, %dma_start3A_1079] : memref<2x64xi32, #tpu.memory_space<vmem>> -> memref<1x64xi32, #tpu.memory_space<vmem>>
        %dma_start3A_1081 = tpu.memref_squeeze %dma_start3A_1080 : memref<1x64xi32, #tpu.memory_space<vmem>> -> memref<64xi32, #tpu.memory_space<vmem>>
        %dma_start3A_1082 = arith.constant 0 : i32
        %dma_start3A_1083 = tpu.memref_slice %arg12[%dma_start3A_1082] : memref<1024xf32, #tpu.memory_space<vmem_shared>> -> memref<1024xf32, #tpu.memory_space<vmem_shared>>
        tpu.enqueue_indirect_dma source(%arg8 : memref<64xf32, #tpu.memory_space<vmem>>) target(%dma_start3A_1083 : memref<1024xf32, #tpu.memory_space<vmem_shared>>) offsets(%dma_start3A_1081 : memref<64xi32, #tpu.memory_space<vmem>>) semaphore(%run_scoped3A_1078 : memref<!tpu.dma_semaphore, #tpu.memory_space<semaphore_mem>>) {add = true}
        %dma_wait3A_1084 = arith.constant 0 : i32
        %dma_wait3A_1085 = tpu.memref_slice %arg7[%run_scoped3A_1077, %dma_wait3A_1084] : memref<2x64xi32, #tpu.memory_space<vmem>> -> memref<1x64xi32, #tpu.memory_space<vmem>>
        %dma_wait3A_1086 = tpu.memref_squeeze %dma_wait3A_1085 : memref<1x64xi32, #tpu.memory_space<vmem>> -> memref<64xi32, #tpu.memory_space<vmem>>
        %dma_wait3A_1087 = arith.constant 0 : i32
        %dma_wait3A_1088 = tpu.memref_slice %arg12[%dma_wait3A_1087] : memref<1024xf32, #tpu.memory_space<vmem_shared>> -> memref<1024xf32, #tpu.memory_space<vmem_shared>>
        tpu.wait_indirect_dma semaphore(%run_scoped3A_1078 : memref<!tpu.dma_semaphore, #tpu.memory_space<semaphore_mem>>) src(%arg8 : memref<64xf32, #tpu.memory_space<vmem>>) dst(%dma_wait3A_1088 : memref<1024xf32, #tpu.memory_space<vmem_shared>>)
        tpu.yield
      }) : () -> ()
    } else {
    }
    %add3A_180 = arith.constant 192 : i32
    %add3A_181 = arith.addi %mul3A_2, %add3A_180 : i32
    %dma_start3A_182 = arith.constant 1 : i32
    %dma_start3A_183 = arith.constant 1 : i32
    %dma_start3A_184 = arith.constant 0 : i32
    %dma_start3A_185 = tpu.memref_slice %arg7[%dma_start3A_182, %dma_start3A_184] : memref<2x64xi32, #tpu.memory_space<vmem>> -> memref<1x64xi32, #tpu.memory_space<vmem>>
    %dma_start3A_186 = tpu.memref_squeeze %dma_start3A_185 : memref<1x64xi32, #tpu.memory_space<vmem>> -> memref<64xi32, #tpu.memory_space<vmem>>
    %dma_start3A_187 = tpu.memref_slice %arg3[%add3A_181] : memref<16384xi32, #tpu.memory_space<hbm>> -> memref<64xi32, #tpu.memory_space<hbm>>
    %dma_start3A_188 = tpu.memref_slice %arg10[%dma_start3A_183] : memref<2x!tpu.dma_semaphore, #tpu.memory_space<semaphore_mem>> -> memref<1x!tpu.dma_semaphore, #tpu.memory_space<semaphore_mem>>
    %dma_start3A_189 = tpu.memref_squeeze %dma_start3A_188 : memref<1x!tpu.dma_semaphore, #tpu.memory_space<semaphore_mem>> -> memref<!tpu.dma_semaphore, #tpu.memory_space<semaphore_mem>>
    %dma_start3A_190 = arith.constant 0 : i32
    %dma_start3A_191 = tpu.memref_slice %arg7[%dma_start3A_182, %dma_start3A_190] : memref<2x64xi32, #tpu.memory_space<vmem>> -> memref<1x64xi32, #tpu.memory_space<vmem>>
    %dma_start3A_192 = tpu.memref_squeeze %dma_start3A_191 : memref<1x64xi32, #tpu.memory_space<vmem>> -> memref<64xi32, #tpu.memory_space<vmem>>
    %dma_start3A_193 = tpu.memref_slice %arg3[%add3A_181] : memref<16384xi32, #tpu.memory_space<hbm>> -> memref<64xi32, #tpu.memory_space<hbm>>
    tpu.enqueue_dma source(%dma_start3A_193 : memref<64xi32, #tpu.memory_space<hbm>>) target(%dma_start3A_192 : memref<64xi32, #tpu.memory_space<vmem>>) target_semaphore(%dma_start3A_189 : memref<!tpu.dma_semaphore, #tpu.memory_space<semaphore_mem>>)
    %dma_start3A_194 = arith.constant 1 : i32
    %dma_start3A_195 = arith.constant 1 : i32
    %dma_start3A_196 = arith.constant 0 : i32
    %dma_start3A_197 = arith.constant 0 : i32
    %dma_start3A_198 = tpu.memref_slice %arg6[%dma_start3A_194, %dma_start3A_196, %dma_start3A_197] : memref<2x64x512xf32, #tpu.memory_space<vmem>> -> memref<1x64x512xf32, #tpu.memory_space<vmem>>
    %dma_start3A_199 = tpu.memref_squeeze %dma_start3A_198 : memref<1x64x512xf32, #tpu.memory_space<vmem>> -> memref<64x512xf32, #tpu.memory_space<vmem>>
    %dma_start3A_200 = tpu.memref_slice %arg2[%add3A_181, %mul3A_0] : memref<16384x1000xf32, #tpu.memory_space<hbm>> -> memref<64x512xf32, #tpu.memory_space<hbm>>
    %dma_start3A_201 = tpu.memref_slice %arg10[%dma_start3A_195] : memref<2x!tpu.dma_semaphore, #tpu.memory_space<semaphore_mem>> -> memref<1x!tpu.dma_semaphore, #tpu.memory_space<semaphore_mem>>
    %dma_start3A_202 = tpu.memref_squeeze %dma_start3A_201 : memref<1x!tpu.dma_semaphore, #tpu.memory_space<semaphore_mem>> -> memref<!tpu.dma_semaphore, #tpu.memory_space<semaphore_mem>>
    %dma_start3A_203 = arith.constant 0 : i32
    %dma_start3A_204 = arith.constant 0 : i32
    %dma_start3A_205 = tpu.memref_slice %arg6[%dma_start3A_194, %dma_start3A_203, %dma_start3A_204] : memref<2x64x512xf32, #tpu.memory_space<vmem>> -> memref<1x64x512xf32, #tpu.memory_space<vmem>>
    %dma_start3A_206 = tpu.memref_squeeze %dma_start3A_205 : memref<1x64x512xf32, #tpu.memory_space<vmem>> -> memref<64x512xf32, #tpu.memory_space<vmem>>
    %dma_start3A_207 = tpu.memref_slice %arg2[%add3A_181, %mul3A_0] : memref<16384x1000xf32, #tpu.memory_space<hbm>> -> memref<64x512xf32, #tpu.memory_space<hbm>>
    tpu.enqueue_dma source(%dma_start3A_207 : memref<64x512xf32, #tpu.memory_space<hbm>>) target(%dma_start3A_206 : memref<64x512xf32, #tpu.memory_space<vmem>>) target_semaphore(%dma_start3A_202 : memref<!tpu.dma_semaphore, #tpu.memory_space<semaphore_mem>>)
    %dma_wait3A_208 = arith.constant 0 : i32
    %dma_wait3A_209 = arith.constant 0 : i32
    %dma_wait3A_210 = arith.constant 0 : i32
    %dma_wait3A_211 = tpu.memref_slice %arg7[%dma_wait3A_208, %dma_wait3A_210] : memref<2x64xi32, #tpu.memory_space<vmem>> -> memref<1x64xi32, #tpu.memory_space<vmem>>
    %dma_wait3A_212 = tpu.memref_squeeze %dma_wait3A_211 : memref<1x64xi32, #tpu.memory_space<vmem>> -> memref<64xi32, #tpu.memory_space<vmem>>
    %dma_wait3A_213 = arith.constant 0 : i32
    %dma_wait3A_214 = tpu.memref_slice %arg3[%dma_wait3A_213] : memref<16384xi32, #tpu.memory_space<hbm>> -> memref<64xi32, #tpu.memory_space<hbm>>
    %dma_wait3A_215 = tpu.memref_slice %arg10[%dma_wait3A_209] : memref<2x!tpu.dma_semaphore, #tpu.memory_space<semaphore_mem>> -> memref<1x!tpu.dma_semaphore, #tpu.memory_space<semaphore_mem>>
    %dma_wait3A_216 = tpu.memref_squeeze %dma_wait3A_215 : memref<1x!tpu.dma_semaphore, #tpu.memory_space<semaphore_mem>> -> memref<!tpu.dma_semaphore, #tpu.memory_space<semaphore_mem>>
    %dma_wait3A_217 = arith.constant 0 : i32
    %dma_wait3A_218 = tpu.memref_slice %arg7[%dma_wait3A_208, %dma_wait3A_217] : memref<2x64xi32, #tpu.memory_space<vmem>> -> memref<1x64xi32, #tpu.memory_space<vmem>>
    %dma_wait3A_219 = tpu.memref_squeeze %dma_wait3A_218 : memref<1x64xi32, #tpu.memory_space<vmem>> -> memref<64xi32, #tpu.memory_space<vmem>>
    %dma_wait3A_220 = arith.constant 0 : i32
    %dma_wait3A_221 = tpu.memref_slice %arg3[%dma_wait3A_220] : memref<16384xi32, #tpu.memory_space<hbm>> -> memref<64xi32, #tpu.memory_space<hbm>>
    tpu.wait_dma2 semaphore(%dma_wait3A_216 : memref<!tpu.dma_semaphore, #tpu.memory_space<semaphore_mem>>) src(%dma_wait3A_221 : memref<64xi32, #tpu.memory_space<hbm>>) dst(%dma_wait3A_219 : memref<64xi32, #tpu.memory_space<vmem>>)
    %dma_wait3A_222 = arith.constant 0 : i32
    %dma_wait3A_223 = arith.constant 0 : i32
    %dma_wait3A_224 = arith.constant 0 : i32
    %dma_wait3A_225 = arith.constant 0 : i32
    %dma_wait3A_226 = tpu.memref_slice %arg6[%dma_wait3A_222, %dma_wait3A_224, %dma_wait3A_225] : memref<2x64x512xf32, #tpu.memory_space<vmem>> -> memref<1x64x512xf32, #tpu.memory_space<vmem>>
    %dma_wait3A_227 = tpu.memref_squeeze %dma_wait3A_226 : memref<1x64x512xf32, #tpu.memory_space<vmem>> -> memref<64x512xf32, #tpu.memory_space<vmem>>
    %dma_wait3A_228 = arith.constant 0 : i32
    %dma_wait3A_229 = arith.constant 0 : i32
    %dma_wait3A_230 = tpu.memref_slice %arg2[%dma_wait3A_228, %dma_wait3A_229] : memref<16384x1000xf32, #tpu.memory_space<hbm>> -> memref<64x512xf32, #tpu.memory_space<hbm>>
    %dma_wait3A_231 = tpu.memref_slice %arg10[%dma_wait3A_223] : memref<2x!tpu.dma_semaphore, #tpu.memory_space<semaphore_mem>> -> memref<1x!tpu.dma_semaphore, #tpu.memory_space<semaphore_mem>>
    %dma_wait3A_232 = tpu.memref_squeeze %dma_wait3A_231 : memref<1x!tpu.dma_semaphore, #tpu.memory_space<semaphore_mem>> -> memref<!tpu.dma_semaphore, #tpu.memory_space<semaphore_mem>>
    %dma_wait3A_233 = arith.constant 0 : i32
    %dma_wait3A_234 = arith.constant 0 : i32
    %dma_wait3A_235 = tpu.memref_slice %arg6[%dma_wait3A_222, %dma_wait3A_233, %dma_wait3A_234] : memref<2x64x512xf32, #tpu.memory_space<vmem>> -> memref<1x64x512xf32, #tpu.memory_space<vmem>>
    %dma_wait3A_236 = tpu.memref_squeeze %dma_wait3A_235 : memref<1x64x512xf32, #tpu.memory_space<vmem>> -> memref<64x512xf32, #tpu.memory_space<vmem>>
    %dma_wait3A_237 = arith.constant 0 : i32
    %dma_wait3A_238 = arith.constant 0 : i32
    %dma_wait3A_239 = tpu.memref_slice %arg2[%dma_wait3A_237, %dma_wait3A_238] : memref<16384x1000xf32, #tpu.memory_space<hbm>> -> memref<64x512xf32, #tpu.memory_space<hbm>>
    tpu.wait_dma2 semaphore(%dma_wait3A_232 : memref<!tpu.dma_semaphore, #tpu.memory_space<semaphore_mem>>) src(%dma_wait3A_239 : memref<64x512xf32, #tpu.memory_space<hbm>>) dst(%dma_wait3A_236 : memref<64x512xf32, #tpu.memory_space<vmem>>)
    %run_scoped3A_240 = arith.constant 0 : i32
    %run_scoped3A_241 = arith.constant 0 : i32
    "tpu.region"() ({
      %run_scoped3A_1077 = tpu.sem_alloc : memref<!tpu.dma_semaphore, #tpu.memory_space<semaphore_mem>>
      %dma_start3A_1078 = arith.constant 0 : i32
      %dma_start3A_1079 = arith.constant 0 : i32
      %dma_start3A_1080 = tpu.memref_slice %arg6[%run_scoped3A_240, %dma_start3A_1078, %dma_start3A_1079] : memref<2x64x512xf32, #tpu.memory_space<vmem>> -> memref<1x64x512xf32, #tpu.memory_space<vmem>>
      %dma_start3A_1081 = tpu.memref_squeeze %dma_start3A_1080 : memref<1x64x512xf32, #tpu.memory_space<vmem>> -> memref<64x512xf32, #tpu.memory_space<vmem>>
      %dma_start3A_1082 = arith.constant 0 : i32
      %dma_start3A_1083 = tpu.memref_slice %arg7[%run_scoped3A_241, %dma_start3A_1082] : memref<2x64xi32, #tpu.memory_space<vmem>> -> memref<1x64xi32, #tpu.memory_space<vmem>>
      %dma_start3A_1084 = tpu.memref_squeeze %dma_start3A_1083 : memref<1x64xi32, #tpu.memory_space<vmem>> -> memref<64xi32, #tpu.memory_space<vmem>>
      %dma_start3A_1085 = arith.constant 0 : i32
      %dma_start3A_1086 = arith.constant 0 : i32
      %dma_start3A_1087 = tpu.memref_slice %arg11[%dma_start3A_1085, %dma_start3A_1086] : memref<1000x512xf32, #tpu.memory_space<vmem_shared>> -> memref<1000x512xf32, #tpu.memory_space<vmem_shared>>
      tpu.enqueue_indirect_dma source(%dma_start3A_1081 : memref<64x512xf32, #tpu.memory_space<vmem>>) target(%dma_start3A_1087 : memref<1000x512xf32, #tpu.memory_space<vmem_shared>>) offsets(%dma_start3A_1084 : memref<64xi32, #tpu.memory_space<vmem>>) semaphore(%run_scoped3A_1077 : memref<!tpu.dma_semaphore, #tpu.memory_space<semaphore_mem>>) {add = true}
      %dma_wait3A_1088 = arith.constant 0 : i32
      %dma_wait3A_1089 = arith.constant 0 : i32
      %dma_wait3A_1090 = tpu.memref_slice %arg6[%run_scoped3A_240, %dma_wait3A_1088, %dma_wait3A_1089] : memref<2x64x512xf32, #tpu.memory_space<vmem>> -> memref<1x64x512xf32, #tpu.memory_space<vmem>>
      %dma_wait3A_1091 = tpu.memref_squeeze %dma_wait3A_1090 : memref<1x64x512xf32, #tpu.memory_space<vmem>> -> memref<64x512xf32, #tpu.memory_space<vmem>>
      %dma_wait3A_1092 = arith.constant 0 : i32
      %dma_wait3A_1093 = tpu.memref_slice %arg7[%run_scoped3A_241, %dma_wait3A_1092] : memref<2x64xi32, #tpu.memory_space<vmem>> -> memref<1x64xi32, #tpu.memory_space<vmem>>
      %dma_wait3A_1094 = tpu.memref_squeeze %dma_wait3A_1093 : memref<1x64xi32, #tpu.memory_space<vmem>> -> memref<64xi32, #tpu.memory_space<vmem>>
      %dma_wait3A_1095 = arith.constant 0 : i32
      %dma_wait3A_1096 = arith.constant 0 : i32
      %dma_wait3A_1097 = tpu.memref_slice %arg11[%dma_wait3A_1095, %dma_wait3A_1096] : memref<1000x512xf32, #tpu.memory_space<vmem_shared>> -> memref<1000x512xf32, #tpu.memory_space<vmem_shared>>
      tpu.wait_indirect_dma semaphore(%run_scoped3A_1077 : memref<!tpu.dma_semaphore, #tpu.memory_space<semaphore_mem>>) src(%dma_wait3A_1091 : memref<64x512xf32, #tpu.memory_space<vmem>>) dst(%dma_wait3A_1097 : memref<1000x512xf32, #tpu.memory_space<vmem_shared>>)
      tpu.yield
    }) : () -> ()
    %convert_element_type3A_242 = arith.extui %eq3A_79 : i1 to i32
    %cond3A_243 = arith.constant 0 : i32
    %cond3A_244 = arith.cmpi ne, %convert_element_type3A_242, %cond3A_243 : i32
    scf.if %cond3A_244 {
      %run_scoped3A_1077 = arith.constant 0 : i32
      "tpu.region"() ({
        %run_scoped3A_1078 = tpu.sem_alloc : memref<!tpu.dma_semaphore, #tpu.memory_space<semaphore_mem>>
        %dma_start3A_1079 = arith.constant 0 : i32
        %dma_start3A_1080 = tpu.memref_slice %arg7[%run_scoped3A_1077, %dma_start3A_1079] : memref<2x64xi32, #tpu.memory_space<vmem>> -> memref<1x64xi32, #tpu.memory_space<vmem>>
        %dma_start3A_1081 = tpu.memref_squeeze %dma_start3A_1080 : memref<1x64xi32, #tpu.memory_space<vmem>> -> memref<64xi32, #tpu.memory_space<vmem>>
        %dma_start3A_1082 = arith.constant 0 : i32
        %dma_start3A_1083 = tpu.memref_slice %arg12[%dma_start3A_1082] : memref<1024xf32, #tpu.memory_space<vmem_shared>> -> memref<1024xf32, #tpu.memory_space<vmem_shared>>
        tpu.enqueue_indirect_dma source(%arg8 : memref<64xf32, #tpu.memory_space<vmem>>) target(%dma_start3A_1083 : memref<1024xf32, #tpu.memory_space<vmem_shared>>) offsets(%dma_start3A_1081 : memref<64xi32, #tpu.memory_space<vmem>>) semaphore(%run_scoped3A_1078 : memref<!tpu.dma_semaphore, #tpu.memory_space<semaphore_mem>>) {add = true}
        %dma_wait3A_1084 = arith.constant 0 : i32
        %dma_wait3A_1085 = tpu.memref_slice %arg7[%run_scoped3A_1077, %dma_wait3A_1084] : memref<2x64xi32, #tpu.memory_space<vmem>> -> memref<1x64xi32, #tpu.memory_space<vmem>>
        %dma_wait3A_1086 = tpu.memref_squeeze %dma_wait3A_1085 : memref<1x64xi32, #tpu.memory_space<vmem>> -> memref<64xi32, #tpu.memory_space<vmem>>
        %dma_wait3A_1087 = arith.constant 0 : i32
        %dma_wait3A_1088 = tpu.memref_slice %arg12[%dma_wait3A_1087] : memref<1024xf32, #tpu.memory_space<vmem_shared>> -> memref<1024xf32, #tpu.memory_space<vmem_shared>>
        tpu.wait_indirect_dma semaphore(%run_scoped3A_1078 : memref<!tpu.dma_semaphore, #tpu.memory_space<semaphore_mem>>) src(%arg8 : memref<64xf32, #tpu.memory_space<vmem>>) dst(%dma_wait3A_1088 : memref<1024xf32, #tpu.memory_space<vmem_shared>>)
        tpu.yield
      }) : () -> ()
    } else {
    }
    %add3A_245 = arith.constant 256 : i32
    %add3A_246 = arith.addi %mul3A_2, %add3A_245 : i32
    %dma_start3A_247 = arith.constant 0 : i32
    %dma_start3A_248 = arith.constant 0 : i32
    %dma_start3A_249 = arith.constant 0 : i32
    %dma_start3A_250 = tpu.memref_slice %arg7[%dma_start3A_247, %dma_start3A_249] : memref<2x64xi32, #tpu.memory_space<vmem>> -> memref<1x64xi32, #tpu.memory_space<vmem>>
    %dma_start3A_251 = tpu.memref_squeeze %dma_start3A_250 : memref<1x64xi32, #tpu.memory_space<vmem>> -> memref<64xi32, #tpu.memory_space<vmem>>
    %dma_start3A_252 = tpu.memref_slice %arg3[%add3A_246] : memref<16384xi32, #tpu.memory_space<hbm>> -> memref<64xi32, #tpu.memory_space<hbm>>
    %dma_start3A_253 = tpu.memref_slice %arg10[%dma_start3A_248] : memref<2x!tpu.dma_semaphore, #tpu.memory_space<semaphore_mem>> -> memref<1x!tpu.dma_semaphore, #tpu.memory_space<semaphore_mem>>
    %dma_start3A_254 = tpu.memref_squeeze %dma_start3A_253 : memref<1x!tpu.dma_semaphore, #tpu.memory_space<semaphore_mem>> -> memref<!tpu.dma_semaphore, #tpu.memory_space<semaphore_mem>>
    %dma_start3A_255 = arith.constant 0 : i32
    %dma_start3A_256 = tpu.memref_slice %arg7[%dma_start3A_247, %dma_start3A_255] : memref<2x64xi32, #tpu.memory_space<vmem>> -> memref<1x64xi32, #tpu.memory_space<vmem>>
    %dma_start3A_257 = tpu.memref_squeeze %dma_start3A_256 : memref<1x64xi32, #tpu.memory_space<vmem>> -> memref<64xi32, #tpu.memory_space<vmem>>
    %dma_start3A_258 = tpu.memref_slice %arg3[%add3A_246] : memref<16384xi32, #tpu.memory_space<hbm>> -> memref<64xi32, #tpu.memory_space<hbm>>
    tpu.enqueue_dma source(%dma_start3A_258 : memref<64xi32, #tpu.memory_space<hbm>>) target(%dma_start3A_257 : memref<64xi32, #tpu.memory_space<vmem>>) target_semaphore(%dma_start3A_254 : memref<!tpu.dma_semaphore, #tpu.memory_space<semaphore_mem>>)
    %dma_start3A_259 = arith.constant 0 : i32
    %dma_start3A_260 = arith.constant 0 : i32
    %dma_start3A_261 = arith.constant 0 : i32
    %dma_start3A_262 = arith.constant 0 : i32
    %dma_start3A_263 = tpu.memref_slice %arg6[%dma_start3A_259, %dma_start3A_261, %dma_start3A_262] : memref<2x64x512xf32, #tpu.memory_space<vmem>> -> memref<1x64x512xf32, #tpu.memory_space<vmem>>
    %dma_start3A_264 = tpu.memref_squeeze %dma_start3A_263 : memref<1x64x512xf32, #tpu.memory_space<vmem>> -> memref<64x512xf32, #tpu.memory_space<vmem>>
    %dma_start3A_265 = tpu.memref_slice %arg2[%add3A_246, %mul3A_0] : memref<16384x1000xf32, #tpu.memory_space<hbm>> -> memref<64x512xf32, #tpu.memory_space<hbm>>
    %dma_start3A_266 = tpu.memref_slice %arg10[%dma_start3A_260] : memref<2x!tpu.dma_semaphore, #tpu.memory_space<semaphore_mem>> -> memref<1x!tpu.dma_semaphore, #tpu.memory_space<semaphore_mem>>
    %dma_start3A_267 = tpu.memref_squeeze %dma_start3A_266 : memref<1x!tpu.dma_semaphore, #tpu.memory_space<semaphore_mem>> -> memref<!tpu.dma_semaphore, #tpu.memory_space<semaphore_mem>>
    %dma_start3A_268 = arith.constant 0 : i32
    %dma_start3A_269 = arith.constant 0 : i32
    %dma_start3A_270 = tpu.memref_slice %arg6[%dma_start3A_259, %dma_start3A_268, %dma_start3A_269] : memref<2x64x512xf32, #tpu.memory_space<vmem>> -> memref<1x64x512xf32, #tpu.memory_space<vmem>>
    %dma_start3A_271 = tpu.memref_squeeze %dma_start3A_270 : memref<1x64x512xf32, #tpu.memory_space<vmem>> -> memref<64x512xf32, #tpu.memory_space<vmem>>
    %dma_start3A_272 = tpu.memref_slice %arg2[%add3A_246, %mul3A_0] : memref<16384x1000xf32, #tpu.memory_space<hbm>> -> memref<64x512xf32, #tpu.memory_space<hbm>>
    tpu.enqueue_dma source(%dma_start3A_272 : memref<64x512xf32, #tpu.memory_space<hbm>>) target(%dma_start3A_271 : memref<64x512xf32, #tpu.memory_space<vmem>>) target_semaphore(%dma_start3A_267 : memref<!tpu.dma_semaphore, #tpu.memory_space<semaphore_mem>>)
    %dma_wait3A_273 = arith.constant 1 : i32
    %dma_wait3A_274 = arith.constant 1 : i32
    %dma_wait3A_275 = arith.constant 0 : i32
    %dma_wait3A_276 = tpu.memref_slice %arg7[%dma_wait3A_273, %dma_wait3A_275] : memref<2x64xi32, #tpu.memory_space<vmem>> -> memref<1x64xi32, #tpu.memory_space<vmem>>
    %dma_wait3A_277 = tpu.memref_squeeze %dma_wait3A_276 : memref<1x64xi32, #tpu.memory_space<vmem>> -> memref<64xi32, #tpu.memory_space<vmem>>
    %dma_wait3A_278 = arith.constant 0 : i32
    %dma_wait3A_279 = tpu.memref_slice %arg3[%dma_wait3A_278] : memref<16384xi32, #tpu.memory_space<hbm>> -> memref<64xi32, #tpu.memory_space<hbm>>
    %dma_wait3A_280 = tpu.memref_slice %arg10[%dma_wait3A_274] : memref<2x!tpu.dma_semaphore, #tpu.memory_space<semaphore_mem>> -> memref<1x!tpu.dma_semaphore, #tpu.memory_space<semaphore_mem>>
    %dma_wait3A_281 = tpu.memref_squeeze %dma_wait3A_280 : memref<1x!tpu.dma_semaphore, #tpu.memory_space<semaphore_mem>> -> memref<!tpu.dma_semaphore, #tpu.memory_space<semaphore_mem>>
    %dma_wait3A_282 = arith.constant 0 : i32
    %dma_wait3A_283 = tpu.memref_slice %arg7[%dma_wait3A_273, %dma_wait3A_282] : memref<2x64xi32, #tpu.memory_space<vmem>> -> memref<1x64xi32, #tpu.memory_space<vmem>>
    %dma_wait3A_284 = tpu.memref_squeeze %dma_wait3A_283 : memref<1x64xi32, #tpu.memory_space<vmem>> -> memref<64xi32, #tpu.memory_space<vmem>>
    %dma_wait3A_285 = arith.constant 0 : i32
    %dma_wait3A_286 = tpu.memref_slice %arg3[%dma_wait3A_285] : memref<16384xi32, #tpu.memory_space<hbm>> -> memref<64xi32, #tpu.memory_space<hbm>>
    tpu.wait_dma2 semaphore(%dma_wait3A_281 : memref<!tpu.dma_semaphore, #tpu.memory_space<semaphore_mem>>) src(%dma_wait3A_286 : memref<64xi32, #tpu.memory_space<hbm>>) dst(%dma_wait3A_284 : memref<64xi32, #tpu.memory_space<vmem>>)
    %dma_wait3A_287 = arith.constant 1 : i32
    %dma_wait3A_288 = arith.constant 1 : i32
    %dma_wait3A_289 = arith.constant 0 : i32
    %dma_wait3A_290 = arith.constant 0 : i32
    %dma_wait3A_291 = tpu.memref_slice %arg6[%dma_wait3A_287, %dma_wait3A_289, %dma_wait3A_290] : memref<2x64x512xf32, #tpu.memory_space<vmem>> -> memref<1x64x512xf32, #tpu.memory_space<vmem>>
    %dma_wait3A_292 = tpu.memref_squeeze %dma_wait3A_291 : memref<1x64x512xf32, #tpu.memory_space<vmem>> -> memref<64x512xf32, #tpu.memory_space<vmem>>
    %dma_wait3A_293 = arith.constant 0 : i32
    %dma_wait3A_294 = arith.constant 0 : i32
    %dma_wait3A_295 = tpu.memref_slice %arg2[%dma_wait3A_293, %dma_wait3A_294] : memref<16384x1000xf32, #tpu.memory_space<hbm>> -> memref<64x512xf32, #tpu.memory_space<hbm>>
    %dma_wait3A_296 = tpu.memref_slice %arg10[%dma_wait3A_288] : memref<2x!tpu.dma_semaphore, #tpu.memory_space<semaphore_mem>> -> memref<1x!tpu.dma_semaphore, #tpu.memory_space<semaphore_mem>>
    %dma_wait3A_297 = tpu.memref_squeeze %dma_wait3A_296 : memref<1x!tpu.dma_semaphore, #tpu.memory_space<semaphore_mem>> -> memref<!tpu.dma_semaphore, #tpu.memory_space<semaphore_mem>>
    %dma_wait3A_298 = arith.constant 0 : i32
    %dma_wait3A_299 = arith.constant 0 : i32
    %dma_wait3A_300 = tpu.memref_slice %arg6[%dma_wait3A_287, %dma_wait3A_298, %dma_wait3A_299] : memref<2x64x512xf32, #tpu.memory_space<vmem>> -> memref<1x64x512xf32, #tpu.memory_space<vmem>>
    %dma_wait3A_301 = tpu.memref_squeeze %dma_wait3A_300 : memref<1x64x512xf32, #tpu.memory_space<vmem>> -> memref<64x512xf32, #tpu.memory_space<vmem>>
    %dma_wait3A_302 = arith.constant 0 : i32
    %dma_wait3A_303 = arith.constant 0 : i32
    %dma_wait3A_304 = tpu.memref_slice %arg2[%dma_wait3A_302, %dma_wait3A_303] : memref<16384x1000xf32, #tpu.memory_space<hbm>> -> memref<64x512xf32, #tpu.memory_space<hbm>>
    tpu.wait_dma2 semaphore(%dma_wait3A_297 : memref<!tpu.dma_semaphore, #tpu.memory_space<semaphore_mem>>) src(%dma_wait3A_304 : memref<64x512xf32, #tpu.memory_space<hbm>>) dst(%dma_wait3A_301 : memref<64x512xf32, #tpu.memory_space<vmem>>)
    %run_scoped3A_305 = arith.constant 1 : i32
    %run_scoped3A_306 = arith.constant 1 : i32
    "tpu.region"() ({
      %run_scoped3A_1077 = tpu.sem_alloc : memref<!tpu.dma_semaphore, #tpu.memory_space<semaphore_mem>>
      %dma_start3A_1078 = arith.constant 0 : i32
      %dma_start3A_1079 = arith.constant 0 : i32
      %dma_start3A_1080 = tpu.memref_slice %arg6[%run_scoped3A_305, %dma_start3A_1078, %dma_start3A_1079] : memref<2x64x512xf32, #tpu.memory_space<vmem>> -> memref<1x64x512xf32, #tpu.memory_space<vmem>>
      %dma_start3A_1081 = tpu.memref_squeeze %dma_start3A_1080 : memref<1x64x512xf32, #tpu.memory_space<vmem>> -> memref<64x512xf32, #tpu.memory_space<vmem>>
      %dma_start3A_1082 = arith.constant 0 : i32
      %dma_start3A_1083 = tpu.memref_slice %arg7[%run_scoped3A_306, %dma_start3A_1082] : memref<2x64xi32, #tpu.memory_space<vmem>> -> memref<1x64xi32, #tpu.memory_space<vmem>>
      %dma_start3A_1084 = tpu.memref_squeeze %dma_start3A_1083 : memref<1x64xi32, #tpu.memory_space<vmem>> -> memref<64xi32, #tpu.memory_space<vmem>>
      %dma_start3A_1085 = arith.constant 0 : i32
      %dma_start3A_1086 = arith.constant 0 : i32
      %dma_start3A_1087 = tpu.memref_slice %arg11[%dma_start3A_1085, %dma_start3A_1086] : memref<1000x512xf32, #tpu.memory_space<vmem_shared>> -> memref<1000x512xf32, #tpu.memory_space<vmem_shared>>
      tpu.enqueue_indirect_dma source(%dma_start3A_1081 : memref<64x512xf32, #tpu.memory_space<vmem>>) target(%dma_start3A_1087 : memref<1000x512xf32, #tpu.memory_space<vmem_shared>>) offsets(%dma_start3A_1084 : memref<64xi32, #tpu.memory_space<vmem>>) semaphore(%run_scoped3A_1077 : memref<!tpu.dma_semaphore, #tpu.memory_space<semaphore_mem>>) {add = true}
      %dma_wait3A_1088 = arith.constant 0 : i32
      %dma_wait3A_1089 = arith.constant 0 : i32
      %dma_wait3A_1090 = tpu.memref_slice %arg6[%run_scoped3A_305, %dma_wait3A_1088, %dma_wait3A_1089] : memref<2x64x512xf32, #tpu.memory_space<vmem>> -> memref<1x64x512xf32, #tpu.memory_space<vmem>>
      %dma_wait3A_1091 = tpu.memref_squeeze %dma_wait3A_1090 : memref<1x64x512xf32, #tpu.memory_space<vmem>> -> memref<64x512xf32, #tpu.memory_space<vmem>>
      %dma_wait3A_1092 = arith.constant 0 : i32
      %dma_wait3A_1093 = tpu.memref_slice %arg7[%run_scoped3A_306, %dma_wait3A_1092] : memref<2x64xi32, #tpu.memory_space<vmem>> -> memref<1x64xi32, #tpu.memory_space<vmem>>
      %dma_wait3A_1094 = tpu.memref_squeeze %dma_wait3A_1093 : memref<1x64xi32, #tpu.memory_space<vmem>> -> memref<64xi32, #tpu.memory_space<vmem>>
      %dma_wait3A_1095 = arith.constant 0 : i32
      %dma_wait3A_1096 = arith.constant 0 : i32
      %dma_wait3A_1097 = tpu.memref_slice %arg11[%dma_wait3A_1095, %dma_wait3A_1096] : memref<1000x512xf32, #tpu.memory_space<vmem_shared>> -> memref<1000x512xf32, #tpu.memory_space<vmem_shared>>
      tpu.wait_indirect_dma semaphore(%run_scoped3A_1077 : memref<!tpu.dma_semaphore, #tpu.memory_space<semaphore_mem>>) src(%dma_wait3A_1091 : memref<64x512xf32, #tpu.memory_space<vmem>>) dst(%dma_wait3A_1097 : memref<1000x512xf32, #tpu.memory_space<vmem_shared>>)
      tpu.yield
    }) : () -> ()
    %convert_element_type3A_307 = arith.extui %eq3A_79 : i1 to i32
    %cond3A_308 = arith.constant 0 : i32
    %cond3A_309 = arith.cmpi ne, %convert_element_type3A_307, %cond3A_308 : i32
    scf.if %cond3A_309 {
      %run_scoped3A_1077 = arith.constant 1 : i32
      "tpu.region"() ({
        %run_scoped3A_1078 = tpu.sem_alloc : memref<!tpu.dma_semaphore, #tpu.memory_space<semaphore_mem>>
        %dma_start3A_1079 = arith.constant 0 : i32
        %dma_start3A_1080 = tpu.memref_slice %arg7[%run_scoped3A_1077, %dma_start3A_1079] : memref<2x64xi32, #tpu.memory_space<vmem>> -> memref<1x64xi32, #tpu.memory_space<vmem>>
        %dma_start3A_1081 = tpu.memref_squeeze %dma_start3A_1080 : memref<1x64xi32, #tpu.memory_space<vmem>> -> memref<64xi32, #tpu.memory_space<vmem>>
        %dma_start3A_1082 = arith.constant 0 : i32
        %dma_start3A_1083 = tpu.memref_slice %arg12[%dma_start3A_1082] : memref<1024xf32, #tpu.memory_space<vmem_shared>> -> memref<1024xf32, #tpu.memory_space<vmem_shared>>
        tpu.enqueue_indirect_dma source(%arg8 : memref<64xf32, #tpu.memory_space<vmem>>) target(%dma_start3A_1083 : memref<1024xf32, #tpu.memory_space<vmem_shared>>) offsets(%dma_start3A_1081 : memref<64xi32, #tpu.memory_space<vmem>>) semaphore(%run_scoped3A_1078 : memref<!tpu.dma_semaphore, #tpu.memory_space<semaphore_mem>>) {add = true}
        %dma_wait3A_1084 = arith.constant 0 : i32
        %dma_wait3A_1085 = tpu.memref_slice %arg7[%run_scoped3A_1077, %dma_wait3A_1084] : memref<2x64xi32, #tpu.memory_space<vmem>> -> memref<1x64xi32, #tpu.memory_space<vmem>>
        %dma_wait3A_1086 = tpu.memref_squeeze %dma_wait3A_1085 : memref<1x64xi32, #tpu.memory_space<vmem>> -> memref<64xi32, #tpu.memory_space<vmem>>
        %dma_wait3A_1087 = arith.constant 0 : i32
        %dma_wait3A_1088 = tpu.memref_slice %arg12[%dma_wait3A_1087] : memref<1024xf32, #tpu.memory_space<vmem_shared>> -> memref<1024xf32, #tpu.memory_space<vmem_shared>>
        tpu.wait_indirect_dma semaphore(%run_scoped3A_1078 : memref<!tpu.dma_semaphore, #tpu.memory_space<semaphore_mem>>) src(%arg8 : memref<64xf32, #tpu.memory_space<vmem>>) dst(%dma_wait3A_1088 : memref<1024xf32, #tpu.memory_space<vmem_shared>>)
        tpu.yield
      }) : () -> ()
    } else {
    }
    %add3A_310 = arith.constant 320 : i32
    %add3A_311 = arith.addi %mul3A_2, %add3A_310 : i32
    %dma_start3A_312 = arith.constant 1 : i32
    %dma_start3A_313 = arith.constant 1 : i32
    %dma_start3A_314 = arith.constant 0 : i32
    %dma_start3A_315 = tpu.memref_slice %arg7[%dma_start3A_312, %dma_start3A_314] : memref<2x64xi32, #tpu.memory_space<vmem>> -> memref<1x64xi32, #tpu.memory_space<vmem>>
    %dma_start3A_316 = tpu.memref_squeeze %dma_start3A_315 : memref<1x64xi32, #tpu.memory_space<vmem>> -> memref<64xi32, #tpu.memory_space<vmem>>
    %dma_start3A_317 = tpu.memref_slice %arg3[%add3A_311] : memref<16384xi32, #tpu.memory_space<hbm>> -> memref<64xi32, #tpu.memory_space<hbm>>
    %dma_start3A_318 = tpu.memref_slice %arg10[%dma_start3A_313] : memref<2x!tpu.dma_semaphore, #tpu.memory_space<semaphore_mem>> -> memref<1x!tpu.dma_semaphore, #tpu.memory_space<semaphore_mem>>
    %dma_start3A_319 = tpu.memref_squeeze %dma_start3A_318 : memref<1x!tpu.dma_semaphore, #tpu.memory_space<semaphore_mem>> -> memref<!tpu.dma_semaphore, #tpu.memory_space<semaphore_mem>>
    %dma_start3A_320 = arith.constant 0 : i32
    %dma_start3A_321 = tpu.memref_slice %arg7[%dma_start3A_312, %dma_start3A_320] : memref<2x64xi32, #tpu.memory_space<vmem>> -> memref<1x64xi32, #tpu.memory_space<vmem>>
    %dma_start3A_322 = tpu.memref_squeeze %dma_start3A_321 : memref<1x64xi32, #tpu.memory_space<vmem>> -> memref<64xi32, #tpu.memory_space<vmem>>
    %dma_start3A_323 = tpu.memref_slice %arg3[%add3A_311] : memref<16384xi32, #tpu.memory_space<hbm>> -> memref<64xi32, #tpu.memory_space<hbm>>
    tpu.enqueue_dma source(%dma_start3A_323 : memref<64xi32, #tpu.memory_space<hbm>>) target(%dma_start3A_322 : memref<64xi32, #tpu.memory_space<vmem>>) target_semaphore(%dma_start3A_319 : memref<!tpu.dma_semaphore, #tpu.memory_space<semaphore_mem>>)
    %dma_start3A_324 = arith.constant 1 : i32
    %dma_start3A_325 = arith.constant 1 : i32
    %dma_start3A_326 = arith.constant 0 : i32
    %dma_start3A_327 = arith.constant 0 : i32
    %dma_start3A_328 = tpu.memref_slice %arg6[%dma_start3A_324, %dma_start3A_326, %dma_start3A_327] : memref<2x64x512xf32, #tpu.memory_space<vmem>> -> memref<1x64x512xf32, #tpu.memory_space<vmem>>
    %dma_start3A_329 = tpu.memref_squeeze %dma_start3A_328 : memref<1x64x512xf32, #tpu.memory_space<vmem>> -> memref<64x512xf32, #tpu.memory_space<vmem>>
    %dma_start3A_330 = tpu.memref_slice %arg2[%add3A_311, %mul3A_0] : memref<16384x1000xf32, #tpu.memory_space<hbm>> -> memref<64x512xf32, #tpu.memory_space<hbm>>
    %dma_start3A_331 = tpu.memref_slice %arg10[%dma_start3A_325] : memref<2x!tpu.dma_semaphore, #tpu.memory_space<semaphore_mem>> -> memref<1x!tpu.dma_semaphore, #tpu.memory_space<semaphore_mem>>
    %dma_start3A_332 = tpu.memref_squeeze %dma_start3A_331 : memref<1x!tpu.dma_semaphore, #tpu.memory_space<semaphore_mem>> -> memref<!tpu.dma_semaphore, #tpu.memory_space<semaphore_mem>>
    %dma_start3A_333 = arith.constant 0 : i32
    %dma_start3A_334 = arith.constant 0 : i32
    %dma_start3A_335 = tpu.memref_slice %arg6[%dma_start3A_324, %dma_start3A_333, %dma_start3A_334] : memref<2x64x512xf32, #tpu.memory_space<vmem>> -> memref<1x64x512xf32, #tpu.memory_space<vmem>>
    %dma_start3A_336 = tpu.memref_squeeze %dma_start3A_335 : memref<1x64x512xf32, #tpu.memory_space<vmem>> -> memref<64x512xf32, #tpu.memory_space<vmem>>
    %dma_start3A_337 = tpu.memref_slice %arg2[%add3A_311, %mul3A_0] : memref<16384x1000xf32, #tpu.memory_space<hbm>> -> memref<64x512xf32, #tpu.memory_space<hbm>>
    tpu.enqueue_dma source(%dma_start3A_337 : memref<64x512xf32, #tpu.memory_space<hbm>>) target(%dma_start3A_336 : memref<64x512xf32, #tpu.memory_space<vmem>>) target_semaphore(%dma_start3A_332 : memref<!tpu.dma_semaphore, #tpu.memory_space<semaphore_mem>>)
    %dma_wait3A_338 = arith.constant 0 : i32
    %dma_wait3A_339 = arith.constant 0 : i32
    %dma_wait3A_340 = arith.constant 0 : i32
    %dma_wait3A_341 = tpu.memref_slice %arg7[%dma_wait3A_338, %dma_wait3A_340] : memref<2x64xi32, #tpu.memory_space<vmem>> -> memref<1x64xi32, #tpu.memory_space<vmem>>
    %dma_wait3A_342 = tpu.memref_squeeze %dma_wait3A_341 : memref<1x64xi32, #tpu.memory_space<vmem>> -> memref<64xi32, #tpu.memory_space<vmem>>
    %dma_wait3A_343 = arith.constant 0 : i32
    %dma_wait3A_344 = tpu.memref_slice %arg3[%dma_wait3A_343] : memref<16384xi32, #tpu.memory_space<hbm>> -> memref<64xi32, #tpu.memory_space<hbm>>
    %dma_wait3A_345 = tpu.memref_slice %arg10[%dma_wait3A_339] : memref<2x!tpu.dma_semaphore, #tpu.memory_space<semaphore_mem>> -> memref<1x!tpu.dma_semaphore, #tpu.memory_space<semaphore_mem>>
    %dma_wait3A_346 = tpu.memref_squeeze %dma_wait3A_345 : memref<1x!tpu.dma_semaphore, #tpu.memory_space<semaphore_mem>> -> memref<!tpu.dma_semaphore, #tpu.memory_space<semaphore_mem>>
    %dma_wait3A_347 = arith.constant 0 : i32
    %dma_wait3A_348 = tpu.memref_slice %arg7[%dma_wait3A_338, %dma_wait3A_347] : memref<2x64xi32, #tpu.memory_space<vmem>> -> memref<1x64xi32, #tpu.memory_space<vmem>>
    %dma_wait3A_349 = tpu.memref_squeeze %dma_wait3A_348 : memref<1x64xi32, #tpu.memory_space<vmem>> -> memref<64xi32, #tpu.memory_space<vmem>>
    %dma_wait3A_350 = arith.constant 0 : i32
    %dma_wait3A_351 = tpu.memref_slice %arg3[%dma_wait3A_350] : memref<16384xi32, #tpu.memory_space<hbm>> -> memref<64xi32, #tpu.memory_space<hbm>>
    tpu.wait_dma2 semaphore(%dma_wait3A_346 : memref<!tpu.dma_semaphore, #tpu.memory_space<semaphore_mem>>) src(%dma_wait3A_351 : memref<64xi32, #tpu.memory_space<hbm>>) dst(%dma_wait3A_349 : memref<64xi32, #tpu.memory_space<vmem>>)
    %dma_wait3A_352 = arith.constant 0 : i32
    %dma_wait3A_353 = arith.constant 0 : i32
    %dma_wait3A_354 = arith.constant 0 : i32
    %dma_wait3A_355 = arith.constant 0 : i32
    %dma_wait3A_356 = tpu.memref_slice %arg6[%dma_wait3A_352, %dma_wait3A_354, %dma_wait3A_355] : memref<2x64x512xf32, #tpu.memory_space<vmem>> -> memref<1x64x512xf32, #tpu.memory_space<vmem>>
    %dma_wait3A_357 = tpu.memref_squeeze %dma_wait3A_356 : memref<1x64x512xf32, #tpu.memory_space<vmem>> -> memref<64x512xf32, #tpu.memory_space<vmem>>
    %dma_wait3A_358 = arith.constant 0 : i32
    %dma_wait3A_359 = arith.constant 0 : i32
    %dma_wait3A_360 = tpu.memref_slice %arg2[%dma_wait3A_358, %dma_wait3A_359] : memref<16384x1000xf32, #tpu.memory_space<hbm>> -> memref<64x512xf32, #tpu.memory_space<hbm>>
    %dma_wait3A_361 = tpu.memref_slice %arg10[%dma_wait3A_353] : memref<2x!tpu.dma_semaphore, #tpu.memory_space<semaphore_mem>> -> memref<1x!tpu.dma_semaphore, #tpu.memory_space<semaphore_mem>>
    %dma_wait3A_362 = tpu.memref_squeeze %dma_wait3A_361 : memref<1x!tpu.dma_semaphore, #tpu.memory_space<semaphore_mem>> -> memref<!tpu.dma_semaphore, #tpu.memory_space<semaphore_mem>>
    %dma_wait3A_363 = arith.constant 0 : i32
    %dma_wait3A_364 = arith.constant 0 : i32
    %dma_wait3A_365 = tpu.memref_slice %arg6[%dma_wait3A_352, %dma_wait3A_363, %dma_wait3A_364] : memref<2x64x512xf32, #tpu.memory_space<vmem>> -> memref<1x64x512xf32, #tpu.memory_space<vmem>>
    %dma_wait3A_366 = tpu.memref_squeeze %dma_wait3A_365 : memref<1x64x512xf32, #tpu.memory_space<vmem>> -> memref<64x512xf32, #tpu.memory_space<vmem>>
    %dma_wait3A_367 = arith.constant 0 : i32
    %dma_wait3A_368 = arith.constant 0 : i32
    %dma_wait3A_369 = tpu.memref_slice %arg2[%dma_wait3A_367, %dma_wait3A_368] : memref<16384x1000xf32, #tpu.memory_space<hbm>> -> memref<64x512xf32, #tpu.memory_space<hbm>>
    tpu.wait_dma2 semaphore(%dma_wait3A_362 : memref<!tpu.dma_semaphore, #tpu.memory_space<semaphore_mem>>) src(%dma_wait3A_369 : memref<64x512xf32, #tpu.memory_space<hbm>>) dst(%dma_wait3A_366 : memref<64x512xf32, #tpu.memory_space<vmem>>)
    %run_scoped3A_370 = arith.constant 0 : i32
    %run_scoped3A_371 = arith.constant 0 : i32
    "tpu.region"() ({
      %run_scoped3A_1077 = tpu.sem_alloc : memref<!tpu.dma_semaphore, #tpu.memory_space<semaphore_mem>>
      %dma_start3A_1078 = arith.constant 0 : i32
      %dma_start3A_1079 = arith.constant 0 : i32
      %dma_start3A_1080 = tpu.memref_slice %arg6[%run_scoped3A_370, %dma_start3A_1078, %dma_start3A_1079] : memref<2x64x512xf32, #tpu.memory_space<vmem>> -> memref<1x64x512xf32, #tpu.memory_space<vmem>>
      %dma_start3A_1081 = tpu.memref_squeeze %dma_start3A_1080 : memref<1x64x512xf32, #tpu.memory_space<vmem>> -> memref<64x512xf32, #tpu.memory_space<vmem>>
      %dma_start3A_1082 = arith.constant 0 : i32
      %dma_start3A_1083 = tpu.memref_slice %arg7[%run_scoped3A_371, %dma_start3A_1082] : memref<2x64xi32, #tpu.memory_space<vmem>> -> memref<1x64xi32, #tpu.memory_space<vmem>>
      %dma_start3A_1084 = tpu.memref_squeeze %dma_start3A_1083 : memref<1x64xi32, #tpu.memory_space<vmem>> -> memref<64xi32, #tpu.memory_space<vmem>>
      %dma_start3A_1085 = arith.constant 0 : i32
      %dma_start3A_1086 = arith.constant 0 : i32
      %dma_start3A_1087 = tpu.memref_slice %arg11[%dma_start3A_1085, %dma_start3A_1086] : memref<1000x512xf32, #tpu.memory_space<vmem_shared>> -> memref<1000x512xf32, #tpu.memory_space<vmem_shared>>
      tpu.enqueue_indirect_dma source(%dma_start3A_1081 : memref<64x512xf32, #tpu.memory_space<vmem>>) target(%dma_start3A_1087 : memref<1000x512xf32, #tpu.memory_space<vmem_shared>>) offsets(%dma_start3A_1084 : memref<64xi32, #tpu.memory_space<vmem>>) semaphore(%run_scoped3A_1077 : memref<!tpu.dma_semaphore, #tpu.memory_space<semaphore_mem>>) {add = true}
      %dma_wait3A_1088 = arith.constant 0 : i32
      %dma_wait3A_1089 = arith.constant 0 : i32
      %dma_wait3A_1090 = tpu.memref_slice %arg6[%run_scoped3A_370, %dma_wait3A_1088, %dma_wait3A_1089] : memref<2x64x512xf32, #tpu.memory_space<vmem>> -> memref<1x64x512xf32, #tpu.memory_space<vmem>>
      %dma_wait3A_1091 = tpu.memref_squeeze %dma_wait3A_1090 : memref<1x64x512xf32, #tpu.memory_space<vmem>> -> memref<64x512xf32, #tpu.memory_space<vmem>>
      %dma_wait3A_1092 = arith.constant 0 : i32
      %dma_wait3A_1093 = tpu.memref_slice %arg7[%run_scoped3A_371, %dma_wait3A_1092] : memref<2x64xi32, #tpu.memory_space<vmem>> -> memref<1x64xi32, #tpu.memory_space<vmem>>
      %dma_wait3A_1094 = tpu.memref_squeeze %dma_wait3A_1093 : memref<1x64xi32, #tpu.memory_space<vmem>> -> memref<64xi32, #tpu.memory_space<vmem>>
      %dma_wait3A_1095 = arith.constant 0 : i32
      %dma_wait3A_1096 = arith.constant 0 : i32
      %dma_wait3A_1097 = tpu.memref_slice %arg11[%dma_wait3A_1095, %dma_wait3A_1096] : memref<1000x512xf32, #tpu.memory_space<vmem_shared>> -> memref<1000x512xf32, #tpu.memory_space<vmem_shared>>
      tpu.wait_indirect_dma semaphore(%run_scoped3A_1077 : memref<!tpu.dma_semaphore, #tpu.memory_space<semaphore_mem>>) src(%dma_wait3A_1091 : memref<64x512xf32, #tpu.memory_space<vmem>>) dst(%dma_wait3A_1097 : memref<1000x512xf32, #tpu.memory_space<vmem_shared>>)
      tpu.yield
    }) : () -> ()
    %convert_element_type3A_372 = arith.extui %eq3A_79 : i1 to i32
    %cond3A_373 = arith.constant 0 : i32
    %cond3A_374 = arith.cmpi ne, %convert_element_type3A_372, %cond3A_373 : i32
    scf.if %cond3A_374 {
      %run_scoped3A_1077 = arith.constant 0 : i32
      "tpu.region"() ({
        %run_scoped3A_1078 = tpu.sem_alloc : memref<!tpu.dma_semaphore, #tpu.memory_space<semaphore_mem>>
        %dma_start3A_1079 = arith.constant 0 : i32
        %dma_start3A_1080 = tpu.memref_slice %arg7[%run_scoped3A_1077, %dma_start3A_1079] : memref<2x64xi32, #tpu.memory_space<vmem>> -> memref<1x64xi32, #tpu.memory_space<vmem>>
        %dma_start3A_1081 = tpu.memref_squeeze %dma_start3A_1080 : memref<1x64xi32, #tpu.memory_space<vmem>> -> memref<64xi32, #tpu.memory_space<vmem>>
        %dma_start3A_1082 = arith.constant 0 : i32
        %dma_start3A_1083 = tpu.memref_slice %arg12[%dma_start3A_1082] : memref<1024xf32, #tpu.memory_space<vmem_shared>> -> memref<1024xf32, #tpu.memory_space<vmem_shared>>
        tpu.enqueue_indirect_dma source(%arg8 : memref<64xf32, #tpu.memory_space<vmem>>) target(%dma_start3A_1083 : memref<1024xf32, #tpu.memory_space<vmem_shared>>) offsets(%dma_start3A_1081 : memref<64xi32, #tpu.memory_space<vmem>>) semaphore(%run_scoped3A_1078 : memref<!tpu.dma_semaphore, #tpu.memory_space<semaphore_mem>>) {add = true}
        %dma_wait3A_1084 = arith.constant 0 : i32
        %dma_wait3A_1085 = tpu.memref_slice %arg7[%run_scoped3A_1077, %dma_wait3A_1084] : memref<2x64xi32, #tpu.memory_space<vmem>> -> memref<1x64xi32, #tpu.memory_space<vmem>>
        %dma_wait3A_1086 = tpu.memref_squeeze %dma_wait3A_1085 : memref<1x64xi32, #tpu.memory_space<vmem>> -> memref<64xi32, #tpu.memory_space<vmem>>
        %dma_wait3A_1087 = arith.constant 0 : i32
        %dma_wait3A_1088 = tpu.memref_slice %arg12[%dma_wait3A_1087] : memref<1024xf32, #tpu.memory_space<vmem_shared>> -> memref<1024xf32, #tpu.memory_space<vmem_shared>>
        tpu.wait_indirect_dma semaphore(%run_scoped3A_1078 : memref<!tpu.dma_semaphore, #tpu.memory_space<semaphore_mem>>) src(%arg8 : memref<64xf32, #tpu.memory_space<vmem>>) dst(%dma_wait3A_1088 : memref<1024xf32, #tpu.memory_space<vmem_shared>>)
        tpu.yield
      }) : () -> ()
    } else {
    }
    %add3A_375 = arith.constant 384 : i32
    %add3A_376 = arith.addi %mul3A_2, %add3A_375 : i32
    %dma_start3A_377 = arith.constant 0 : i32
    %dma_start3A_378 = arith.constant 0 : i32
    %dma_start3A_379 = arith.constant 0 : i32
    %dma_start3A_380 = tpu.memref_slice %arg7[%dma_start3A_377, %dma_start3A_379] : memref<2x64xi32, #tpu.memory_space<vmem>> -> memref<1x64xi32, #tpu.memory_space<vmem>>
    %dma_start3A_381 = tpu.memref_squeeze %dma_start3A_380 : memref<1x64xi32, #tpu.memory_space<vmem>> -> memref<64xi32, #tpu.memory_space<vmem>>
    %dma_start3A_382 = tpu.memref_slice %arg3[%add3A_376] : memref<16384xi32, #tpu.memory_space<hbm>> -> memref<64xi32, #tpu.memory_space<hbm>>
    %dma_start3A_383 = tpu.memref_slice %arg10[%dma_start3A_378] : memref<2x!tpu.dma_semaphore, #tpu.memory_space<semaphore_mem>> -> memref<1x!tpu.dma_semaphore, #tpu.memory_space<semaphore_mem>>
    %dma_start3A_384 = tpu.memref_squeeze %dma_start3A_383 : memref<1x!tpu.dma_semaphore, #tpu.memory_space<semaphore_mem>> -> memref<!tpu.dma_semaphore, #tpu.memory_space<semaphore_mem>>
    %dma_start3A_385 = arith.constant 0 : i32
    %dma_start3A_386 = tpu.memref_slice %arg7[%dma_start3A_377, %dma_start3A_385] : memref<2x64xi32, #tpu.memory_space<vmem>> -> memref<1x64xi32, #tpu.memory_space<vmem>>
    %dma_start3A_387 = tpu.memref_squeeze %dma_start3A_386 : memref<1x64xi32, #tpu.memory_space<vmem>> -> memref<64xi32, #tpu.memory_space<vmem>>
    %dma_start3A_388 = tpu.memref_slice %arg3[%add3A_376] : memref<16384xi32, #tpu.memory_space<hbm>> -> memref<64xi32, #tpu.memory_space<hbm>>
    tpu.enqueue_dma source(%dma_start3A_388 : memref<64xi32, #tpu.memory_space<hbm>>) target(%dma_start3A_387 : memref<64xi32, #tpu.memory_space<vmem>>) target_semaphore(%dma_start3A_384 : memref<!tpu.dma_semaphore, #tpu.memory_space<semaphore_mem>>)
    %dma_start3A_389 = arith.constant 0 : i32
    %dma_start3A_390 = arith.constant 0 : i32
    %dma_start3A_391 = arith.constant 0 : i32
    %dma_start3A_392 = arith.constant 0 : i32
    %dma_start3A_393 = tpu.memref_slice %arg6[%dma_start3A_389, %dma_start3A_391, %dma_start3A_392] : memref<2x64x512xf32, #tpu.memory_space<vmem>> -> memref<1x64x512xf32, #tpu.memory_space<vmem>>
    %dma_start3A_394 = tpu.memref_squeeze %dma_start3A_393 : memref<1x64x512xf32, #tpu.memory_space<vmem>> -> memref<64x512xf32, #tpu.memory_space<vmem>>
    %dma_start3A_395 = tpu.memref_slice %arg2[%add3A_376, %mul3A_0] : memref<16384x1000xf32, #tpu.memory_space<hbm>> -> memref<64x512xf32, #tpu.memory_space<hbm>>
    %dma_start3A_396 = tpu.memref_slice %arg10[%dma_start3A_390] : memref<2x!tpu.dma_semaphore, #tpu.memory_space<semaphore_mem>> -> memref<1x!tpu.dma_semaphore, #tpu.memory_space<semaphore_mem>>
    %dma_start3A_397 = tpu.memref_squeeze %dma_start3A_396 : memref<1x!tpu.dma_semaphore, #tpu.memory_space<semaphore_mem>> -> memref<!tpu.dma_semaphore, #tpu.memory_space<semaphore_mem>>
    %dma_start3A_398 = arith.constant 0 : i32
    %dma_start3A_399 = arith.constant 0 : i32
    %dma_start3A_400 = tpu.memref_slice %arg6[%dma_start3A_389, %dma_start3A_398, %dma_start3A_399] : memref<2x64x512xf32, #tpu.memory_space<vmem>> -> memref<1x64x512xf32, #tpu.memory_space<vmem>>
    %dma_start3A_401 = tpu.memref_squeeze %dma_start3A_400 : memref<1x64x512xf32, #tpu.memory_space<vmem>> -> memref<64x512xf32, #tpu.memory_space<vmem>>
    %dma_start3A_402 = tpu.memref_slice %arg2[%add3A_376, %mul3A_0] : memref<16384x1000xf32, #tpu.memory_space<hbm>> -> memref<64x512xf32, #tpu.memory_space<hbm>>
    tpu.enqueue_dma source(%dma_start3A_402 : memref<64x512xf32, #tpu.memory_space<hbm>>) target(%dma_start3A_401 : memref<64x512xf32, #tpu.memory_space<vmem>>) target_semaphore(%dma_start3A_397 : memref<!tpu.dma_semaphore, #tpu.memory_space<semaphore_mem>>)
    %dma_wait3A_403 = arith.constant 1 : i32
    %dma_wait3A_404 = arith.constant 1 : i32
    %dma_wait3A_405 = arith.constant 0 : i32
    %dma_wait3A_406 = tpu.memref_slice %arg7[%dma_wait3A_403, %dma_wait3A_405] : memref<2x64xi32, #tpu.memory_space<vmem>> -> memref<1x64xi32, #tpu.memory_space<vmem>>
    %dma_wait3A_407 = tpu.memref_squeeze %dma_wait3A_406 : memref<1x64xi32, #tpu.memory_space<vmem>> -> memref<64xi32, #tpu.memory_space<vmem>>
    %dma_wait3A_408 = arith.constant 0 : i32
    %dma_wait3A_409 = tpu.memref_slice %arg3[%dma_wait3A_408] : memref<16384xi32, #tpu.memory_space<hbm>> -> memref<64xi32, #tpu.memory_space<hbm>>
    %dma_wait3A_410 = tpu.memref_slice %arg10[%dma_wait3A_404] : memref<2x!tpu.dma_semaphore, #tpu.memory_space<semaphore_mem>> -> memref<1x!tpu.dma_semaphore, #tpu.memory_space<semaphore_mem>>
    %dma_wait3A_411 = tpu.memref_squeeze %dma_wait3A_410 : memref<1x!tpu.dma_semaphore, #tpu.memory_space<semaphore_mem>> -> memref<!tpu.dma_semaphore, #tpu.memory_space<semaphore_mem>>
    %dma_wait3A_412 = arith.constant 0 : i32
    %dma_wait3A_413 = tpu.memref_slice %arg7[%dma_wait3A_403, %dma_wait3A_412] : memref<2x64xi32, #tpu.memory_space<vmem>> -> memref<1x64xi32, #tpu.memory_space<vmem>>
    %dma_wait3A_414 = tpu.memref_squeeze %dma_wait3A_413 : memref<1x64xi32, #tpu.memory_space<vmem>> -> memref<64xi32, #tpu.memory_space<vmem>>
    %dma_wait3A_415 = arith.constant 0 : i32
    %dma_wait3A_416 = tpu.memref_slice %arg3[%dma_wait3A_415] : memref<16384xi32, #tpu.memory_space<hbm>> -> memref<64xi32, #tpu.memory_space<hbm>>
    tpu.wait_dma2 semaphore(%dma_wait3A_411 : memref<!tpu.dma_semaphore, #tpu.memory_space<semaphore_mem>>) src(%dma_wait3A_416 : memref<64xi32, #tpu.memory_space<hbm>>) dst(%dma_wait3A_414 : memref<64xi32, #tpu.memory_space<vmem>>)
    %dma_wait3A_417 = arith.constant 1 : i32
    %dma_wait3A_418 = arith.constant 1 : i32
    %dma_wait3A_419 = arith.constant 0 : i32
    %dma_wait3A_420 = arith.constant 0 : i32
    %dma_wait3A_421 = tpu.memref_slice %arg6[%dma_wait3A_417, %dma_wait3A_419, %dma_wait3A_420] : memref<2x64x512xf32, #tpu.memory_space<vmem>> -> memref<1x64x512xf32, #tpu.memory_space<vmem>>
    %dma_wait3A_422 = tpu.memref_squeeze %dma_wait3A_421 : memref<1x64x512xf32, #tpu.memory_space<vmem>> -> memref<64x512xf32, #tpu.memory_space<vmem>>
    %dma_wait3A_423 = arith.constant 0 : i32
    %dma_wait3A_424 = arith.constant 0 : i32
    %dma_wait3A_425 = tpu.memref_slice %arg2[%dma_wait3A_423, %dma_wait3A_424] : memref<16384x1000xf32, #tpu.memory_space<hbm>> -> memref<64x512xf32, #tpu.memory_space<hbm>>
    %dma_wait3A_426 = tpu.memref_slice %arg10[%dma_wait3A_418] : memref<2x!tpu.dma_semaphore, #tpu.memory_space<semaphore_mem>> -> memref<1x!tpu.dma_semaphore, #tpu.memory_space<semaphore_mem>>
    %dma_wait3A_427 = tpu.memref_squeeze %dma_wait3A_426 : memref<1x!tpu.dma_semaphore, #tpu.memory_space<semaphore_mem>> -> memref<!tpu.dma_semaphore, #tpu.memory_space<semaphore_mem>>
    %dma_wait3A_428 = arith.constant 0 : i32
    %dma_wait3A_429 = arith.constant 0 : i32
    %dma_wait3A_430 = tpu.memref_slice %arg6[%dma_wait3A_417, %dma_wait3A_428, %dma_wait3A_429] : memref<2x64x512xf32, #tpu.memory_space<vmem>> -> memref<1x64x512xf32, #tpu.memory_space<vmem>>
    %dma_wait3A_431 = tpu.memref_squeeze %dma_wait3A_430 : memref<1x64x512xf32, #tpu.memory_space<vmem>> -> memref<64x512xf32, #tpu.memory_space<vmem>>
    %dma_wait3A_432 = arith.constant 0 : i32
    %dma_wait3A_433 = arith.constant 0 : i32
    %dma_wait3A_434 = tpu.memref_slice %arg2[%dma_wait3A_432, %dma_wait3A_433] : memref<16384x1000xf32, #tpu.memory_space<hbm>> -> memref<64x512xf32, #tpu.memory_space<hbm>>
    tpu.wait_dma2 semaphore(%dma_wait3A_427 : memref<!tpu.dma_semaphore, #tpu.memory_space<semaphore_mem>>) src(%dma_wait3A_434 : memref<64x512xf32, #tpu.memory_space<hbm>>) dst(%dma_wait3A_431 : memref<64x512xf32, #tpu.memory_space<vmem>>)
    %run_scoped3A_435 = arith.constant 1 : i32
    %run_scoped3A_436 = arith.constant 1 : i32
    "tpu.region"() ({
      %run_scoped3A_1077 = tpu.sem_alloc : memref<!tpu.dma_semaphore, #tpu.memory_space<semaphore_mem>>
      %dma_start3A_1078 = arith.constant 0 : i32
      %dma_start3A_1079 = arith.constant 0 : i32
      %dma_start3A_1080 = tpu.memref_slice %arg6[%run_scoped3A_435, %dma_start3A_1078, %dma_start3A_1079] : memref<2x64x512xf32, #tpu.memory_space<vmem>> -> memref<1x64x512xf32, #tpu.memory_space<vmem>>
      %dma_start3A_1081 = tpu.memref_squeeze %dma_start3A_1080 : memref<1x64x512xf32, #tpu.memory_space<vmem>> -> memref<64x512xf32, #tpu.memory_space<vmem>>
      %dma_start3A_1082 = arith.constant 0 : i32
      %dma_start3A_1083 = tpu.memref_slice %arg7[%run_scoped3A_436, %dma_start3A_1082] : memref<2x64xi32, #tpu.memory_space<vmem>> -> memref<1x64xi32, #tpu.memory_space<vmem>>
      %dma_start3A_1084 = tpu.memref_squeeze %dma_start3A_1083 : memref<1x64xi32, #tpu.memory_space<vmem>> -> memref<64xi32, #tpu.memory_space<vmem>>
      %dma_start3A_1085 = arith.constant 0 : i32
      %dma_start3A_1086 = arith.constant 0 : i32
      %dma_start3A_1087 = tpu.memref_slice %arg11[%dma_start3A_1085, %dma_start3A_1086] : memref<1000x512xf32, #tpu.memory_space<vmem_shared>> -> memref<1000x512xf32, #tpu.memory_space<vmem_shared>>
      tpu.enqueue_indirect_dma source(%dma_start3A_1081 : memref<64x512xf32, #tpu.memory_space<vmem>>) target(%dma_start3A_1087 : memref<1000x512xf32, #tpu.memory_space<vmem_shared>>) offsets(%dma_start3A_1084 : memref<64xi32, #tpu.memory_space<vmem>>) semaphore(%run_scoped3A_1077 : memref<!tpu.dma_semaphore, #tpu.memory_space<semaphore_mem>>) {add = true}
      %dma_wait3A_1088 = arith.constant 0 : i32
      %dma_wait3A_1089 = arith.constant 0 : i32
      %dma_wait3A_1090 = tpu.memref_slice %arg6[%run_scoped3A_435, %dma_wait3A_1088, %dma_wait3A_1089] : memref<2x64x512xf32, #tpu.memory_space<vmem>> -> memref<1x64x512xf32, #tpu.memory_space<vmem>>
      %dma_wait3A_1091 = tpu.memref_squeeze %dma_wait3A_1090 : memref<1x64x512xf32, #tpu.memory_space<vmem>> -> memref<64x512xf32, #tpu.memory_space<vmem>>
      %dma_wait3A_1092 = arith.constant 0 : i32
      %dma_wait3A_1093 = tpu.memref_slice %arg7[%run_scoped3A_436, %dma_wait3A_1092] : memref<2x64xi32, #tpu.memory_space<vmem>> -> memref<1x64xi32, #tpu.memory_space<vmem>>
      %dma_wait3A_1094 = tpu.memref_squeeze %dma_wait3A_1093 : memref<1x64xi32, #tpu.memory_space<vmem>> -> memref<64xi32, #tpu.memory_space<vmem>>
      %dma_wait3A_1095 = arith.constant 0 : i32
      %dma_wait3A_1096 = arith.constant 0 : i32
      %dma_wait3A_1097 = tpu.memref_slice %arg11[%dma_wait3A_1095, %dma_wait3A_1096] : memref<1000x512xf32, #tpu.memory_space<vmem_shared>> -> memref<1000x512xf32, #tpu.memory_space<vmem_shared>>
      tpu.wait_indirect_dma semaphore(%run_scoped3A_1077 : memref<!tpu.dma_semaphore, #tpu.memory_space<semaphore_mem>>) src(%dma_wait3A_1091 : memref<64x512xf32, #tpu.memory_space<vmem>>) dst(%dma_wait3A_1097 : memref<1000x512xf32, #tpu.memory_space<vmem_shared>>)
      tpu.yield
    }) : () -> ()
    %convert_element_type3A_437 = arith.extui %eq3A_79 : i1 to i32
    %cond3A_438 = arith.constant 0 : i32
    %cond3A_439 = arith.cmpi ne, %convert_element_type3A_437, %cond3A_438 : i32
    scf.if %cond3A_439 {
      %run_scoped3A_1077 = arith.constant 1 : i32
      "tpu.region"() ({
        %run_scoped3A_1078 = tpu.sem_alloc : memref<!tpu.dma_semaphore, #tpu.memory_space<semaphore_mem>>
        %dma_start3A_1079 = arith.constant 0 : i32
        %dma_start3A_1080 = tpu.memref_slice %arg7[%run_scoped3A_1077, %dma_start3A_1079] : memref<2x64xi32, #tpu.memory_space<vmem>> -> memref<1x64xi32, #tpu.memory_space<vmem>>
        %dma_start3A_1081 = tpu.memref_squeeze %dma_start3A_1080 : memref<1x64xi32, #tpu.memory_space<vmem>> -> memref<64xi32, #tpu.memory_space<vmem>>
        %dma_start3A_1082 = arith.constant 0 : i32
        %dma_start3A_1083 = tpu.memref_slice %arg12[%dma_start3A_1082] : memref<1024xf32, #tpu.memory_space<vmem_shared>> -> memref<1024xf32, #tpu.memory_space<vmem_shared>>
        tpu.enqueue_indirect_dma source(%arg8 : memref<64xf32, #tpu.memory_space<vmem>>) target(%dma_start3A_1083 : memref<1024xf32, #tpu.memory_space<vmem_shared>>) offsets(%dma_start3A_1081 : memref<64xi32, #tpu.memory_space<vmem>>) semaphore(%run_scoped3A_1078 : memref<!tpu.dma_semaphore, #tpu.memory_space<semaphore_mem>>) {add = true}
        %dma_wait3A_1084 = arith.constant 0 : i32
        %dma_wait3A_1085 = tpu.memref_slice %arg7[%run_scoped3A_1077, %dma_wait3A_1084] : memref<2x64xi32, #tpu.memory_space<vmem>> -> memref<1x64xi32, #tpu.memory_space<vmem>>
        %dma_wait3A_1086 = tpu.memref_squeeze %dma_wait3A_1085 : memref<1x64xi32, #tpu.memory_space<vmem>> -> memref<64xi32, #tpu.memory_space<vmem>>
        %dma_wait3A_1087 = arith.constant 0 : i32
        %dma_wait3A_1088 = tpu.memref_slice %arg12[%dma_wait3A_1087] : memref<1024xf32, #tpu.memory_space<vmem_shared>> -> memref<1024xf32, #tpu.memory_space<vmem_shared>>
        tpu.wait_indirect_dma semaphore(%run_scoped3A_1078 : memref<!tpu.dma_semaphore, #tpu.memory_space<semaphore_mem>>) src(%arg8 : memref<64xf32, #tpu.memory_space<vmem>>) dst(%dma_wait3A_1088 : memref<1024xf32, #tpu.memory_space<vmem_shared>>)
        tpu.yield
      }) : () -> ()
    } else {
    }
    %add3A_440 = arith.constant 448 : i32
    %add3A_441 = arith.addi %mul3A_2, %add3A_440 : i32
    %dma_start3A_442 = arith.constant 1 : i32
    %dma_start3A_443 = arith.constant 1 : i32
    %dma_start3A_444 = arith.constant 0 : i32
    %dma_start3A_445 = tpu.memref_slice %arg7[%dma_start3A_442, %dma_start3A_444] : memref<2x64xi32, #tpu.memory_space<vmem>> -> memref<1x64xi32, #tpu.memory_space<vmem>>
    %dma_start3A_446 = tpu.memref_squeeze %dma_start3A_445 : memref<1x64xi32, #tpu.memory_space<vmem>> -> memref<64xi32, #tpu.memory_space<vmem>>
    %dma_start3A_447 = tpu.memref_slice %arg3[%add3A_441] : memref<16384xi32, #tpu.memory_space<hbm>> -> memref<64xi32, #tpu.memory_space<hbm>>
    %dma_start3A_448 = tpu.memref_slice %arg10[%dma_start3A_443] : memref<2x!tpu.dma_semaphore, #tpu.memory_space<semaphore_mem>> -> memref<1x!tpu.dma_semaphore, #tpu.memory_space<semaphore_mem>>
    %dma_start3A_449 = tpu.memref_squeeze %dma_start3A_448 : memref<1x!tpu.dma_semaphore, #tpu.memory_space<semaphore_mem>> -> memref<!tpu.dma_semaphore, #tpu.memory_space<semaphore_mem>>
    %dma_start3A_450 = arith.constant 0 : i32
    %dma_start3A_451 = tpu.memref_slice %arg7[%dma_start3A_442, %dma_start3A_450] : memref<2x64xi32, #tpu.memory_space<vmem>> -> memref<1x64xi32, #tpu.memory_space<vmem>>
    %dma_start3A_452 = tpu.memref_squeeze %dma_start3A_451 : memref<1x64xi32, #tpu.memory_space<vmem>> -> memref<64xi32, #tpu.memory_space<vmem>>
    %dma_start3A_453 = tpu.memref_slice %arg3[%add3A_441] : memref<16384xi32, #tpu.memory_space<hbm>> -> memref<64xi32, #tpu.memory_space<hbm>>
    tpu.enqueue_dma source(%dma_start3A_453 : memref<64xi32, #tpu.memory_space<hbm>>) target(%dma_start3A_452 : memref<64xi32, #tpu.memory_space<vmem>>) target_semaphore(%dma_start3A_449 : memref<!tpu.dma_semaphore, #tpu.memory_space<semaphore_mem>>)
    %dma_start3A_454 = arith.constant 1 : i32
    %dma_start3A_455 = arith.constant 1 : i32
    %dma_start3A_456 = arith.constant 0 : i32
    %dma_start3A_457 = arith.constant 0 : i32
    %dma_start3A_458 = tpu.memref_slice %arg6[%dma_start3A_454, %dma_start3A_456, %dma_start3A_457] : memref<2x64x512xf32, #tpu.memory_space<vmem>> -> memref<1x64x512xf32, #tpu.memory_space<vmem>>
    %dma_start3A_459 = tpu.memref_squeeze %dma_start3A_458 : memref<1x64x512xf32, #tpu.memory_space<vmem>> -> memref<64x512xf32, #tpu.memory_space<vmem>>
    %dma_start3A_460 = tpu.memref_slice %arg2[%add3A_441, %mul3A_0] : memref<16384x1000xf32, #tpu.memory_space<hbm>> -> memref<64x512xf32, #tpu.memory_space<hbm>>
    %dma_start3A_461 = tpu.memref_slice %arg10[%dma_start3A_455] : memref<2x!tpu.dma_semaphore, #tpu.memory_space<semaphore_mem>> -> memref<1x!tpu.dma_semaphore, #tpu.memory_space<semaphore_mem>>
    %dma_start3A_462 = tpu.memref_squeeze %dma_start3A_461 : memref<1x!tpu.dma_semaphore, #tpu.memory_space<semaphore_mem>> -> memref<!tpu.dma_semaphore, #tpu.memory_space<semaphore_mem>>
    %dma_start3A_463 = arith.constant 0 : i32
    %dma_start3A_464 = arith.constant 0 : i32
    %dma_start3A_465 = tpu.memref_slice %arg6[%dma_start3A_454, %dma_start3A_463, %dma_start3A_464] : memref<2x64x512xf32, #tpu.memory_space<vmem>> -> memref<1x64x512xf32, #tpu.memory_space<vmem>>
    %dma_start3A_466 = tpu.memref_squeeze %dma_start3A_465 : memref<1x64x512xf32, #tpu.memory_space<vmem>> -> memref<64x512xf32, #tpu.memory_space<vmem>>
    %dma_start3A_467 = tpu.memref_slice %arg2[%add3A_441, %mul3A_0] : memref<16384x1000xf32, #tpu.memory_space<hbm>> -> memref<64x512xf32, #tpu.memory_space<hbm>>
    tpu.enqueue_dma source(%dma_start3A_467 : memref<64x512xf32, #tpu.memory_space<hbm>>) target(%dma_start3A_466 : memref<64x512xf32, #tpu.memory_space<vmem>>) target_semaphore(%dma_start3A_462 : memref<!tpu.dma_semaphore, #tpu.memory_space<semaphore_mem>>)
    %dma_wait3A_468 = arith.constant 0 : i32
    %dma_wait3A_469 = arith.constant 0 : i32
    %dma_wait3A_470 = arith.constant 0 : i32
    %dma_wait3A_471 = tpu.memref_slice %arg7[%dma_wait3A_468, %dma_wait3A_470] : memref<2x64xi32, #tpu.memory_space<vmem>> -> memref<1x64xi32, #tpu.memory_space<vmem>>
    %dma_wait3A_472 = tpu.memref_squeeze %dma_wait3A_471 : memref<1x64xi32, #tpu.memory_space<vmem>> -> memref<64xi32, #tpu.memory_space<vmem>>
    %dma_wait3A_473 = arith.constant 0 : i32
    %dma_wait3A_474 = tpu.memref_slice %arg3[%dma_wait3A_473] : memref<16384xi32, #tpu.memory_space<hbm>> -> memref<64xi32, #tpu.memory_space<hbm>>
    %dma_wait3A_475 = tpu.memref_slice %arg10[%dma_wait3A_469] : memref<2x!tpu.dma_semaphore, #tpu.memory_space<semaphore_mem>> -> memref<1x!tpu.dma_semaphore, #tpu.memory_space<semaphore_mem>>
    %dma_wait3A_476 = tpu.memref_squeeze %dma_wait3A_475 : memref<1x!tpu.dma_semaphore, #tpu.memory_space<semaphore_mem>> -> memref<!tpu.dma_semaphore, #tpu.memory_space<semaphore_mem>>
    %dma_wait3A_477 = arith.constant 0 : i32
    %dma_wait3A_478 = tpu.memref_slice %arg7[%dma_wait3A_468, %dma_wait3A_477] : memref<2x64xi32, #tpu.memory_space<vmem>> -> memref<1x64xi32, #tpu.memory_space<vmem>>
    %dma_wait3A_479 = tpu.memref_squeeze %dma_wait3A_478 : memref<1x64xi32, #tpu.memory_space<vmem>> -> memref<64xi32, #tpu.memory_space<vmem>>
    %dma_wait3A_480 = arith.constant 0 : i32
    %dma_wait3A_481 = tpu.memref_slice %arg3[%dma_wait3A_480] : memref<16384xi32, #tpu.memory_space<hbm>> -> memref<64xi32, #tpu.memory_space<hbm>>
    tpu.wait_dma2 semaphore(%dma_wait3A_476 : memref<!tpu.dma_semaphore, #tpu.memory_space<semaphore_mem>>) src(%dma_wait3A_481 : memref<64xi32, #tpu.memory_space<hbm>>) dst(%dma_wait3A_479 : memref<64xi32, #tpu.memory_space<vmem>>)
    %dma_wait3A_482 = arith.constant 0 : i32
    %dma_wait3A_483 = arith.constant 0 : i32
    %dma_wait3A_484 = arith.constant 0 : i32
    %dma_wait3A_485 = arith.constant 0 : i32
    %dma_wait3A_486 = tpu.memref_slice %arg6[%dma_wait3A_482, %dma_wait3A_484, %dma_wait3A_485] : memref<2x64x512xf32, #tpu.memory_space<vmem>> -> memref<1x64x512xf32, #tpu.memory_space<vmem>>
    %dma_wait3A_487 = tpu.memref_squeeze %dma_wait3A_486 : memref<1x64x512xf32, #tpu.memory_space<vmem>> -> memref<64x512xf32, #tpu.memory_space<vmem>>
    %dma_wait3A_488 = arith.constant 0 : i32
    %dma_wait3A_489 = arith.constant 0 : i32
    %dma_wait3A_490 = tpu.memref_slice %arg2[%dma_wait3A_488, %dma_wait3A_489] : memref<16384x1000xf32, #tpu.memory_space<hbm>> -> memref<64x512xf32, #tpu.memory_space<hbm>>
    %dma_wait3A_491 = tpu.memref_slice %arg10[%dma_wait3A_483] : memref<2x!tpu.dma_semaphore, #tpu.memory_space<semaphore_mem>> -> memref<1x!tpu.dma_semaphore, #tpu.memory_space<semaphore_mem>>
    %dma_wait3A_492 = tpu.memref_squeeze %dma_wait3A_491 : memref<1x!tpu.dma_semaphore, #tpu.memory_space<semaphore_mem>> -> memref<!tpu.dma_semaphore, #tpu.memory_space<semaphore_mem>>
    %dma_wait3A_493 = arith.constant 0 : i32
    %dma_wait3A_494 = arith.constant 0 : i32
    %dma_wait3A_495 = tpu.memref_slice %arg6[%dma_wait3A_482, %dma_wait3A_493, %dma_wait3A_494] : memref<2x64x512xf32, #tpu.memory_space<vmem>> -> memref<1x64x512xf32, #tpu.memory_space<vmem>>
    %dma_wait3A_496 = tpu.memref_squeeze %dma_wait3A_495 : memref<1x64x512xf32, #tpu.memory_space<vmem>> -> memref<64x512xf32, #tpu.memory_space<vmem>>
    %dma_wait3A_497 = arith.constant 0 : i32
    %dma_wait3A_498 = arith.constant 0 : i32
    %dma_wait3A_499 = tpu.memref_slice %arg2[%dma_wait3A_497, %dma_wait3A_498] : memref<16384x1000xf32, #tpu.memory_space<hbm>> -> memref<64x512xf32, #tpu.memory_space<hbm>>
    tpu.wait_dma2 semaphore(%dma_wait3A_492 : memref<!tpu.dma_semaphore, #tpu.memory_space<semaphore_mem>>) src(%dma_wait3A_499 : memref<64x512xf32, #tpu.memory_space<hbm>>) dst(%dma_wait3A_496 : memref<64x512xf32, #tpu.memory_space<vmem>>)
    %run_scoped3A_500 = arith.constant 0 : i32
    %run_scoped3A_501 = arith.constant 0 : i32
    "tpu.region"() ({
      %run_scoped3A_1077 = tpu.sem_alloc : memref<!tpu.dma_semaphore, #tpu.memory_space<semaphore_mem>>
      %dma_start3A_1078 = arith.constant 0 : i32
      %dma_start3A_1079 = arith.constant 0 : i32
      %dma_start3A_1080 = tpu.memref_slice %arg6[%run_scoped3A_500, %dma_start3A_1078, %dma_start3A_1079] : memref<2x64x512xf32, #tpu.memory_space<vmem>> -> memref<1x64x512xf32, #tpu.memory_space<vmem>>
      %dma_start3A_1081 = tpu.memref_squeeze %dma_start3A_1080 : memref<1x64x512xf32, #tpu.memory_space<vmem>> -> memref<64x512xf32, #tpu.memory_space<vmem>>
      %dma_start3A_1082 = arith.constant 0 : i32
      %dma_start3A_1083 = tpu.memref_slice %arg7[%run_scoped3A_501, %dma_start3A_1082] : memref<2x64xi32, #tpu.memory_space<vmem>> -> memref<1x64xi32, #tpu.memory_space<vmem>>
      %dma_start3A_1084 = tpu.memref_squeeze %dma_start3A_1083 : memref<1x64xi32, #tpu.memory_space<vmem>> -> memref<64xi32, #tpu.memory_space<vmem>>
      %dma_start3A_1085 = arith.constant 0 : i32
      %dma_start3A_1086 = arith.constant 0 : i32
      %dma_start3A_1087 = tpu.memref_slice %arg11[%dma_start3A_1085, %dma_start3A_1086] : memref<1000x512xf32, #tpu.memory_space<vmem_shared>> -> memref<1000x512xf32, #tpu.memory_space<vmem_shared>>
      tpu.enqueue_indirect_dma source(%dma_start3A_1081 : memref<64x512xf32, #tpu.memory_space<vmem>>) target(%dma_start3A_1087 : memref<1000x512xf32, #tpu.memory_space<vmem_shared>>) offsets(%dma_start3A_1084 : memref<64xi32, #tpu.memory_space<vmem>>) semaphore(%run_scoped3A_1077 : memref<!tpu.dma_semaphore, #tpu.memory_space<semaphore_mem>>) {add = true}
      %dma_wait3A_1088 = arith.constant 0 : i32
      %dma_wait3A_1089 = arith.constant 0 : i32
      %dma_wait3A_1090 = tpu.memref_slice %arg6[%run_scoped3A_500, %dma_wait3A_1088, %dma_wait3A_1089] : memref<2x64x512xf32, #tpu.memory_space<vmem>> -> memref<1x64x512xf32, #tpu.memory_space<vmem>>
      %dma_wait3A_1091 = tpu.memref_squeeze %dma_wait3A_1090 : memref<1x64x512xf32, #tpu.memory_space<vmem>> -> memref<64x512xf32, #tpu.memory_space<vmem>>
      %dma_wait3A_1092 = arith.constant 0 : i32
      %dma_wait3A_1093 = tpu.memref_slice %arg7[%run_scoped3A_501, %dma_wait3A_1092] : memref<2x64xi32, #tpu.memory_space<vmem>> -> memref<1x64xi32, #tpu.memory_space<vmem>>
      %dma_wait3A_1094 = tpu.memref_squeeze %dma_wait3A_1093 : memref<1x64xi32, #tpu.memory_space<vmem>> -> memref<64xi32, #tpu.memory_space<vmem>>
      %dma_wait3A_1095 = arith.constant 0 : i32
      %dma_wait3A_1096 = arith.constant 0 : i32
      %dma_wait3A_1097 = tpu.memref_slice %arg11[%dma_wait3A_1095, %dma_wait3A_1096] : memref<1000x512xf32, #tpu.memory_space<vmem_shared>> -> memref<1000x512xf32, #tpu.memory_space<vmem_shared>>
      tpu.wait_indirect_dma semaphore(%run_scoped3A_1077 : memref<!tpu.dma_semaphore, #tpu.memory_space<semaphore_mem>>) src(%dma_wait3A_1091 : memref<64x512xf32, #tpu.memory_space<vmem>>) dst(%dma_wait3A_1097 : memref<1000x512xf32, #tpu.memory_space<vmem_shared>>)
      tpu.yield
    }) : () -> ()
    %convert_element_type3A_502 = arith.extui %eq3A_79 : i1 to i32
    %cond3A_503 = arith.constant 0 : i32
    %cond3A_504 = arith.cmpi ne, %convert_element_type3A_502, %cond3A_503 : i32
    scf.if %cond3A_504 {
      %run_scoped3A_1077 = arith.constant 0 : i32
      "tpu.region"() ({
        %run_scoped3A_1078 = tpu.sem_alloc : memref<!tpu.dma_semaphore, #tpu.memory_space<semaphore_mem>>
        %dma_start3A_1079 = arith.constant 0 : i32
        %dma_start3A_1080 = tpu.memref_slice %arg7[%run_scoped3A_1077, %dma_start3A_1079] : memref<2x64xi32, #tpu.memory_space<vmem>> -> memref<1x64xi32, #tpu.memory_space<vmem>>
        %dma_start3A_1081 = tpu.memref_squeeze %dma_start3A_1080 : memref<1x64xi32, #tpu.memory_space<vmem>> -> memref<64xi32, #tpu.memory_space<vmem>>
        %dma_start3A_1082 = arith.constant 0 : i32
        %dma_start3A_1083 = tpu.memref_slice %arg12[%dma_start3A_1082] : memref<1024xf32, #tpu.memory_space<vmem_shared>> -> memref<1024xf32, #tpu.memory_space<vmem_shared>>
        tpu.enqueue_indirect_dma source(%arg8 : memref<64xf32, #tpu.memory_space<vmem>>) target(%dma_start3A_1083 : memref<1024xf32, #tpu.memory_space<vmem_shared>>) offsets(%dma_start3A_1081 : memref<64xi32, #tpu.memory_space<vmem>>) semaphore(%run_scoped3A_1078 : memref<!tpu.dma_semaphore, #tpu.memory_space<semaphore_mem>>) {add = true}
        %dma_wait3A_1084 = arith.constant 0 : i32
        %dma_wait3A_1085 = tpu.memref_slice %arg7[%run_scoped3A_1077, %dma_wait3A_1084] : memref<2x64xi32, #tpu.memory_space<vmem>> -> memref<1x64xi32, #tpu.memory_space<vmem>>
        %dma_wait3A_1086 = tpu.memref_squeeze %dma_wait3A_1085 : memref<1x64xi32, #tpu.memory_space<vmem>> -> memref<64xi32, #tpu.memory_space<vmem>>
        %dma_wait3A_1087 = arith.constant 0 : i32
        %dma_wait3A_1088 = tpu.memref_slice %arg12[%dma_wait3A_1087] : memref<1024xf32, #tpu.memory_space<vmem_shared>> -> memref<1024xf32, #tpu.memory_space<vmem_shared>>
        tpu.wait_indirect_dma semaphore(%run_scoped3A_1078 : memref<!tpu.dma_semaphore, #tpu.memory_space<semaphore_mem>>) src(%arg8 : memref<64xf32, #tpu.memory_space<vmem>>) dst(%dma_wait3A_1088 : memref<1024xf32, #tpu.memory_space<vmem_shared>>)
        tpu.yield
      }) : () -> ()
    } else {
    }
    %add3A_505 = arith.constant 512 : i32
    %add3A_506 = arith.addi %mul3A_2, %add3A_505 : i32
    %dma_start3A_507 = arith.constant 0 : i32
    %dma_start3A_508 = arith.constant 0 : i32
    %dma_start3A_509 = arith.constant 0 : i32
    %dma_start3A_510 = tpu.memref_slice %arg7[%dma_start3A_507, %dma_start3A_509] : memref<2x64xi32, #tpu.memory_space<vmem>> -> memref<1x64xi32, #tpu.memory_space<vmem>>
    %dma_start3A_511 = tpu.memref_squeeze %dma_start3A_510 : memref<1x64xi32, #tpu.memory_space<vmem>> -> memref<64xi32, #tpu.memory_space<vmem>>
    %dma_start3A_512 = tpu.memref_slice %arg3[%add3A_506] : memref<16384xi32, #tpu.memory_space<hbm>> -> memref<64xi32, #tpu.memory_space<hbm>>
    %dma_start3A_513 = tpu.memref_slice %arg10[%dma_start3A_508] : memref<2x!tpu.dma_semaphore, #tpu.memory_space<semaphore_mem>> -> memref<1x!tpu.dma_semaphore, #tpu.memory_space<semaphore_mem>>
    %dma_start3A_514 = tpu.memref_squeeze %dma_start3A_513 : memref<1x!tpu.dma_semaphore, #tpu.memory_space<semaphore_mem>> -> memref<!tpu.dma_semaphore, #tpu.memory_space<semaphore_mem>>
    %dma_start3A_515 = arith.constant 0 : i32
    %dma_start3A_516 = tpu.memref_slice %arg7[%dma_start3A_507, %dma_start3A_515] : memref<2x64xi32, #tpu.memory_space<vmem>> -> memref<1x64xi32, #tpu.memory_space<vmem>>
    %dma_start3A_517 = tpu.memref_squeeze %dma_start3A_516 : memref<1x64xi32, #tpu.memory_space<vmem>> -> memref<64xi32, #tpu.memory_space<vmem>>
    %dma_start3A_518 = tpu.memref_slice %arg3[%add3A_506] : memref<16384xi32, #tpu.memory_space<hbm>> -> memref<64xi32, #tpu.memory_space<hbm>>
    tpu.enqueue_dma source(%dma_start3A_518 : memref<64xi32, #tpu.memory_space<hbm>>) target(%dma_start3A_517 : memref<64xi32, #tpu.memory_space<vmem>>) target_semaphore(%dma_start3A_514 : memref<!tpu.dma_semaphore, #tpu.memory_space<semaphore_mem>>)
    %dma_start3A_519 = arith.constant 0 : i32
    %dma_start3A_520 = arith.constant 0 : i32
    %dma_start3A_521 = arith.constant 0 : i32
    %dma_start3A_522 = arith.constant 0 : i32
    %dma_start3A_523 = tpu.memref_slice %arg6[%dma_start3A_519, %dma_start3A_521, %dma_start3A_522] : memref<2x64x512xf32, #tpu.memory_space<vmem>> -> memref<1x64x512xf32, #tpu.memory_space<vmem>>
    %dma_start3A_524 = tpu.memref_squeeze %dma_start3A_523 : memref<1x64x512xf32, #tpu.memory_space<vmem>> -> memref<64x512xf32, #tpu.memory_space<vmem>>
    %dma_start3A_525 = tpu.memref_slice %arg2[%add3A_506, %mul3A_0] : memref<16384x1000xf32, #tpu.memory_space<hbm>> -> memref<64x512xf32, #tpu.memory_space<hbm>>
    %dma_start3A_526 = tpu.memref_slice %arg10[%dma_start3A_520] : memref<2x!tpu.dma_semaphore, #tpu.memory_space<semaphore_mem>> -> memref<1x!tpu.dma_semaphore, #tpu.memory_space<semaphore_mem>>
    %dma_start3A_527 = tpu.memref_squeeze %dma_start3A_526 : memref<1x!tpu.dma_semaphore, #tpu.memory_space<semaphore_mem>> -> memref<!tpu.dma_semaphore, #tpu.memory_space<semaphore_mem>>
    %dma_start3A_528 = arith.constant 0 : i32
    %dma_start3A_529 = arith.constant 0 : i32
    %dma_start3A_530 = tpu.memref_slice %arg6[%dma_start3A_519, %dma_start3A_528, %dma_start3A_529] : memref<2x64x512xf32, #tpu.memory_space<vmem>> -> memref<1x64x512xf32, #tpu.memory_space<vmem>>
    %dma_start3A_531 = tpu.memref_squeeze %dma_start3A_530 : memref<1x64x512xf32, #tpu.memory_space<vmem>> -> memref<64x512xf32, #tpu.memory_space<vmem>>
    %dma_start3A_532 = tpu.memref_slice %arg2[%add3A_506, %mul3A_0] : memref<16384x1000xf32, #tpu.memory_space<hbm>> -> memref<64x512xf32, #tpu.memory_space<hbm>>
    tpu.enqueue_dma source(%dma_start3A_532 : memref<64x512xf32, #tpu.memory_space<hbm>>) target(%dma_start3A_531 : memref<64x512xf32, #tpu.memory_space<vmem>>) target_semaphore(%dma_start3A_527 : memref<!tpu.dma_semaphore, #tpu.memory_space<semaphore_mem>>)
    %dma_wait3A_533 = arith.constant 1 : i32
    %dma_wait3A_534 = arith.constant 1 : i32
    %dma_wait3A_535 = arith.constant 0 : i32
    %dma_wait3A_536 = tpu.memref_slice %arg7[%dma_wait3A_533, %dma_wait3A_535] : memref<2x64xi32, #tpu.memory_space<vmem>> -> memref<1x64xi32, #tpu.memory_space<vmem>>
    %dma_wait3A_537 = tpu.memref_squeeze %dma_wait3A_536 : memref<1x64xi32, #tpu.memory_space<vmem>> -> memref<64xi32, #tpu.memory_space<vmem>>
    %dma_wait3A_538 = arith.constant 0 : i32
    %dma_wait3A_539 = tpu.memref_slice %arg3[%dma_wait3A_538] : memref<16384xi32, #tpu.memory_space<hbm>> -> memref<64xi32, #tpu.memory_space<hbm>>
    %dma_wait3A_540 = tpu.memref_slice %arg10[%dma_wait3A_534] : memref<2x!tpu.dma_semaphore, #tpu.memory_space<semaphore_mem>> -> memref<1x!tpu.dma_semaphore, #tpu.memory_space<semaphore_mem>>
    %dma_wait3A_541 = tpu.memref_squeeze %dma_wait3A_540 : memref<1x!tpu.dma_semaphore, #tpu.memory_space<semaphore_mem>> -> memref<!tpu.dma_semaphore, #tpu.memory_space<semaphore_mem>>
    %dma_wait3A_542 = arith.constant 0 : i32
    %dma_wait3A_543 = tpu.memref_slice %arg7[%dma_wait3A_533, %dma_wait3A_542] : memref<2x64xi32, #tpu.memory_space<vmem>> -> memref<1x64xi32, #tpu.memory_space<vmem>>
    %dma_wait3A_544 = tpu.memref_squeeze %dma_wait3A_543 : memref<1x64xi32, #tpu.memory_space<vmem>> -> memref<64xi32, #tpu.memory_space<vmem>>
    %dma_wait3A_545 = arith.constant 0 : i32
    %dma_wait3A_546 = tpu.memref_slice %arg3[%dma_wait3A_545] : memref<16384xi32, #tpu.memory_space<hbm>> -> memref<64xi32, #tpu.memory_space<hbm>>
    tpu.wait_dma2 semaphore(%dma_wait3A_541 : memref<!tpu.dma_semaphore, #tpu.memory_space<semaphore_mem>>) src(%dma_wait3A_546 : memref<64xi32, #tpu.memory_space<hbm>>) dst(%dma_wait3A_544 : memref<64xi32, #tpu.memory_space<vmem>>)
    %dma_wait3A_547 = arith.constant 1 : i32
    %dma_wait3A_548 = arith.constant 1 : i32
    %dma_wait3A_549 = arith.constant 0 : i32
    %dma_wait3A_550 = arith.constant 0 : i32
    %dma_wait3A_551 = tpu.memref_slice %arg6[%dma_wait3A_547, %dma_wait3A_549, %dma_wait3A_550] : memref<2x64x512xf32, #tpu.memory_space<vmem>> -> memref<1x64x512xf32, #tpu.memory_space<vmem>>
    %dma_wait3A_552 = tpu.memref_squeeze %dma_wait3A_551 : memref<1x64x512xf32, #tpu.memory_space<vmem>> -> memref<64x512xf32, #tpu.memory_space<vmem>>
    %dma_wait3A_553 = arith.constant 0 : i32
    %dma_wait3A_554 = arith.constant 0 : i32
    %dma_wait3A_555 = tpu.memref_slice %arg2[%dma_wait3A_553, %dma_wait3A_554] : memref<16384x1000xf32, #tpu.memory_space<hbm>> -> memref<64x512xf32, #tpu.memory_space<hbm>>
    %dma_wait3A_556 = tpu.memref_slice %arg10[%dma_wait3A_548] : memref<2x!tpu.dma_semaphore, #tpu.memory_space<semaphore_mem>> -> memref<1x!tpu.dma_semaphore, #tpu.memory_space<semaphore_mem>>
    %dma_wait3A_557 = tpu.memref_squeeze %dma_wait3A_556 : memref<1x!tpu.dma_semaphore, #tpu.memory_space<semaphore_mem>> -> memref<!tpu.dma_semaphore, #tpu.memory_space<semaphore_mem>>
    %dma_wait3A_558 = arith.constant 0 : i32
    %dma_wait3A_559 = arith.constant 0 : i32
    %dma_wait3A_560 = tpu.memref_slice %arg6[%dma_wait3A_547, %dma_wait3A_558, %dma_wait3A_559] : memref<2x64x512xf32, #tpu.memory_space<vmem>> -> memref<1x64x512xf32, #tpu.memory_space<vmem>>
    %dma_wait3A_561 = tpu.memref_squeeze %dma_wait3A_560 : memref<1x64x512xf32, #tpu.memory_space<vmem>> -> memref<64x512xf32, #tpu.memory_space<vmem>>
    %dma_wait3A_562 = arith.constant 0 : i32
    %dma_wait3A_563 = arith.constant 0 : i32
    %dma_wait3A_564 = tpu.memref_slice %arg2[%dma_wait3A_562, %dma_wait3A_563] : memref<16384x1000xf32, #tpu.memory_space<hbm>> -> memref<64x512xf32, #tpu.memory_space<hbm>>
    tpu.wait_dma2 semaphore(%dma_wait3A_557 : memref<!tpu.dma_semaphore, #tpu.memory_space<semaphore_mem>>) src(%dma_wait3A_564 : memref<64x512xf32, #tpu.memory_space<hbm>>) dst(%dma_wait3A_561 : memref<64x512xf32, #tpu.memory_space<vmem>>)
    %run_scoped3A_565 = arith.constant 1 : i32
    %run_scoped3A_566 = arith.constant 1 : i32
    "tpu.region"() ({
      %run_scoped3A_1077 = tpu.sem_alloc : memref<!tpu.dma_semaphore, #tpu.memory_space<semaphore_mem>>
      %dma_start3A_1078 = arith.constant 0 : i32
      %dma_start3A_1079 = arith.constant 0 : i32
      %dma_start3A_1080 = tpu.memref_slice %arg6[%run_scoped3A_565, %dma_start3A_1078, %dma_start3A_1079] : memref<2x64x512xf32, #tpu.memory_space<vmem>> -> memref<1x64x512xf32, #tpu.memory_space<vmem>>
      %dma_start3A_1081 = tpu.memref_squeeze %dma_start3A_1080 : memref<1x64x512xf32, #tpu.memory_space<vmem>> -> memref<64x512xf32, #tpu.memory_space<vmem>>
      %dma_start3A_1082 = arith.constant 0 : i32
      %dma_start3A_1083 = tpu.memref_slice %arg7[%run_scoped3A_566, %dma_start3A_1082] : memref<2x64xi32, #tpu.memory_space<vmem>> -> memref<1x64xi32, #tpu.memory_space<vmem>>
      %dma_start3A_1084 = tpu.memref_squeeze %dma_start3A_1083 : memref<1x64xi32, #tpu.memory_space<vmem>> -> memref<64xi32, #tpu.memory_space<vmem>>
      %dma_start3A_1085 = arith.constant 0 : i32
      %dma_start3A_1086 = arith.constant 0 : i32
      %dma_start3A_1087 = tpu.memref_slice %arg11[%dma_start3A_1085, %dma_start3A_1086] : memref<1000x512xf32, #tpu.memory_space<vmem_shared>> -> memref<1000x512xf32, #tpu.memory_space<vmem_shared>>
      tpu.enqueue_indirect_dma source(%dma_start3A_1081 : memref<64x512xf32, #tpu.memory_space<vmem>>) target(%dma_start3A_1087 : memref<1000x512xf32, #tpu.memory_space<vmem_shared>>) offsets(%dma_start3A_1084 : memref<64xi32, #tpu.memory_space<vmem>>) semaphore(%run_scoped3A_1077 : memref<!tpu.dma_semaphore, #tpu.memory_space<semaphore_mem>>) {add = true}
      %dma_wait3A_1088 = arith.constant 0 : i32
      %dma_wait3A_1089 = arith.constant 0 : i32
      %dma_wait3A_1090 = tpu.memref_slice %arg6[%run_scoped3A_565, %dma_wait3A_1088, %dma_wait3A_1089] : memref<2x64x512xf32, #tpu.memory_space<vmem>> -> memref<1x64x512xf32, #tpu.memory_space<vmem>>
      %dma_wait3A_1091 = tpu.memref_squeeze %dma_wait3A_1090 : memref<1x64x512xf32, #tpu.memory_space<vmem>> -> memref<64x512xf32, #tpu.memory_space<vmem>>
      %dma_wait3A_1092 = arith.constant 0 : i32
      %dma_wait3A_1093 = tpu.memref_slice %arg7[%run_scoped3A_566, %dma_wait3A_1092] : memref<2x64xi32, #tpu.memory_space<vmem>> -> memref<1x64xi32, #tpu.memory_space<vmem>>
      %dma_wait3A_1094 = tpu.memref_squeeze %dma_wait3A_1093 : memref<1x64xi32, #tpu.memory_space<vmem>> -> memref<64xi32, #tpu.memory_space<vmem>>
      %dma_wait3A_1095 = arith.constant 0 : i32
      %dma_wait3A_1096 = arith.constant 0 : i32
      %dma_wait3A_1097 = tpu.memref_slice %arg11[%dma_wait3A_1095, %dma_wait3A_1096] : memref<1000x512xf32, #tpu.memory_space<vmem_shared>> -> memref<1000x512xf32, #tpu.memory_space<vmem_shared>>
      tpu.wait_indirect_dma semaphore(%run_scoped3A_1077 : memref<!tpu.dma_semaphore, #tpu.memory_space<semaphore_mem>>) src(%dma_wait3A_1091 : memref<64x512xf32, #tpu.memory_space<vmem>>) dst(%dma_wait3A_1097 : memref<1000x512xf32, #tpu.memory_space<vmem_shared>>)
      tpu.yield
    }) : () -> ()
    %convert_element_type3A_567 = arith.extui %eq3A_79 : i1 to i32
    %cond3A_568 = arith.constant 0 : i32
    %cond3A_569 = arith.cmpi ne, %convert_element_type3A_567, %cond3A_568 : i32
    scf.if %cond3A_569 {
      %run_scoped3A_1077 = arith.constant 1 : i32
      "tpu.region"() ({
        %run_scoped3A_1078 = tpu.sem_alloc : memref<!tpu.dma_semaphore, #tpu.memory_space<semaphore_mem>>
        %dma_start3A_1079 = arith.constant 0 : i32
        %dma_start3A_1080 = tpu.memref_slice %arg7[%run_scoped3A_1077, %dma_start3A_1079] : memref<2x64xi32, #tpu.memory_space<vmem>> -> memref<1x64xi32, #tpu.memory_space<vmem>>
        %dma_start3A_1081 = tpu.memref_squeeze %dma_start3A_1080 : memref<1x64xi32, #tpu.memory_space<vmem>> -> memref<64xi32, #tpu.memory_space<vmem>>
        %dma_start3A_1082 = arith.constant 0 : i32
        %dma_start3A_1083 = tpu.memref_slice %arg12[%dma_start3A_1082] : memref<1024xf32, #tpu.memory_space<vmem_shared>> -> memref<1024xf32, #tpu.memory_space<vmem_shared>>
        tpu.enqueue_indirect_dma source(%arg8 : memref<64xf32, #tpu.memory_space<vmem>>) target(%dma_start3A_1083 : memref<1024xf32, #tpu.memory_space<vmem_shared>>) offsets(%dma_start3A_1081 : memref<64xi32, #tpu.memory_space<vmem>>) semaphore(%run_scoped3A_1078 : memref<!tpu.dma_semaphore, #tpu.memory_space<semaphore_mem>>) {add = true}
        %dma_wait3A_1084 = arith.constant 0 : i32
        %dma_wait3A_1085 = tpu.memref_slice %arg7[%run_scoped3A_1077, %dma_wait3A_1084] : memref<2x64xi32, #tpu.memory_space<vmem>> -> memref<1x64xi32, #tpu.memory_space<vmem>>
        %dma_wait3A_1086 = tpu.memref_squeeze %dma_wait3A_1085 : memref<1x64xi32, #tpu.memory_space<vmem>> -> memref<64xi32, #tpu.memory_space<vmem>>
        %dma_wait3A_1087 = arith.constant 0 : i32
        %dma_wait3A_1088 = tpu.memref_slice %arg12[%dma_wait3A_1087] : memref<1024xf32, #tpu.memory_space<vmem_shared>> -> memref<1024xf32, #tpu.memory_space<vmem_shared>>
        tpu.wait_indirect_dma semaphore(%run_scoped3A_1078 : memref<!tpu.dma_semaphore, #tpu.memory_space<semaphore_mem>>) src(%arg8 : memref<64xf32, #tpu.memory_space<vmem>>) dst(%dma_wait3A_1088 : memref<1024xf32, #tpu.memory_space<vmem_shared>>)
        tpu.yield
      }) : () -> ()
    } else {
    }
    %add3A_570 = arith.constant 576 : i32
    %add3A_571 = arith.addi %mul3A_2, %add3A_570 : i32
    %dma_start3A_572 = arith.constant 1 : i32
    %dma_start3A_573 = arith.constant 1 : i32
    %dma_start3A_574 = arith.constant 0 : i32
    %dma_start3A_575 = tpu.memref_slice %arg7[%dma_start3A_572, %dma_start3A_574] : memref<2x64xi32, #tpu.memory_space<vmem>> -> memref<1x64xi32, #tpu.memory_space<vmem>>
    %dma_start3A_576 = tpu.memref_squeeze %dma_start3A_575 : memref<1x64xi32, #tpu.memory_space<vmem>> -> memref<64xi32, #tpu.memory_space<vmem>>
    %dma_start3A_577 = tpu.memref_slice %arg3[%add3A_571] : memref<16384xi32, #tpu.memory_space<hbm>> -> memref<64xi32, #tpu.memory_space<hbm>>
    %dma_start3A_578 = tpu.memref_slice %arg10[%dma_start3A_573] : memref<2x!tpu.dma_semaphore, #tpu.memory_space<semaphore_mem>> -> memref<1x!tpu.dma_semaphore, #tpu.memory_space<semaphore_mem>>
    %dma_start3A_579 = tpu.memref_squeeze %dma_start3A_578 : memref<1x!tpu.dma_semaphore, #tpu.memory_space<semaphore_mem>> -> memref<!tpu.dma_semaphore, #tpu.memory_space<semaphore_mem>>
    %dma_start3A_580 = arith.constant 0 : i32
    %dma_start3A_581 = tpu.memref_slice %arg7[%dma_start3A_572, %dma_start3A_580] : memref<2x64xi32, #tpu.memory_space<vmem>> -> memref<1x64xi32, #tpu.memory_space<vmem>>
    %dma_start3A_582 = tpu.memref_squeeze %dma_start3A_581 : memref<1x64xi32, #tpu.memory_space<vmem>> -> memref<64xi32, #tpu.memory_space<vmem>>
    %dma_start3A_583 = tpu.memref_slice %arg3[%add3A_571] : memref<16384xi32, #tpu.memory_space<hbm>> -> memref<64xi32, #tpu.memory_space<hbm>>
    tpu.enqueue_dma source(%dma_start3A_583 : memref<64xi32, #tpu.memory_space<hbm>>) target(%dma_start3A_582 : memref<64xi32, #tpu.memory_space<vmem>>) target_semaphore(%dma_start3A_579 : memref<!tpu.dma_semaphore, #tpu.memory_space<semaphore_mem>>)
    %dma_start3A_584 = arith.constant 1 : i32
    %dma_start3A_585 = arith.constant 1 : i32
    %dma_start3A_586 = arith.constant 0 : i32
    %dma_start3A_587 = arith.constant 0 : i32
    %dma_start3A_588 = tpu.memref_slice %arg6[%dma_start3A_584, %dma_start3A_586, %dma_start3A_587] : memref<2x64x512xf32, #tpu.memory_space<vmem>> -> memref<1x64x512xf32, #tpu.memory_space<vmem>>
    %dma_start3A_589 = tpu.memref_squeeze %dma_start3A_588 : memref<1x64x512xf32, #tpu.memory_space<vmem>> -> memref<64x512xf32, #tpu.memory_space<vmem>>
    %dma_start3A_590 = tpu.memref_slice %arg2[%add3A_571, %mul3A_0] : memref<16384x1000xf32, #tpu.memory_space<hbm>> -> memref<64x512xf32, #tpu.memory_space<hbm>>
    %dma_start3A_591 = tpu.memref_slice %arg10[%dma_start3A_585] : memref<2x!tpu.dma_semaphore, #tpu.memory_space<semaphore_mem>> -> memref<1x!tpu.dma_semaphore, #tpu.memory_space<semaphore_mem>>
    %dma_start3A_592 = tpu.memref_squeeze %dma_start3A_591 : memref<1x!tpu.dma_semaphore, #tpu.memory_space<semaphore_mem>> -> memref<!tpu.dma_semaphore, #tpu.memory_space<semaphore_mem>>
    %dma_start3A_593 = arith.constant 0 : i32
    %dma_start3A_594 = arith.constant 0 : i32
    %dma_start3A_595 = tpu.memref_slice %arg6[%dma_start3A_584, %dma_start3A_593, %dma_start3A_594] : memref<2x64x512xf32, #tpu.memory_space<vmem>> -> memref<1x64x512xf32, #tpu.memory_space<vmem>>
    %dma_start3A_596 = tpu.memref_squeeze %dma_start3A_595 : memref<1x64x512xf32, #tpu.memory_space<vmem>> -> memref<64x512xf32, #tpu.memory_space<vmem>>
    %dma_start3A_597 = tpu.memref_slice %arg2[%add3A_571, %mul3A_0] : memref<16384x1000xf32, #tpu.memory_space<hbm>> -> memref<64x512xf32, #tpu.memory_space<hbm>>
    tpu.enqueue_dma source(%dma_start3A_597 : memref<64x512xf32, #tpu.memory_space<hbm>>) target(%dma_start3A_596 : memref<64x512xf32, #tpu.memory_space<vmem>>) target_semaphore(%dma_start3A_592 : memref<!tpu.dma_semaphore, #tpu.memory_space<semaphore_mem>>)
    %dma_wait3A_598 = arith.constant 0 : i32
    %dma_wait3A_599 = arith.constant 0 : i32
    %dma_wait3A_600 = arith.constant 0 : i32
    %dma_wait3A_601 = tpu.memref_slice %arg7[%dma_wait3A_598, %dma_wait3A_600] : memref<2x64xi32, #tpu.memory_space<vmem>> -> memref<1x64xi32, #tpu.memory_space<vmem>>
    %dma_wait3A_602 = tpu.memref_squeeze %dma_wait3A_601 : memref<1x64xi32, #tpu.memory_space<vmem>> -> memref<64xi32, #tpu.memory_space<vmem>>
    %dma_wait3A_603 = arith.constant 0 : i32
    %dma_wait3A_604 = tpu.memref_slice %arg3[%dma_wait3A_603] : memref<16384xi32, #tpu.memory_space<hbm>> -> memref<64xi32, #tpu.memory_space<hbm>>
    %dma_wait3A_605 = tpu.memref_slice %arg10[%dma_wait3A_599] : memref<2x!tpu.dma_semaphore, #tpu.memory_space<semaphore_mem>> -> memref<1x!tpu.dma_semaphore, #tpu.memory_space<semaphore_mem>>
    %dma_wait3A_606 = tpu.memref_squeeze %dma_wait3A_605 : memref<1x!tpu.dma_semaphore, #tpu.memory_space<semaphore_mem>> -> memref<!tpu.dma_semaphore, #tpu.memory_space<semaphore_mem>>
    %dma_wait3A_607 = arith.constant 0 : i32
    %dma_wait3A_608 = tpu.memref_slice %arg7[%dma_wait3A_598, %dma_wait3A_607] : memref<2x64xi32, #tpu.memory_space<vmem>> -> memref<1x64xi32, #tpu.memory_space<vmem>>
    %dma_wait3A_609 = tpu.memref_squeeze %dma_wait3A_608 : memref<1x64xi32, #tpu.memory_space<vmem>> -> memref<64xi32, #tpu.memory_space<vmem>>
    %dma_wait3A_610 = arith.constant 0 : i32
    %dma_wait3A_611 = tpu.memref_slice %arg3[%dma_wait3A_610] : memref<16384xi32, #tpu.memory_space<hbm>> -> memref<64xi32, #tpu.memory_space<hbm>>
    tpu.wait_dma2 semaphore(%dma_wait3A_606 : memref<!tpu.dma_semaphore, #tpu.memory_space<semaphore_mem>>) src(%dma_wait3A_611 : memref<64xi32, #tpu.memory_space<hbm>>) dst(%dma_wait3A_609 : memref<64xi32, #tpu.memory_space<vmem>>)
    %dma_wait3A_612 = arith.constant 0 : i32
    %dma_wait3A_613 = arith.constant 0 : i32
    %dma_wait3A_614 = arith.constant 0 : i32
    %dma_wait3A_615 = arith.constant 0 : i32
    %dma_wait3A_616 = tpu.memref_slice %arg6[%dma_wait3A_612, %dma_wait3A_614, %dma_wait3A_615] : memref<2x64x512xf32, #tpu.memory_space<vmem>> -> memref<1x64x512xf32, #tpu.memory_space<vmem>>
    %dma_wait3A_617 = tpu.memref_squeeze %dma_wait3A_616 : memref<1x64x512xf32, #tpu.memory_space<vmem>> -> memref<64x512xf32, #tpu.memory_space<vmem>>
    %dma_wait3A_618 = arith.constant 0 : i32
    %dma_wait3A_619 = arith.constant 0 : i32
    %dma_wait3A_620 = tpu.memref_slice %arg2[%dma_wait3A_618, %dma_wait3A_619] : memref<16384x1000xf32, #tpu.memory_space<hbm>> -> memref<64x512xf32, #tpu.memory_space<hbm>>
    %dma_wait3A_621 = tpu.memref_slice %arg10[%dma_wait3A_613] : memref<2x!tpu.dma_semaphore, #tpu.memory_space<semaphore_mem>> -> memref<1x!tpu.dma_semaphore, #tpu.memory_space<semaphore_mem>>
    %dma_wait3A_622 = tpu.memref_squeeze %dma_wait3A_621 : memref<1x!tpu.dma_semaphore, #tpu.memory_space<semaphore_mem>> -> memref<!tpu.dma_semaphore, #tpu.memory_space<semaphore_mem>>
    %dma_wait3A_623 = arith.constant 0 : i32
    %dma_wait3A_624 = arith.constant 0 : i32
    %dma_wait3A_625 = tpu.memref_slice %arg6[%dma_wait3A_612, %dma_wait3A_623, %dma_wait3A_624] : memref<2x64x512xf32, #tpu.memory_space<vmem>> -> memref<1x64x512xf32, #tpu.memory_space<vmem>>
    %dma_wait3A_626 = tpu.memref_squeeze %dma_wait3A_625 : memref<1x64x512xf32, #tpu.memory_space<vmem>> -> memref<64x512xf32, #tpu.memory_space<vmem>>
    %dma_wait3A_627 = arith.constant 0 : i32
    %dma_wait3A_628 = arith.constant 0 : i32
    %dma_wait3A_629 = tpu.memref_slice %arg2[%dma_wait3A_627, %dma_wait3A_628] : memref<16384x1000xf32, #tpu.memory_space<hbm>> -> memref<64x512xf32, #tpu.memory_space<hbm>>
    tpu.wait_dma2 semaphore(%dma_wait3A_622 : memref<!tpu.dma_semaphore, #tpu.memory_space<semaphore_mem>>) src(%dma_wait3A_629 : memref<64x512xf32, #tpu.memory_space<hbm>>) dst(%dma_wait3A_626 : memref<64x512xf32, #tpu.memory_space<vmem>>)
    %run_scoped3A_630 = arith.constant 0 : i32
    %run_scoped3A_631 = arith.constant 0 : i32
    "tpu.region"() ({
      %run_scoped3A_1077 = tpu.sem_alloc : memref<!tpu.dma_semaphore, #tpu.memory_space<semaphore_mem>>
      %dma_start3A_1078 = arith.constant 0 : i32
      %dma_start3A_1079 = arith.constant 0 : i32
      %dma_start3A_1080 = tpu.memref_slice %arg6[%run_scoped3A_630, %dma_start3A_1078, %dma_start3A_1079] : memref<2x64x512xf32, #tpu.memory_space<vmem>> -> memref<1x64x512xf32, #tpu.memory_space<vmem>>
      %dma_start3A_1081 = tpu.memref_squeeze %dma_start3A_1080 : memref<1x64x512xf32, #tpu.memory_space<vmem>> -> memref<64x512xf32, #tpu.memory_space<vmem>>
      %dma_start3A_1082 = arith.constant 0 : i32
      %dma_start3A_1083 = tpu.memref_slice %arg7[%run_scoped3A_631, %dma_start3A_1082] : memref<2x64xi32, #tpu.memory_space<vmem>> -> memref<1x64xi32, #tpu.memory_space<vmem>>
      %dma_start3A_1084 = tpu.memref_squeeze %dma_start3A_1083 : memref<1x64xi32, #tpu.memory_space<vmem>> -> memref<64xi32, #tpu.memory_space<vmem>>
      %dma_start3A_1085 = arith.constant 0 : i32
      %dma_start3A_1086 = arith.constant 0 : i32
      %dma_start3A_1087 = tpu.memref_slice %arg11[%dma_start3A_1085, %dma_start3A_1086] : memref<1000x512xf32, #tpu.memory_space<vmem_shared>> -> memref<1000x512xf32, #tpu.memory_space<vmem_shared>>
      tpu.enqueue_indirect_dma source(%dma_start3A_1081 : memref<64x512xf32, #tpu.memory_space<vmem>>) target(%dma_start3A_1087 : memref<1000x512xf32, #tpu.memory_space<vmem_shared>>) offsets(%dma_start3A_1084 : memref<64xi32, #tpu.memory_space<vmem>>) semaphore(%run_scoped3A_1077 : memref<!tpu.dma_semaphore, #tpu.memory_space<semaphore_mem>>) {add = true}
      %dma_wait3A_1088 = arith.constant 0 : i32
      %dma_wait3A_1089 = arith.constant 0 : i32
      %dma_wait3A_1090 = tpu.memref_slice %arg6[%run_scoped3A_630, %dma_wait3A_1088, %dma_wait3A_1089] : memref<2x64x512xf32, #tpu.memory_space<vmem>> -> memref<1x64x512xf32, #tpu.memory_space<vmem>>
      %dma_wait3A_1091 = tpu.memref_squeeze %dma_wait3A_1090 : memref<1x64x512xf32, #tpu.memory_space<vmem>> -> memref<64x512xf32, #tpu.memory_space<vmem>>
      %dma_wait3A_1092 = arith.constant 0 : i32
      %dma_wait3A_1093 = tpu.memref_slice %arg7[%run_scoped3A_631, %dma_wait3A_1092] : memref<2x64xi32, #tpu.memory_space<vmem>> -> memref<1x64xi32, #tpu.memory_space<vmem>>
      %dma_wait3A_1094 = tpu.memref_squeeze %dma_wait3A_1093 : memref<1x64xi32, #tpu.memory_space<vmem>> -> memref<64xi32, #tpu.memory_space<vmem>>
      %dma_wait3A_1095 = arith.constant 0 : i32
      %dma_wait3A_1096 = arith.constant 0 : i32
      %dma_wait3A_1097 = tpu.memref_slice %arg11[%dma_wait3A_1095, %dma_wait3A_1096] : memref<1000x512xf32, #tpu.memory_space<vmem_shared>> -> memref<1000x512xf32, #tpu.memory_space<vmem_shared>>
      tpu.wait_indirect_dma semaphore(%run_scoped3A_1077 : memref<!tpu.dma_semaphore, #tpu.memory_space<semaphore_mem>>) src(%dma_wait3A_1091 : memref<64x512xf32, #tpu.memory_space<vmem>>) dst(%dma_wait3A_1097 : memref<1000x512xf32, #tpu.memory_space<vmem_shared>>)
      tpu.yield
    }) : () -> ()
    %convert_element_type3A_632 = arith.extui %eq3A_79 : i1 to i32
    %cond3A_633 = arith.constant 0 : i32
    %cond3A_634 = arith.cmpi ne, %convert_element_type3A_632, %cond3A_633 : i32
    scf.if %cond3A_634 {
      %run_scoped3A_1077 = arith.constant 0 : i32
      "tpu.region"() ({
        %run_scoped3A_1078 = tpu.sem_alloc : memref<!tpu.dma_semaphore, #tpu.memory_space<semaphore_mem>>
        %dma_start3A_1079 = arith.constant 0 : i32
        %dma_start3A_1080 = tpu.memref_slice %arg7[%run_scoped3A_1077, %dma_start3A_1079] : memref<2x64xi32, #tpu.memory_space<vmem>> -> memref<1x64xi32, #tpu.memory_space<vmem>>
        %dma_start3A_1081 = tpu.memref_squeeze %dma_start3A_1080 : memref<1x64xi32, #tpu.memory_space<vmem>> -> memref<64xi32, #tpu.memory_space<vmem>>
        %dma_start3A_1082 = arith.constant 0 : i32
        %dma_start3A_1083 = tpu.memref_slice %arg12[%dma_start3A_1082] : memref<1024xf32, #tpu.memory_space<vmem_shared>> -> memref<1024xf32, #tpu.memory_space<vmem_shared>>
        tpu.enqueue_indirect_dma source(%arg8 : memref<64xf32, #tpu.memory_space<vmem>>) target(%dma_start3A_1083 : memref<1024xf32, #tpu.memory_space<vmem_shared>>) offsets(%dma_start3A_1081 : memref<64xi32, #tpu.memory_space<vmem>>) semaphore(%run_scoped3A_1078 : memref<!tpu.dma_semaphore, #tpu.memory_space<semaphore_mem>>) {add = true}
        %dma_wait3A_1084 = arith.constant 0 : i32
        %dma_wait3A_1085 = tpu.memref_slice %arg7[%run_scoped3A_1077, %dma_wait3A_1084] : memref<2x64xi32, #tpu.memory_space<vmem>> -> memref<1x64xi32, #tpu.memory_space<vmem>>
        %dma_wait3A_1086 = tpu.memref_squeeze %dma_wait3A_1085 : memref<1x64xi32, #tpu.memory_space<vmem>> -> memref<64xi32, #tpu.memory_space<vmem>>
        %dma_wait3A_1087 = arith.constant 0 : i32
        %dma_wait3A_1088 = tpu.memref_slice %arg12[%dma_wait3A_1087] : memref<1024xf32, #tpu.memory_space<vmem_shared>> -> memref<1024xf32, #tpu.memory_space<vmem_shared>>
        tpu.wait_indirect_dma semaphore(%run_scoped3A_1078 : memref<!tpu.dma_semaphore, #tpu.memory_space<semaphore_mem>>) src(%arg8 : memref<64xf32, #tpu.memory_space<vmem>>) dst(%dma_wait3A_1088 : memref<1024xf32, #tpu.memory_space<vmem_shared>>)
        tpu.yield
      }) : () -> ()
    } else {
    }
    %add3A_635 = arith.constant 640 : i32
    %add3A_636 = arith.addi %mul3A_2, %add3A_635 : i32
    %dma_start3A_637 = arith.constant 0 : i32
    %dma_start3A_638 = arith.constant 0 : i32
    %dma_start3A_639 = arith.constant 0 : i32
    %dma_start3A_640 = tpu.memref_slice %arg7[%dma_start3A_637, %dma_start3A_639] : memref<2x64xi32, #tpu.memory_space<vmem>> -> memref<1x64xi32, #tpu.memory_space<vmem>>
    %dma_start3A_641 = tpu.memref_squeeze %dma_start3A_640 : memref<1x64xi32, #tpu.memory_space<vmem>> -> memref<64xi32, #tpu.memory_space<vmem>>
    %dma_start3A_642 = tpu.memref_slice %arg3[%add3A_636] : memref<16384xi32, #tpu.memory_space<hbm>> -> memref<64xi32, #tpu.memory_space<hbm>>
    %dma_start3A_643 = tpu.memref_slice %arg10[%dma_start3A_638] : memref<2x!tpu.dma_semaphore, #tpu.memory_space<semaphore_mem>> -> memref<1x!tpu.dma_semaphore, #tpu.memory_space<semaphore_mem>>
    %dma_start3A_644 = tpu.memref_squeeze %dma_start3A_643 : memref<1x!tpu.dma_semaphore, #tpu.memory_space<semaphore_mem>> -> memref<!tpu.dma_semaphore, #tpu.memory_space<semaphore_mem>>
    %dma_start3A_645 = arith.constant 0 : i32
    %dma_start3A_646 = tpu.memref_slice %arg7[%dma_start3A_637, %dma_start3A_645] : memref<2x64xi32, #tpu.memory_space<vmem>> -> memref<1x64xi32, #tpu.memory_space<vmem>>
    %dma_start3A_647 = tpu.memref_squeeze %dma_start3A_646 : memref<1x64xi32, #tpu.memory_space<vmem>> -> memref<64xi32, #tpu.memory_space<vmem>>
    %dma_start3A_648 = tpu.memref_slice %arg3[%add3A_636] : memref<16384xi32, #tpu.memory_space<hbm>> -> memref<64xi32, #tpu.memory_space<hbm>>
    tpu.enqueue_dma source(%dma_start3A_648 : memref<64xi32, #tpu.memory_space<hbm>>) target(%dma_start3A_647 : memref<64xi32, #tpu.memory_space<vmem>>) target_semaphore(%dma_start3A_644 : memref<!tpu.dma_semaphore, #tpu.memory_space<semaphore_mem>>)
    %dma_start3A_649 = arith.constant 0 : i32
    %dma_start3A_650 = arith.constant 0 : i32
    %dma_start3A_651 = arith.constant 0 : i32
    %dma_start3A_652 = arith.constant 0 : i32
    %dma_start3A_653 = tpu.memref_slice %arg6[%dma_start3A_649, %dma_start3A_651, %dma_start3A_652] : memref<2x64x512xf32, #tpu.memory_space<vmem>> -> memref<1x64x512xf32, #tpu.memory_space<vmem>>
    %dma_start3A_654 = tpu.memref_squeeze %dma_start3A_653 : memref<1x64x512xf32, #tpu.memory_space<vmem>> -> memref<64x512xf32, #tpu.memory_space<vmem>>
    %dma_start3A_655 = tpu.memref_slice %arg2[%add3A_636, %mul3A_0] : memref<16384x1000xf32, #tpu.memory_space<hbm>> -> memref<64x512xf32, #tpu.memory_space<hbm>>
    %dma_start3A_656 = tpu.memref_slice %arg10[%dma_start3A_650] : memref<2x!tpu.dma_semaphore, #tpu.memory_space<semaphore_mem>> -> memref<1x!tpu.dma_semaphore, #tpu.memory_space<semaphore_mem>>
    %dma_start3A_657 = tpu.memref_squeeze %dma_start3A_656 : memref<1x!tpu.dma_semaphore, #tpu.memory_space<semaphore_mem>> -> memref<!tpu.dma_semaphore, #tpu.memory_space<semaphore_mem>>
    %dma_start3A_658 = arith.constant 0 : i32
    %dma_start3A_659 = arith.constant 0 : i32
    %dma_start3A_660 = tpu.memref_slice %arg6[%dma_start3A_649, %dma_start3A_658, %dma_start3A_659] : memref<2x64x512xf32, #tpu.memory_space<vmem>> -> memref<1x64x512xf32, #tpu.memory_space<vmem>>
    %dma_start3A_661 = tpu.memref_squeeze %dma_start3A_660 : memref<1x64x512xf32, #tpu.memory_space<vmem>> -> memref<64x512xf32, #tpu.memory_space<vmem>>
    %dma_start3A_662 = tpu.memref_slice %arg2[%add3A_636, %mul3A_0] : memref<16384x1000xf32, #tpu.memory_space<hbm>> -> memref<64x512xf32, #tpu.memory_space<hbm>>
    tpu.enqueue_dma source(%dma_start3A_662 : memref<64x512xf32, #tpu.memory_space<hbm>>) target(%dma_start3A_661 : memref<64x512xf32, #tpu.memory_space<vmem>>) target_semaphore(%dma_start3A_657 : memref<!tpu.dma_semaphore, #tpu.memory_space<semaphore_mem>>)
    %dma_wait3A_663 = arith.constant 1 : i32
    %dma_wait3A_664 = arith.constant 1 : i32
    %dma_wait3A_665 = arith.constant 0 : i32
    %dma_wait3A_666 = tpu.memref_slice %arg7[%dma_wait3A_663, %dma_wait3A_665] : memref<2x64xi32, #tpu.memory_space<vmem>> -> memref<1x64xi32, #tpu.memory_space<vmem>>
    %dma_wait3A_667 = tpu.memref_squeeze %dma_wait3A_666 : memref<1x64xi32, #tpu.memory_space<vmem>> -> memref<64xi32, #tpu.memory_space<vmem>>
    %dma_wait3A_668 = arith.constant 0 : i32
    %dma_wait3A_669 = tpu.memref_slice %arg3[%dma_wait3A_668] : memref<16384xi32, #tpu.memory_space<hbm>> -> memref<64xi32, #tpu.memory_space<hbm>>
    %dma_wait3A_670 = tpu.memref_slice %arg10[%dma_wait3A_664] : memref<2x!tpu.dma_semaphore, #tpu.memory_space<semaphore_mem>> -> memref<1x!tpu.dma_semaphore, #tpu.memory_space<semaphore_mem>>
    %dma_wait3A_671 = tpu.memref_squeeze %dma_wait3A_670 : memref<1x!tpu.dma_semaphore, #tpu.memory_space<semaphore_mem>> -> memref<!tpu.dma_semaphore, #tpu.memory_space<semaphore_mem>>
    %dma_wait3A_672 = arith.constant 0 : i32
    %dma_wait3A_673 = tpu.memref_slice %arg7[%dma_wait3A_663, %dma_wait3A_672] : memref<2x64xi32, #tpu.memory_space<vmem>> -> memref<1x64xi32, #tpu.memory_space<vmem>>
    %dma_wait3A_674 = tpu.memref_squeeze %dma_wait3A_673 : memref<1x64xi32, #tpu.memory_space<vmem>> -> memref<64xi32, #tpu.memory_space<vmem>>
    %dma_wait3A_675 = arith.constant 0 : i32
    %dma_wait3A_676 = tpu.memref_slice %arg3[%dma_wait3A_675] : memref<16384xi32, #tpu.memory_space<hbm>> -> memref<64xi32, #tpu.memory_space<hbm>>
    tpu.wait_dma2 semaphore(%dma_wait3A_671 : memref<!tpu.dma_semaphore, #tpu.memory_space<semaphore_mem>>) src(%dma_wait3A_676 : memref<64xi32, #tpu.memory_space<hbm>>) dst(%dma_wait3A_674 : memref<64xi32, #tpu.memory_space<vmem>>)
    %dma_wait3A_677 = arith.constant 1 : i32
    %dma_wait3A_678 = arith.constant 1 : i32
    %dma_wait3A_679 = arith.constant 0 : i32
    %dma_wait3A_680 = arith.constant 0 : i32
    %dma_wait3A_681 = tpu.memref_slice %arg6[%dma_wait3A_677, %dma_wait3A_679, %dma_wait3A_680] : memref<2x64x512xf32, #tpu.memory_space<vmem>> -> memref<1x64x512xf32, #tpu.memory_space<vmem>>
    %dma_wait3A_682 = tpu.memref_squeeze %dma_wait3A_681 : memref<1x64x512xf32, #tpu.memory_space<vmem>> -> memref<64x512xf32, #tpu.memory_space<vmem>>
    %dma_wait3A_683 = arith.constant 0 : i32
    %dma_wait3A_684 = arith.constant 0 : i32
    %dma_wait3A_685 = tpu.memref_slice %arg2[%dma_wait3A_683, %dma_wait3A_684] : memref<16384x1000xf32, #tpu.memory_space<hbm>> -> memref<64x512xf32, #tpu.memory_space<hbm>>
    %dma_wait3A_686 = tpu.memref_slice %arg10[%dma_wait3A_678] : memref<2x!tpu.dma_semaphore, #tpu.memory_space<semaphore_mem>> -> memref<1x!tpu.dma_semaphore, #tpu.memory_space<semaphore_mem>>
    %dma_wait3A_687 = tpu.memref_squeeze %dma_wait3A_686 : memref<1x!tpu.dma_semaphore, #tpu.memory_space<semaphore_mem>> -> memref<!tpu.dma_semaphore, #tpu.memory_space<semaphore_mem>>
    %dma_wait3A_688 = arith.constant 0 : i32
    %dma_wait3A_689 = arith.constant 0 : i32
    %dma_wait3A_690 = tpu.memref_slice %arg6[%dma_wait3A_677, %dma_wait3A_688, %dma_wait3A_689] : memref<2x64x512xf32, #tpu.memory_space<vmem>> -> memref<1x64x512xf32, #tpu.memory_space<vmem>>
    %dma_wait3A_691 = tpu.memref_squeeze %dma_wait3A_690 : memref<1x64x512xf32, #tpu.memory_space<vmem>> -> memref<64x512xf32, #tpu.memory_space<vmem>>
    %dma_wait3A_692 = arith.constant 0 : i32
    %dma_wait3A_693 = arith.constant 0 : i32
    %dma_wait3A_694 = tpu.memref_slice %arg2[%dma_wait3A_692, %dma_wait3A_693] : memref<16384x1000xf32, #tpu.memory_space<hbm>> -> memref<64x512xf32, #tpu.memory_space<hbm>>
    tpu.wait_dma2 semaphore(%dma_wait3A_687 : memref<!tpu.dma_semaphore, #tpu.memory_space<semaphore_mem>>) src(%dma_wait3A_694 : memref<64x512xf32, #tpu.memory_space<hbm>>) dst(%dma_wait3A_691 : memref<64x512xf32, #tpu.memory_space<vmem>>)
    %run_scoped3A_695 = arith.constant 1 : i32
    %run_scoped3A_696 = arith.constant 1 : i32
    "tpu.region"() ({
      %run_scoped3A_1077 = tpu.sem_alloc : memref<!tpu.dma_semaphore, #tpu.memory_space<semaphore_mem>>
      %dma_start3A_1078 = arith.constant 0 : i32
      %dma_start3A_1079 = arith.constant 0 : i32
      %dma_start3A_1080 = tpu.memref_slice %arg6[%run_scoped3A_695, %dma_start3A_1078, %dma_start3A_1079] : memref<2x64x512xf32, #tpu.memory_space<vmem>> -> memref<1x64x512xf32, #tpu.memory_space<vmem>>
      %dma_start3A_1081 = tpu.memref_squeeze %dma_start3A_1080 : memref<1x64x512xf32, #tpu.memory_space<vmem>> -> memref<64x512xf32, #tpu.memory_space<vmem>>
      %dma_start3A_1082 = arith.constant 0 : i32
      %dma_start3A_1083 = tpu.memref_slice %arg7[%run_scoped3A_696, %dma_start3A_1082] : memref<2x64xi32, #tpu.memory_space<vmem>> -> memref<1x64xi32, #tpu.memory_space<vmem>>
      %dma_start3A_1084 = tpu.memref_squeeze %dma_start3A_1083 : memref<1x64xi32, #tpu.memory_space<vmem>> -> memref<64xi32, #tpu.memory_space<vmem>>
      %dma_start3A_1085 = arith.constant 0 : i32
      %dma_start3A_1086 = arith.constant 0 : i32
      %dma_start3A_1087 = tpu.memref_slice %arg11[%dma_start3A_1085, %dma_start3A_1086] : memref<1000x512xf32, #tpu.memory_space<vmem_shared>> -> memref<1000x512xf32, #tpu.memory_space<vmem_shared>>
      tpu.enqueue_indirect_dma source(%dma_start3A_1081 : memref<64x512xf32, #tpu.memory_space<vmem>>) target(%dma_start3A_1087 : memref<1000x512xf32, #tpu.memory_space<vmem_shared>>) offsets(%dma_start3A_1084 : memref<64xi32, #tpu.memory_space<vmem>>) semaphore(%run_scoped3A_1077 : memref<!tpu.dma_semaphore, #tpu.memory_space<semaphore_mem>>) {add = true}
      %dma_wait3A_1088 = arith.constant 0 : i32
      %dma_wait3A_1089 = arith.constant 0 : i32
      %dma_wait3A_1090 = tpu.memref_slice %arg6[%run_scoped3A_695, %dma_wait3A_1088, %dma_wait3A_1089] : memref<2x64x512xf32, #tpu.memory_space<vmem>> -> memref<1x64x512xf32, #tpu.memory_space<vmem>>
      %dma_wait3A_1091 = tpu.memref_squeeze %dma_wait3A_1090 : memref<1x64x512xf32, #tpu.memory_space<vmem>> -> memref<64x512xf32, #tpu.memory_space<vmem>>
      %dma_wait3A_1092 = arith.constant 0 : i32
      %dma_wait3A_1093 = tpu.memref_slice %arg7[%run_scoped3A_696, %dma_wait3A_1092] : memref<2x64xi32, #tpu.memory_space<vmem>> -> memref<1x64xi32, #tpu.memory_space<vmem>>
      %dma_wait3A_1094 = tpu.memref_squeeze %dma_wait3A_1093 : memref<1x64xi32, #tpu.memory_space<vmem>> -> memref<64xi32, #tpu.memory_space<vmem>>
      %dma_wait3A_1095 = arith.constant 0 : i32
      %dma_wait3A_1096 = arith.constant 0 : i32
      %dma_wait3A_1097 = tpu.memref_slice %arg11[%dma_wait3A_1095, %dma_wait3A_1096] : memref<1000x512xf32, #tpu.memory_space<vmem_shared>> -> memref<1000x512xf32, #tpu.memory_space<vmem_shared>>
      tpu.wait_indirect_dma semaphore(%run_scoped3A_1077 : memref<!tpu.dma_semaphore, #tpu.memory_space<semaphore_mem>>) src(%dma_wait3A_1091 : memref<64x512xf32, #tpu.memory_space<vmem>>) dst(%dma_wait3A_1097 : memref<1000x512xf32, #tpu.memory_space<vmem_shared>>)
      tpu.yield
    }) : () -> ()
    %convert_element_type3A_697 = arith.extui %eq3A_79 : i1 to i32
    %cond3A_698 = arith.constant 0 : i32
    %cond3A_699 = arith.cmpi ne, %convert_element_type3A_697, %cond3A_698 : i32
    scf.if %cond3A_699 {
      %run_scoped3A_1077 = arith.constant 1 : i32
      "tpu.region"() ({
        %run_scoped3A_1078 = tpu.sem_alloc : memref<!tpu.dma_semaphore, #tpu.memory_space<semaphore_mem>>
        %dma_start3A_1079 = arith.constant 0 : i32
        %dma_start3A_1080 = tpu.memref_slice %arg7[%run_scoped3A_1077, %dma_start3A_1079] : memref<2x64xi32, #tpu.memory_space<vmem>> -> memref<1x64xi32, #tpu.memory_space<vmem>>
        %dma_start3A_1081 = tpu.memref_squeeze %dma_start3A_1080 : memref<1x64xi32, #tpu.memory_space<vmem>> -> memref<64xi32, #tpu.memory_space<vmem>>
        %dma_start3A_1082 = arith.constant 0 : i32
        %dma_start3A_1083 = tpu.memref_slice %arg12[%dma_start3A_1082] : memref<1024xf32, #tpu.memory_space<vmem_shared>> -> memref<1024xf32, #tpu.memory_space<vmem_shared>>
        tpu.enqueue_indirect_dma source(%arg8 : memref<64xf32, #tpu.memory_space<vmem>>) target(%dma_start3A_1083 : memref<1024xf32, #tpu.memory_space<vmem_shared>>) offsets(%dma_start3A_1081 : memref<64xi32, #tpu.memory_space<vmem>>) semaphore(%run_scoped3A_1078 : memref<!tpu.dma_semaphore, #tpu.memory_space<semaphore_mem>>) {add = true}
        %dma_wait3A_1084 = arith.constant 0 : i32
        %dma_wait3A_1085 = tpu.memref_slice %arg7[%run_scoped3A_1077, %dma_wait3A_1084] : memref<2x64xi32, #tpu.memory_space<vmem>> -> memref<1x64xi32, #tpu.memory_space<vmem>>
        %dma_wait3A_1086 = tpu.memref_squeeze %dma_wait3A_1085 : memref<1x64xi32, #tpu.memory_space<vmem>> -> memref<64xi32, #tpu.memory_space<vmem>>
        %dma_wait3A_1087 = arith.constant 0 : i32
        %dma_wait3A_1088 = tpu.memref_slice %arg12[%dma_wait3A_1087] : memref<1024xf32, #tpu.memory_space<vmem_shared>> -> memref<1024xf32, #tpu.memory_space<vmem_shared>>
        tpu.wait_indirect_dma semaphore(%run_scoped3A_1078 : memref<!tpu.dma_semaphore, #tpu.memory_space<semaphore_mem>>) src(%arg8 : memref<64xf32, #tpu.memory_space<vmem>>) dst(%dma_wait3A_1088 : memref<1024xf32, #tpu.memory_space<vmem_shared>>)
        tpu.yield
      }) : () -> ()
    } else {
    }
    %add3A_700 = arith.constant 704 : i32
    %add3A_701 = arith.addi %mul3A_2, %add3A_700 : i32
    %dma_start3A_702 = arith.constant 1 : i32
    %dma_start3A_703 = arith.constant 1 : i32
    %dma_start3A_704 = arith.constant 0 : i32
    %dma_start3A_705 = tpu.memref_slice %arg7[%dma_start3A_702, %dma_start3A_704] : memref<2x64xi32, #tpu.memory_space<vmem>> -> memref<1x64xi32, #tpu.memory_space<vmem>>
    %dma_start3A_706 = tpu.memref_squeeze %dma_start3A_705 : memref<1x64xi32, #tpu.memory_space<vmem>> -> memref<64xi32, #tpu.memory_space<vmem>>
    %dma_start3A_707 = tpu.memref_slice %arg3[%add3A_701] : memref<16384xi32, #tpu.memory_space<hbm>> -> memref<64xi32, #tpu.memory_space<hbm>>
    %dma_start3A_708 = tpu.memref_slice %arg10[%dma_start3A_703] : memref<2x!tpu.dma_semaphore, #tpu.memory_space<semaphore_mem>> -> memref<1x!tpu.dma_semaphore, #tpu.memory_space<semaphore_mem>>
    %dma_start3A_709 = tpu.memref_squeeze %dma_start3A_708 : memref<1x!tpu.dma_semaphore, #tpu.memory_space<semaphore_mem>> -> memref<!tpu.dma_semaphore, #tpu.memory_space<semaphore_mem>>
    %dma_start3A_710 = arith.constant 0 : i32
    %dma_start3A_711 = tpu.memref_slice %arg7[%dma_start3A_702, %dma_start3A_710] : memref<2x64xi32, #tpu.memory_space<vmem>> -> memref<1x64xi32, #tpu.memory_space<vmem>>
    %dma_start3A_712 = tpu.memref_squeeze %dma_start3A_711 : memref<1x64xi32, #tpu.memory_space<vmem>> -> memref<64xi32, #tpu.memory_space<vmem>>
    %dma_start3A_713 = tpu.memref_slice %arg3[%add3A_701] : memref<16384xi32, #tpu.memory_space<hbm>> -> memref<64xi32, #tpu.memory_space<hbm>>
    tpu.enqueue_dma source(%dma_start3A_713 : memref<64xi32, #tpu.memory_space<hbm>>) target(%dma_start3A_712 : memref<64xi32, #tpu.memory_space<vmem>>) target_semaphore(%dma_start3A_709 : memref<!tpu.dma_semaphore, #tpu.memory_space<semaphore_mem>>)
    %dma_start3A_714 = arith.constant 1 : i32
    %dma_start3A_715 = arith.constant 1 : i32
    %dma_start3A_716 = arith.constant 0 : i32
    %dma_start3A_717 = arith.constant 0 : i32
    %dma_start3A_718 = tpu.memref_slice %arg6[%dma_start3A_714, %dma_start3A_716, %dma_start3A_717] : memref<2x64x512xf32, #tpu.memory_space<vmem>> -> memref<1x64x512xf32, #tpu.memory_space<vmem>>
    %dma_start3A_719 = tpu.memref_squeeze %dma_start3A_718 : memref<1x64x512xf32, #tpu.memory_space<vmem>> -> memref<64x512xf32, #tpu.memory_space<vmem>>
    %dma_start3A_720 = tpu.memref_slice %arg2[%add3A_701, %mul3A_0] : memref<16384x1000xf32, #tpu.memory_space<hbm>> -> memref<64x512xf32, #tpu.memory_space<hbm>>
    %dma_start3A_721 = tpu.memref_slice %arg10[%dma_start3A_715] : memref<2x!tpu.dma_semaphore, #tpu.memory_space<semaphore_mem>> -> memref<1x!tpu.dma_semaphore, #tpu.memory_space<semaphore_mem>>
    %dma_start3A_722 = tpu.memref_squeeze %dma_start3A_721 : memref<1x!tpu.dma_semaphore, #tpu.memory_space<semaphore_mem>> -> memref<!tpu.dma_semaphore, #tpu.memory_space<semaphore_mem>>
    %dma_start3A_723 = arith.constant 0 : i32
    %dma_start3A_724 = arith.constant 0 : i32
    %dma_start3A_725 = tpu.memref_slice %arg6[%dma_start3A_714, %dma_start3A_723, %dma_start3A_724] : memref<2x64x512xf32, #tpu.memory_space<vmem>> -> memref<1x64x512xf32, #tpu.memory_space<vmem>>
    %dma_start3A_726 = tpu.memref_squeeze %dma_start3A_725 : memref<1x64x512xf32, #tpu.memory_space<vmem>> -> memref<64x512xf32, #tpu.memory_space<vmem>>
    %dma_start3A_727 = tpu.memref_slice %arg2[%add3A_701, %mul3A_0] : memref<16384x1000xf32, #tpu.memory_space<hbm>> -> memref<64x512xf32, #tpu.memory_space<hbm>>
    tpu.enqueue_dma source(%dma_start3A_727 : memref<64x512xf32, #tpu.memory_space<hbm>>) target(%dma_start3A_726 : memref<64x512xf32, #tpu.memory_space<vmem>>) target_semaphore(%dma_start3A_722 : memref<!tpu.dma_semaphore, #tpu.memory_space<semaphore_mem>>)
    %dma_wait3A_728 = arith.constant 0 : i32
    %dma_wait3A_729 = arith.constant 0 : i32
    %dma_wait3A_730 = arith.constant 0 : i32
    %dma_wait3A_731 = tpu.memref_slice %arg7[%dma_wait3A_728, %dma_wait3A_730] : memref<2x64xi32, #tpu.memory_space<vmem>> -> memref<1x64xi32, #tpu.memory_space<vmem>>
    %dma_wait3A_732 = tpu.memref_squeeze %dma_wait3A_731 : memref<1x64xi32, #tpu.memory_space<vmem>> -> memref<64xi32, #tpu.memory_space<vmem>>
    %dma_wait3A_733 = arith.constant 0 : i32
    %dma_wait3A_734 = tpu.memref_slice %arg3[%dma_wait3A_733] : memref<16384xi32, #tpu.memory_space<hbm>> -> memref<64xi32, #tpu.memory_space<hbm>>
    %dma_wait3A_735 = tpu.memref_slice %arg10[%dma_wait3A_729] : memref<2x!tpu.dma_semaphore, #tpu.memory_space<semaphore_mem>> -> memref<1x!tpu.dma_semaphore, #tpu.memory_space<semaphore_mem>>
    %dma_wait3A_736 = tpu.memref_squeeze %dma_wait3A_735 : memref<1x!tpu.dma_semaphore, #tpu.memory_space<semaphore_mem>> -> memref<!tpu.dma_semaphore, #tpu.memory_space<semaphore_mem>>
    %dma_wait3A_737 = arith.constant 0 : i32
    %dma_wait3A_738 = tpu.memref_slice %arg7[%dma_wait3A_728, %dma_wait3A_737] : memref<2x64xi32, #tpu.memory_space<vmem>> -> memref<1x64xi32, #tpu.memory_space<vmem>>
    %dma_wait3A_739 = tpu.memref_squeeze %dma_wait3A_738 : memref<1x64xi32, #tpu.memory_space<vmem>> -> memref<64xi32, #tpu.memory_space<vmem>>
    %dma_wait3A_740 = arith.constant 0 : i32
    %dma_wait3A_741 = tpu.memref_slice %arg3[%dma_wait3A_740] : memref<16384xi32, #tpu.memory_space<hbm>> -> memref<64xi32, #tpu.memory_space<hbm>>
    tpu.wait_dma2 semaphore(%dma_wait3A_736 : memref<!tpu.dma_semaphore, #tpu.memory_space<semaphore_mem>>) src(%dma_wait3A_741 : memref<64xi32, #tpu.memory_space<hbm>>) dst(%dma_wait3A_739 : memref<64xi32, #tpu.memory_space<vmem>>)
    %dma_wait3A_742 = arith.constant 0 : i32
    %dma_wait3A_743 = arith.constant 0 : i32
    %dma_wait3A_744 = arith.constant 0 : i32
    %dma_wait3A_745 = arith.constant 0 : i32
    %dma_wait3A_746 = tpu.memref_slice %arg6[%dma_wait3A_742, %dma_wait3A_744, %dma_wait3A_745] : memref<2x64x512xf32, #tpu.memory_space<vmem>> -> memref<1x64x512xf32, #tpu.memory_space<vmem>>
    %dma_wait3A_747 = tpu.memref_squeeze %dma_wait3A_746 : memref<1x64x512xf32, #tpu.memory_space<vmem>> -> memref<64x512xf32, #tpu.memory_space<vmem>>
    %dma_wait3A_748 = arith.constant 0 : i32
    %dma_wait3A_749 = arith.constant 0 : i32
    %dma_wait3A_750 = tpu.memref_slice %arg2[%dma_wait3A_748, %dma_wait3A_749] : memref<16384x1000xf32, #tpu.memory_space<hbm>> -> memref<64x512xf32, #tpu.memory_space<hbm>>
    %dma_wait3A_751 = tpu.memref_slice %arg10[%dma_wait3A_743] : memref<2x!tpu.dma_semaphore, #tpu.memory_space<semaphore_mem>> -> memref<1x!tpu.dma_semaphore, #tpu.memory_space<semaphore_mem>>
    %dma_wait3A_752 = tpu.memref_squeeze %dma_wait3A_751 : memref<1x!tpu.dma_semaphore, #tpu.memory_space<semaphore_mem>> -> memref<!tpu.dma_semaphore, #tpu.memory_space<semaphore_mem>>
    %dma_wait3A_753 = arith.constant 0 : i32
    %dma_wait3A_754 = arith.constant 0 : i32
    %dma_wait3A_755 = tpu.memref_slice %arg6[%dma_wait3A_742, %dma_wait3A_753, %dma_wait3A_754] : memref<2x64x512xf32, #tpu.memory_space<vmem>> -> memref<1x64x512xf32, #tpu.memory_space<vmem>>
    %dma_wait3A_756 = tpu.memref_squeeze %dma_wait3A_755 : memref<1x64x512xf32, #tpu.memory_space<vmem>> -> memref<64x512xf32, #tpu.memory_space<vmem>>
    %dma_wait3A_757 = arith.constant 0 : i32
    %dma_wait3A_758 = arith.constant 0 : i32
    %dma_wait3A_759 = tpu.memref_slice %arg2[%dma_wait3A_757, %dma_wait3A_758] : memref<16384x1000xf32, #tpu.memory_space<hbm>> -> memref<64x512xf32, #tpu.memory_space<hbm>>
    tpu.wait_dma2 semaphore(%dma_wait3A_752 : memref<!tpu.dma_semaphore, #tpu.memory_space<semaphore_mem>>) src(%dma_wait3A_759 : memref<64x512xf32, #tpu.memory_space<hbm>>) dst(%dma_wait3A_756 : memref<64x512xf32, #tpu.memory_space<vmem>>)
    %run_scoped3A_760 = arith.constant 0 : i32
    %run_scoped3A_761 = arith.constant 0 : i32
    "tpu.region"() ({
      %run_scoped3A_1077 = tpu.sem_alloc : memref<!tpu.dma_semaphore, #tpu.memory_space<semaphore_mem>>
      %dma_start3A_1078 = arith.constant 0 : i32
      %dma_start3A_1079 = arith.constant 0 : i32
      %dma_start3A_1080 = tpu.memref_slice %arg6[%run_scoped3A_760, %dma_start3A_1078, %dma_start3A_1079] : memref<2x64x512xf32, #tpu.memory_space<vmem>> -> memref<1x64x512xf32, #tpu.memory_space<vmem>>
      %dma_start3A_1081 = tpu.memref_squeeze %dma_start3A_1080 : memref<1x64x512xf32, #tpu.memory_space<vmem>> -> memref<64x512xf32, #tpu.memory_space<vmem>>
      %dma_start3A_1082 = arith.constant 0 : i32
      %dma_start3A_1083 = tpu.memref_slice %arg7[%run_scoped3A_761, %dma_start3A_1082] : memref<2x64xi32, #tpu.memory_space<vmem>> -> memref<1x64xi32, #tpu.memory_space<vmem>>
      %dma_start3A_1084 = tpu.memref_squeeze %dma_start3A_1083 : memref<1x64xi32, #tpu.memory_space<vmem>> -> memref<64xi32, #tpu.memory_space<vmem>>
      %dma_start3A_1085 = arith.constant 0 : i32
      %dma_start3A_1086 = arith.constant 0 : i32
      %dma_start3A_1087 = tpu.memref_slice %arg11[%dma_start3A_1085, %dma_start3A_1086] : memref<1000x512xf32, #tpu.memory_space<vmem_shared>> -> memref<1000x512xf32, #tpu.memory_space<vmem_shared>>
      tpu.enqueue_indirect_dma source(%dma_start3A_1081 : memref<64x512xf32, #tpu.memory_space<vmem>>) target(%dma_start3A_1087 : memref<1000x512xf32, #tpu.memory_space<vmem_shared>>) offsets(%dma_start3A_1084 : memref<64xi32, #tpu.memory_space<vmem>>) semaphore(%run_scoped3A_1077 : memref<!tpu.dma_semaphore, #tpu.memory_space<semaphore_mem>>) {add = true}
      %dma_wait3A_1088 = arith.constant 0 : i32
      %dma_wait3A_1089 = arith.constant 0 : i32
      %dma_wait3A_1090 = tpu.memref_slice %arg6[%run_scoped3A_760, %dma_wait3A_1088, %dma_wait3A_1089] : memref<2x64x512xf32, #tpu.memory_space<vmem>> -> memref<1x64x512xf32, #tpu.memory_space<vmem>>
      %dma_wait3A_1091 = tpu.memref_squeeze %dma_wait3A_1090 : memref<1x64x512xf32, #tpu.memory_space<vmem>> -> memref<64x512xf32, #tpu.memory_space<vmem>>
      %dma_wait3A_1092 = arith.constant 0 : i32
      %dma_wait3A_1093 = tpu.memref_slice %arg7[%run_scoped3A_761, %dma_wait3A_1092] : memref<2x64xi32, #tpu.memory_space<vmem>> -> memref<1x64xi32, #tpu.memory_space<vmem>>
      %dma_wait3A_1094 = tpu.memref_squeeze %dma_wait3A_1093 : memref<1x64xi32, #tpu.memory_space<vmem>> -> memref<64xi32, #tpu.memory_space<vmem>>
      %dma_wait3A_1095 = arith.constant 0 : i32
      %dma_wait3A_1096 = arith.constant 0 : i32
      %dma_wait3A_1097 = tpu.memref_slice %arg11[%dma_wait3A_1095, %dma_wait3A_1096] : memref<1000x512xf32, #tpu.memory_space<vmem_shared>> -> memref<1000x512xf32, #tpu.memory_space<vmem_shared>>
      tpu.wait_indirect_dma semaphore(%run_scoped3A_1077 : memref<!tpu.dma_semaphore, #tpu.memory_space<semaphore_mem>>) src(%dma_wait3A_1091 : memref<64x512xf32, #tpu.memory_space<vmem>>) dst(%dma_wait3A_1097 : memref<1000x512xf32, #tpu.memory_space<vmem_shared>>)
      tpu.yield
    }) : () -> ()
    %convert_element_type3A_762 = arith.extui %eq3A_79 : i1 to i32
    %cond3A_763 = arith.constant 0 : i32
    %cond3A_764 = arith.cmpi ne, %convert_element_type3A_762, %cond3A_763 : i32
    scf.if %cond3A_764 {
      %run_scoped3A_1077 = arith.constant 0 : i32
      "tpu.region"() ({
        %run_scoped3A_1078 = tpu.sem_alloc : memref<!tpu.dma_semaphore, #tpu.memory_space<semaphore_mem>>
        %dma_start3A_1079 = arith.constant 0 : i32
        %dma_start3A_1080 = tpu.memref_slice %arg7[%run_scoped3A_1077, %dma_start3A_1079] : memref<2x64xi32, #tpu.memory_space<vmem>> -> memref<1x64xi32, #tpu.memory_space<vmem>>
        %dma_start3A_1081 = tpu.memref_squeeze %dma_start3A_1080 : memref<1x64xi32, #tpu.memory_space<vmem>> -> memref<64xi32, #tpu.memory_space<vmem>>
        %dma_start3A_1082 = arith.constant 0 : i32
        %dma_start3A_1083 = tpu.memref_slice %arg12[%dma_start3A_1082] : memref<1024xf32, #tpu.memory_space<vmem_shared>> -> memref<1024xf32, #tpu.memory_space<vmem_shared>>
        tpu.enqueue_indirect_dma source(%arg8 : memref<64xf32, #tpu.memory_space<vmem>>) target(%dma_start3A_1083 : memref<1024xf32, #tpu.memory_space<vmem_shared>>) offsets(%dma_start3A_1081 : memref<64xi32, #tpu.memory_space<vmem>>) semaphore(%run_scoped3A_1078 : memref<!tpu.dma_semaphore, #tpu.memory_space<semaphore_mem>>) {add = true}
        %dma_wait3A_1084 = arith.constant 0 : i32
        %dma_wait3A_1085 = tpu.memref_slice %arg7[%run_scoped3A_1077, %dma_wait3A_1084] : memref<2x64xi32, #tpu.memory_space<vmem>> -> memref<1x64xi32, #tpu.memory_space<vmem>>
        %dma_wait3A_1086 = tpu.memref_squeeze %dma_wait3A_1085 : memref<1x64xi32, #tpu.memory_space<vmem>> -> memref<64xi32, #tpu.memory_space<vmem>>
        %dma_wait3A_1087 = arith.constant 0 : i32
        %dma_wait3A_1088 = tpu.memref_slice %arg12[%dma_wait3A_1087] : memref<1024xf32, #tpu.memory_space<vmem_shared>> -> memref<1024xf32, #tpu.memory_space<vmem_shared>>
        tpu.wait_indirect_dma semaphore(%run_scoped3A_1078 : memref<!tpu.dma_semaphore, #tpu.memory_space<semaphore_mem>>) src(%arg8 : memref<64xf32, #tpu.memory_space<vmem>>) dst(%dma_wait3A_1088 : memref<1024xf32, #tpu.memory_space<vmem_shared>>)
        tpu.yield
      }) : () -> ()
    } else {
    }
    %add3A_765 = arith.constant 768 : i32
    %add3A_766 = arith.addi %mul3A_2, %add3A_765 : i32
    %dma_start3A_767 = arith.constant 0 : i32
    %dma_start3A_768 = arith.constant 0 : i32
    %dma_start3A_769 = arith.constant 0 : i32
    %dma_start3A_770 = tpu.memref_slice %arg7[%dma_start3A_767, %dma_start3A_769] : memref<2x64xi32, #tpu.memory_space<vmem>> -> memref<1x64xi32, #tpu.memory_space<vmem>>
    %dma_start3A_771 = tpu.memref_squeeze %dma_start3A_770 : memref<1x64xi32, #tpu.memory_space<vmem>> -> memref<64xi32, #tpu.memory_space<vmem>>
    %dma_start3A_772 = tpu.memref_slice %arg3[%add3A_766] : memref<16384xi32, #tpu.memory_space<hbm>> -> memref<64xi32, #tpu.memory_space<hbm>>
    %dma_start3A_773 = tpu.memref_slice %arg10[%dma_start3A_768] : memref<2x!tpu.dma_semaphore, #tpu.memory_space<semaphore_mem>> -> memref<1x!tpu.dma_semaphore, #tpu.memory_space<semaphore_mem>>
    %dma_start3A_774 = tpu.memref_squeeze %dma_start3A_773 : memref<1x!tpu.dma_semaphore, #tpu.memory_space<semaphore_mem>> -> memref<!tpu.dma_semaphore, #tpu.memory_space<semaphore_mem>>
    %dma_start3A_775 = arith.constant 0 : i32
    %dma_start3A_776 = tpu.memref_slice %arg7[%dma_start3A_767, %dma_start3A_775] : memref<2x64xi32, #tpu.memory_space<vmem>> -> memref<1x64xi32, #tpu.memory_space<vmem>>
    %dma_start3A_777 = tpu.memref_squeeze %dma_start3A_776 : memref<1x64xi32, #tpu.memory_space<vmem>> -> memref<64xi32, #tpu.memory_space<vmem>>
    %dma_start3A_778 = tpu.memref_slice %arg3[%add3A_766] : memref<16384xi32, #tpu.memory_space<hbm>> -> memref<64xi32, #tpu.memory_space<hbm>>
    tpu.enqueue_dma source(%dma_start3A_778 : memref<64xi32, #tpu.memory_space<hbm>>) target(%dma_start3A_777 : memref<64xi32, #tpu.memory_space<vmem>>) target_semaphore(%dma_start3A_774 : memref<!tpu.dma_semaphore, #tpu.memory_space<semaphore_mem>>)
    %dma_start3A_779 = arith.constant 0 : i32
    %dma_start3A_780 = arith.constant 0 : i32
    %dma_start3A_781 = arith.constant 0 : i32
    %dma_start3A_782 = arith.constant 0 : i32
    %dma_start3A_783 = tpu.memref_slice %arg6[%dma_start3A_779, %dma_start3A_781, %dma_start3A_782] : memref<2x64x512xf32, #tpu.memory_space<vmem>> -> memref<1x64x512xf32, #tpu.memory_space<vmem>>
    %dma_start3A_784 = tpu.memref_squeeze %dma_start3A_783 : memref<1x64x512xf32, #tpu.memory_space<vmem>> -> memref<64x512xf32, #tpu.memory_space<vmem>>
    %dma_start3A_785 = tpu.memref_slice %arg2[%add3A_766, %mul3A_0] : memref<16384x1000xf32, #tpu.memory_space<hbm>> -> memref<64x512xf32, #tpu.memory_space<hbm>>
    %dma_start3A_786 = tpu.memref_slice %arg10[%dma_start3A_780] : memref<2x!tpu.dma_semaphore, #tpu.memory_space<semaphore_mem>> -> memref<1x!tpu.dma_semaphore, #tpu.memory_space<semaphore_mem>>
    %dma_start3A_787 = tpu.memref_squeeze %dma_start3A_786 : memref<1x!tpu.dma_semaphore, #tpu.memory_space<semaphore_mem>> -> memref<!tpu.dma_semaphore, #tpu.memory_space<semaphore_mem>>
    %dma_start3A_788 = arith.constant 0 : i32
    %dma_start3A_789 = arith.constant 0 : i32
    %dma_start3A_790 = tpu.memref_slice %arg6[%dma_start3A_779, %dma_start3A_788, %dma_start3A_789] : memref<2x64x512xf32, #tpu.memory_space<vmem>> -> memref<1x64x512xf32, #tpu.memory_space<vmem>>
    %dma_start3A_791 = tpu.memref_squeeze %dma_start3A_790 : memref<1x64x512xf32, #tpu.memory_space<vmem>> -> memref<64x512xf32, #tpu.memory_space<vmem>>
    %dma_start3A_792 = tpu.memref_slice %arg2[%add3A_766, %mul3A_0] : memref<16384x1000xf32, #tpu.memory_space<hbm>> -> memref<64x512xf32, #tpu.memory_space<hbm>>
    tpu.enqueue_dma source(%dma_start3A_792 : memref<64x512xf32, #tpu.memory_space<hbm>>) target(%dma_start3A_791 : memref<64x512xf32, #tpu.memory_space<vmem>>) target_semaphore(%dma_start3A_787 : memref<!tpu.dma_semaphore, #tpu.memory_space<semaphore_mem>>)
    %dma_wait3A_793 = arith.constant 1 : i32
    %dma_wait3A_794 = arith.constant 1 : i32
    %dma_wait3A_795 = arith.constant 0 : i32
    %dma_wait3A_796 = tpu.memref_slice %arg7[%dma_wait3A_793, %dma_wait3A_795] : memref<2x64xi32, #tpu.memory_space<vmem>> -> memref<1x64xi32, #tpu.memory_space<vmem>>
    %dma_wait3A_797 = tpu.memref_squeeze %dma_wait3A_796 : memref<1x64xi32, #tpu.memory_space<vmem>> -> memref<64xi32, #tpu.memory_space<vmem>>
    %dma_wait3A_798 = arith.constant 0 : i32
    %dma_wait3A_799 = tpu.memref_slice %arg3[%dma_wait3A_798] : memref<16384xi32, #tpu.memory_space<hbm>> -> memref<64xi32, #tpu.memory_space<hbm>>
    %dma_wait3A_800 = tpu.memref_slice %arg10[%dma_wait3A_794] : memref<2x!tpu.dma_semaphore, #tpu.memory_space<semaphore_mem>> -> memref<1x!tpu.dma_semaphore, #tpu.memory_space<semaphore_mem>>
    %dma_wait3A_801 = tpu.memref_squeeze %dma_wait3A_800 : memref<1x!tpu.dma_semaphore, #tpu.memory_space<semaphore_mem>> -> memref<!tpu.dma_semaphore, #tpu.memory_space<semaphore_mem>>
    %dma_wait3A_802 = arith.constant 0 : i32
    %dma_wait3A_803 = tpu.memref_slice %arg7[%dma_wait3A_793, %dma_wait3A_802] : memref<2x64xi32, #tpu.memory_space<vmem>> -> memref<1x64xi32, #tpu.memory_space<vmem>>
    %dma_wait3A_804 = tpu.memref_squeeze %dma_wait3A_803 : memref<1x64xi32, #tpu.memory_space<vmem>> -> memref<64xi32, #tpu.memory_space<vmem>>
    %dma_wait3A_805 = arith.constant 0 : i32
    %dma_wait3A_806 = tpu.memref_slice %arg3[%dma_wait3A_805] : memref<16384xi32, #tpu.memory_space<hbm>> -> memref<64xi32, #tpu.memory_space<hbm>>
    tpu.wait_dma2 semaphore(%dma_wait3A_801 : memref<!tpu.dma_semaphore, #tpu.memory_space<semaphore_mem>>) src(%dma_wait3A_806 : memref<64xi32, #tpu.memory_space<hbm>>) dst(%dma_wait3A_804 : memref<64xi32, #tpu.memory_space<vmem>>)
    %dma_wait3A_807 = arith.constant 1 : i32
    %dma_wait3A_808 = arith.constant 1 : i32
    %dma_wait3A_809 = arith.constant 0 : i32
    %dma_wait3A_810 = arith.constant 0 : i32
    %dma_wait3A_811 = tpu.memref_slice %arg6[%dma_wait3A_807, %dma_wait3A_809, %dma_wait3A_810] : memref<2x64x512xf32, #tpu.memory_space<vmem>> -> memref<1x64x512xf32, #tpu.memory_space<vmem>>
    %dma_wait3A_812 = tpu.memref_squeeze %dma_wait3A_811 : memref<1x64x512xf32, #tpu.memory_space<vmem>> -> memref<64x512xf32, #tpu.memory_space<vmem>>
    %dma_wait3A_813 = arith.constant 0 : i32
    %dma_wait3A_814 = arith.constant 0 : i32
    %dma_wait3A_815 = tpu.memref_slice %arg2[%dma_wait3A_813, %dma_wait3A_814] : memref<16384x1000xf32, #tpu.memory_space<hbm>> -> memref<64x512xf32, #tpu.memory_space<hbm>>
    %dma_wait3A_816 = tpu.memref_slice %arg10[%dma_wait3A_808] : memref<2x!tpu.dma_semaphore, #tpu.memory_space<semaphore_mem>> -> memref<1x!tpu.dma_semaphore, #tpu.memory_space<semaphore_mem>>
    %dma_wait3A_817 = tpu.memref_squeeze %dma_wait3A_816 : memref<1x!tpu.dma_semaphore, #tpu.memory_space<semaphore_mem>> -> memref<!tpu.dma_semaphore, #tpu.memory_space<semaphore_mem>>
    %dma_wait3A_818 = arith.constant 0 : i32
    %dma_wait3A_819 = arith.constant 0 : i32
    %dma_wait3A_820 = tpu.memref_slice %arg6[%dma_wait3A_807, %dma_wait3A_818, %dma_wait3A_819] : memref<2x64x512xf32, #tpu.memory_space<vmem>> -> memref<1x64x512xf32, #tpu.memory_space<vmem>>
    %dma_wait3A_821 = tpu.memref_squeeze %dma_wait3A_820 : memref<1x64x512xf32, #tpu.memory_space<vmem>> -> memref<64x512xf32, #tpu.memory_space<vmem>>
    %dma_wait3A_822 = arith.constant 0 : i32
    %dma_wait3A_823 = arith.constant 0 : i32
    %dma_wait3A_824 = tpu.memref_slice %arg2[%dma_wait3A_822, %dma_wait3A_823] : memref<16384x1000xf32, #tpu.memory_space<hbm>> -> memref<64x512xf32, #tpu.memory_space<hbm>>
    tpu.wait_dma2 semaphore(%dma_wait3A_817 : memref<!tpu.dma_semaphore, #tpu.memory_space<semaphore_mem>>) src(%dma_wait3A_824 : memref<64x512xf32, #tpu.memory_space<hbm>>) dst(%dma_wait3A_821 : memref<64x512xf32, #tpu.memory_space<vmem>>)
    %run_scoped3A_825 = arith.constant 1 : i32
    %run_scoped3A_826 = arith.constant 1 : i32
    "tpu.region"() ({
      %run_scoped3A_1077 = tpu.sem_alloc : memref<!tpu.dma_semaphore, #tpu.memory_space<semaphore_mem>>
      %dma_start3A_1078 = arith.constant 0 : i32
      %dma_start3A_1079 = arith.constant 0 : i32
      %dma_start3A_1080 = tpu.memref_slice %arg6[%run_scoped3A_825, %dma_start3A_1078, %dma_start3A_1079] : memref<2x64x512xf32, #tpu.memory_space<vmem>> -> memref<1x64x512xf32, #tpu.memory_space<vmem>>
      %dma_start3A_1081 = tpu.memref_squeeze %dma_start3A_1080 : memref<1x64x512xf32, #tpu.memory_space<vmem>> -> memref<64x512xf32, #tpu.memory_space<vmem>>
      %dma_start3A_1082 = arith.constant 0 : i32
      %dma_start3A_1083 = tpu.memref_slice %arg7[%run_scoped3A_826, %dma_start3A_1082] : memref<2x64xi32, #tpu.memory_space<vmem>> -> memref<1x64xi32, #tpu.memory_space<vmem>>
      %dma_start3A_1084 = tpu.memref_squeeze %dma_start3A_1083 : memref<1x64xi32, #tpu.memory_space<vmem>> -> memref<64xi32, #tpu.memory_space<vmem>>
      %dma_start3A_1085 = arith.constant 0 : i32
      %dma_start3A_1086 = arith.constant 0 : i32
      %dma_start3A_1087 = tpu.memref_slice %arg11[%dma_start3A_1085, %dma_start3A_1086] : memref<1000x512xf32, #tpu.memory_space<vmem_shared>> -> memref<1000x512xf32, #tpu.memory_space<vmem_shared>>
      tpu.enqueue_indirect_dma source(%dma_start3A_1081 : memref<64x512xf32, #tpu.memory_space<vmem>>) target(%dma_start3A_1087 : memref<1000x512xf32, #tpu.memory_space<vmem_shared>>) offsets(%dma_start3A_1084 : memref<64xi32, #tpu.memory_space<vmem>>) semaphore(%run_scoped3A_1077 : memref<!tpu.dma_semaphore, #tpu.memory_space<semaphore_mem>>) {add = true}
      %dma_wait3A_1088 = arith.constant 0 : i32
      %dma_wait3A_1089 = arith.constant 0 : i32
      %dma_wait3A_1090 = tpu.memref_slice %arg6[%run_scoped3A_825, %dma_wait3A_1088, %dma_wait3A_1089] : memref<2x64x512xf32, #tpu.memory_space<vmem>> -> memref<1x64x512xf32, #tpu.memory_space<vmem>>
      %dma_wait3A_1091 = tpu.memref_squeeze %dma_wait3A_1090 : memref<1x64x512xf32, #tpu.memory_space<vmem>> -> memref<64x512xf32, #tpu.memory_space<vmem>>
      %dma_wait3A_1092 = arith.constant 0 : i32
      %dma_wait3A_1093 = tpu.memref_slice %arg7[%run_scoped3A_826, %dma_wait3A_1092] : memref<2x64xi32, #tpu.memory_space<vmem>> -> memref<1x64xi32, #tpu.memory_space<vmem>>
      %dma_wait3A_1094 = tpu.memref_squeeze %dma_wait3A_1093 : memref<1x64xi32, #tpu.memory_space<vmem>> -> memref<64xi32, #tpu.memory_space<vmem>>
      %dma_wait3A_1095 = arith.constant 0 : i32
      %dma_wait3A_1096 = arith.constant 0 : i32
      %dma_wait3A_1097 = tpu.memref_slice %arg11[%dma_wait3A_1095, %dma_wait3A_1096] : memref<1000x512xf32, #tpu.memory_space<vmem_shared>> -> memref<1000x512xf32, #tpu.memory_space<vmem_shared>>
      tpu.wait_indirect_dma semaphore(%run_scoped3A_1077 : memref<!tpu.dma_semaphore, #tpu.memory_space<semaphore_mem>>) src(%dma_wait3A_1091 : memref<64x512xf32, #tpu.memory_space<vmem>>) dst(%dma_wait3A_1097 : memref<1000x512xf32, #tpu.memory_space<vmem_shared>>)
      tpu.yield
    }) : () -> ()
    %convert_element_type3A_827 = arith.extui %eq3A_79 : i1 to i32
    %cond3A_828 = arith.constant 0 : i32
    %cond3A_829 = arith.cmpi ne, %convert_element_type3A_827, %cond3A_828 : i32
    scf.if %cond3A_829 {
      %run_scoped3A_1077 = arith.constant 1 : i32
      "tpu.region"() ({
        %run_scoped3A_1078 = tpu.sem_alloc : memref<!tpu.dma_semaphore, #tpu.memory_space<semaphore_mem>>
        %dma_start3A_1079 = arith.constant 0 : i32
        %dma_start3A_1080 = tpu.memref_slice %arg7[%run_scoped3A_1077, %dma_start3A_1079] : memref<2x64xi32, #tpu.memory_space<vmem>> -> memref<1x64xi32, #tpu.memory_space<vmem>>
        %dma_start3A_1081 = tpu.memref_squeeze %dma_start3A_1080 : memref<1x64xi32, #tpu.memory_space<vmem>> -> memref<64xi32, #tpu.memory_space<vmem>>
        %dma_start3A_1082 = arith.constant 0 : i32
        %dma_start3A_1083 = tpu.memref_slice %arg12[%dma_start3A_1082] : memref<1024xf32, #tpu.memory_space<vmem_shared>> -> memref<1024xf32, #tpu.memory_space<vmem_shared>>
        tpu.enqueue_indirect_dma source(%arg8 : memref<64xf32, #tpu.memory_space<vmem>>) target(%dma_start3A_1083 : memref<1024xf32, #tpu.memory_space<vmem_shared>>) offsets(%dma_start3A_1081 : memref<64xi32, #tpu.memory_space<vmem>>) semaphore(%run_scoped3A_1078 : memref<!tpu.dma_semaphore, #tpu.memory_space<semaphore_mem>>) {add = true}
        %dma_wait3A_1084 = arith.constant 0 : i32
        %dma_wait3A_1085 = tpu.memref_slice %arg7[%run_scoped3A_1077, %dma_wait3A_1084] : memref<2x64xi32, #tpu.memory_space<vmem>> -> memref<1x64xi32, #tpu.memory_space<vmem>>
        %dma_wait3A_1086 = tpu.memref_squeeze %dma_wait3A_1085 : memref<1x64xi32, #tpu.memory_space<vmem>> -> memref<64xi32, #tpu.memory_space<vmem>>
        %dma_wait3A_1087 = arith.constant 0 : i32
        %dma_wait3A_1088 = tpu.memref_slice %arg12[%dma_wait3A_1087] : memref<1024xf32, #tpu.memory_space<vmem_shared>> -> memref<1024xf32, #tpu.memory_space<vmem_shared>>
        tpu.wait_indirect_dma semaphore(%run_scoped3A_1078 : memref<!tpu.dma_semaphore, #tpu.memory_space<semaphore_mem>>) src(%arg8 : memref<64xf32, #tpu.memory_space<vmem>>) dst(%dma_wait3A_1088 : memref<1024xf32, #tpu.memory_space<vmem_shared>>)
        tpu.yield
      }) : () -> ()
    } else {
    }
    %add3A_830 = arith.constant 832 : i32
    %add3A_831 = arith.addi %mul3A_2, %add3A_830 : i32
    %dma_start3A_832 = arith.constant 1 : i32
    %dma_start3A_833 = arith.constant 1 : i32
    %dma_start3A_834 = arith.constant 0 : i32
    %dma_start3A_835 = tpu.memref_slice %arg7[%dma_start3A_832, %dma_start3A_834] : memref<2x64xi32, #tpu.memory_space<vmem>> -> memref<1x64xi32, #tpu.memory_space<vmem>>
    %dma_start3A_836 = tpu.memref_squeeze %dma_start3A_835 : memref<1x64xi32, #tpu.memory_space<vmem>> -> memref<64xi32, #tpu.memory_space<vmem>>
    %dma_start3A_837 = tpu.memref_slice %arg3[%add3A_831] : memref<16384xi32, #tpu.memory_space<hbm>> -> memref<64xi32, #tpu.memory_space<hbm>>
    %dma_start3A_838 = tpu.memref_slice %arg10[%dma_start3A_833] : memref<2x!tpu.dma_semaphore, #tpu.memory_space<semaphore_mem>> -> memref<1x!tpu.dma_semaphore, #tpu.memory_space<semaphore_mem>>
    %dma_start3A_839 = tpu.memref_squeeze %dma_start3A_838 : memref<1x!tpu.dma_semaphore, #tpu.memory_space<semaphore_mem>> -> memref<!tpu.dma_semaphore, #tpu.memory_space<semaphore_mem>>
    %dma_start3A_840 = arith.constant 0 : i32
    %dma_start3A_841 = tpu.memref_slice %arg7[%dma_start3A_832, %dma_start3A_840] : memref<2x64xi32, #tpu.memory_space<vmem>> -> memref<1x64xi32, #tpu.memory_space<vmem>>
    %dma_start3A_842 = tpu.memref_squeeze %dma_start3A_841 : memref<1x64xi32, #tpu.memory_space<vmem>> -> memref<64xi32, #tpu.memory_space<vmem>>
    %dma_start3A_843 = tpu.memref_slice %arg3[%add3A_831] : memref<16384xi32, #tpu.memory_space<hbm>> -> memref<64xi32, #tpu.memory_space<hbm>>
    tpu.enqueue_dma source(%dma_start3A_843 : memref<64xi32, #tpu.memory_space<hbm>>) target(%dma_start3A_842 : memref<64xi32, #tpu.memory_space<vmem>>) target_semaphore(%dma_start3A_839 : memref<!tpu.dma_semaphore, #tpu.memory_space<semaphore_mem>>)
    %dma_start3A_844 = arith.constant 1 : i32
    %dma_start3A_845 = arith.constant 1 : i32
    %dma_start3A_846 = arith.constant 0 : i32
    %dma_start3A_847 = arith.constant 0 : i32
    %dma_start3A_848 = tpu.memref_slice %arg6[%dma_start3A_844, %dma_start3A_846, %dma_start3A_847] : memref<2x64x512xf32, #tpu.memory_space<vmem>> -> memref<1x64x512xf32, #tpu.memory_space<vmem>>
    %dma_start3A_849 = tpu.memref_squeeze %dma_start3A_848 : memref<1x64x512xf32, #tpu.memory_space<vmem>> -> memref<64x512xf32, #tpu.memory_space<vmem>>
    %dma_start3A_850 = tpu.memref_slice %arg2[%add3A_831, %mul3A_0] : memref<16384x1000xf32, #tpu.memory_space<hbm>> -> memref<64x512xf32, #tpu.memory_space<hbm>>
    %dma_start3A_851 = tpu.memref_slice %arg10[%dma_start3A_845] : memref<2x!tpu.dma_semaphore, #tpu.memory_space<semaphore_mem>> -> memref<1x!tpu.dma_semaphore, #tpu.memory_space<semaphore_mem>>
    %dma_start3A_852 = tpu.memref_squeeze %dma_start3A_851 : memref<1x!tpu.dma_semaphore, #tpu.memory_space<semaphore_mem>> -> memref<!tpu.dma_semaphore, #tpu.memory_space<semaphore_mem>>
    %dma_start3A_853 = arith.constant 0 : i32
    %dma_start3A_854 = arith.constant 0 : i32
    %dma_start3A_855 = tpu.memref_slice %arg6[%dma_start3A_844, %dma_start3A_853, %dma_start3A_854] : memref<2x64x512xf32, #tpu.memory_space<vmem>> -> memref<1x64x512xf32, #tpu.memory_space<vmem>>
    %dma_start3A_856 = tpu.memref_squeeze %dma_start3A_855 : memref<1x64x512xf32, #tpu.memory_space<vmem>> -> memref<64x512xf32, #tpu.memory_space<vmem>>
    %dma_start3A_857 = tpu.memref_slice %arg2[%add3A_831, %mul3A_0] : memref<16384x1000xf32, #tpu.memory_space<hbm>> -> memref<64x512xf32, #tpu.memory_space<hbm>>
    tpu.enqueue_dma source(%dma_start3A_857 : memref<64x512xf32, #tpu.memory_space<hbm>>) target(%dma_start3A_856 : memref<64x512xf32, #tpu.memory_space<vmem>>) target_semaphore(%dma_start3A_852 : memref<!tpu.dma_semaphore, #tpu.memory_space<semaphore_mem>>)
    %dma_wait3A_858 = arith.constant 0 : i32
    %dma_wait3A_859 = arith.constant 0 : i32
    %dma_wait3A_860 = arith.constant 0 : i32
    %dma_wait3A_861 = tpu.memref_slice %arg7[%dma_wait3A_858, %dma_wait3A_860] : memref<2x64xi32, #tpu.memory_space<vmem>> -> memref<1x64xi32, #tpu.memory_space<vmem>>
    %dma_wait3A_862 = tpu.memref_squeeze %dma_wait3A_861 : memref<1x64xi32, #tpu.memory_space<vmem>> -> memref<64xi32, #tpu.memory_space<vmem>>
    %dma_wait3A_863 = arith.constant 0 : i32
    %dma_wait3A_864 = tpu.memref_slice %arg3[%dma_wait3A_863] : memref<16384xi32, #tpu.memory_space<hbm>> -> memref<64xi32, #tpu.memory_space<hbm>>
    %dma_wait3A_865 = tpu.memref_slice %arg10[%dma_wait3A_859] : memref<2x!tpu.dma_semaphore, #tpu.memory_space<semaphore_mem>> -> memref<1x!tpu.dma_semaphore, #tpu.memory_space<semaphore_mem>>
    %dma_wait3A_866 = tpu.memref_squeeze %dma_wait3A_865 : memref<1x!tpu.dma_semaphore, #tpu.memory_space<semaphore_mem>> -> memref<!tpu.dma_semaphore, #tpu.memory_space<semaphore_mem>>
    %dma_wait3A_867 = arith.constant 0 : i32
    %dma_wait3A_868 = tpu.memref_slice %arg7[%dma_wait3A_858, %dma_wait3A_867] : memref<2x64xi32, #tpu.memory_space<vmem>> -> memref<1x64xi32, #tpu.memory_space<vmem>>
    %dma_wait3A_869 = tpu.memref_squeeze %dma_wait3A_868 : memref<1x64xi32, #tpu.memory_space<vmem>> -> memref<64xi32, #tpu.memory_space<vmem>>
    %dma_wait3A_870 = arith.constant 0 : i32
    %dma_wait3A_871 = tpu.memref_slice %arg3[%dma_wait3A_870] : memref<16384xi32, #tpu.memory_space<hbm>> -> memref<64xi32, #tpu.memory_space<hbm>>
    tpu.wait_dma2 semaphore(%dma_wait3A_866 : memref<!tpu.dma_semaphore, #tpu.memory_space<semaphore_mem>>) src(%dma_wait3A_871 : memref<64xi32, #tpu.memory_space<hbm>>) dst(%dma_wait3A_869 : memref<64xi32, #tpu.memory_space<vmem>>)
    %dma_wait3A_872 = arith.constant 0 : i32
    %dma_wait3A_873 = arith.constant 0 : i32
    %dma_wait3A_874 = arith.constant 0 : i32
    %dma_wait3A_875 = arith.constant 0 : i32
    %dma_wait3A_876 = tpu.memref_slice %arg6[%dma_wait3A_872, %dma_wait3A_874, %dma_wait3A_875] : memref<2x64x512xf32, #tpu.memory_space<vmem>> -> memref<1x64x512xf32, #tpu.memory_space<vmem>>
    %dma_wait3A_877 = tpu.memref_squeeze %dma_wait3A_876 : memref<1x64x512xf32, #tpu.memory_space<vmem>> -> memref<64x512xf32, #tpu.memory_space<vmem>>
    %dma_wait3A_878 = arith.constant 0 : i32
    %dma_wait3A_879 = arith.constant 0 : i32
    %dma_wait3A_880 = tpu.memref_slice %arg2[%dma_wait3A_878, %dma_wait3A_879] : memref<16384x1000xf32, #tpu.memory_space<hbm>> -> memref<64x512xf32, #tpu.memory_space<hbm>>
    %dma_wait3A_881 = tpu.memref_slice %arg10[%dma_wait3A_873] : memref<2x!tpu.dma_semaphore, #tpu.memory_space<semaphore_mem>> -> memref<1x!tpu.dma_semaphore, #tpu.memory_space<semaphore_mem>>
    %dma_wait3A_882 = tpu.memref_squeeze %dma_wait3A_881 : memref<1x!tpu.dma_semaphore, #tpu.memory_space<semaphore_mem>> -> memref<!tpu.dma_semaphore, #tpu.memory_space<semaphore_mem>>
    %dma_wait3A_883 = arith.constant 0 : i32
    %dma_wait3A_884 = arith.constant 0 : i32
    %dma_wait3A_885 = tpu.memref_slice %arg6[%dma_wait3A_872, %dma_wait3A_883, %dma_wait3A_884] : memref<2x64x512xf32, #tpu.memory_space<vmem>> -> memref<1x64x512xf32, #tpu.memory_space<vmem>>
    %dma_wait3A_886 = tpu.memref_squeeze %dma_wait3A_885 : memref<1x64x512xf32, #tpu.memory_space<vmem>> -> memref<64x512xf32, #tpu.memory_space<vmem>>
    %dma_wait3A_887 = arith.constant 0 : i32
    %dma_wait3A_888 = arith.constant 0 : i32
    %dma_wait3A_889 = tpu.memref_slice %arg2[%dma_wait3A_887, %dma_wait3A_888] : memref<16384x1000xf32, #tpu.memory_space<hbm>> -> memref<64x512xf32, #tpu.memory_space<hbm>>
    tpu.wait_dma2 semaphore(%dma_wait3A_882 : memref<!tpu.dma_semaphore, #tpu.memory_space<semaphore_mem>>) src(%dma_wait3A_889 : memref<64x512xf32, #tpu.memory_space<hbm>>) dst(%dma_wait3A_886 : memref<64x512xf32, #tpu.memory_space<vmem>>)
    %run_scoped3A_890 = arith.constant 0 : i32
    %run_scoped3A_891 = arith.constant 0 : i32
    "tpu.region"() ({
      %run_scoped3A_1077 = tpu.sem_alloc : memref<!tpu.dma_semaphore, #tpu.memory_space<semaphore_mem>>
      %dma_start3A_1078 = arith.constant 0 : i32
      %dma_start3A_1079 = arith.constant 0 : i32
      %dma_start3A_1080 = tpu.memref_slice %arg6[%run_scoped3A_890, %dma_start3A_1078, %dma_start3A_1079] : memref<2x64x512xf32, #tpu.memory_space<vmem>> -> memref<1x64x512xf32, #tpu.memory_space<vmem>>
      %dma_start3A_1081 = tpu.memref_squeeze %dma_start3A_1080 : memref<1x64x512xf32, #tpu.memory_space<vmem>> -> memref<64x512xf32, #tpu.memory_space<vmem>>
      %dma_start3A_1082 = arith.constant 0 : i32
      %dma_start3A_1083 = tpu.memref_slice %arg7[%run_scoped3A_891, %dma_start3A_1082] : memref<2x64xi32, #tpu.memory_space<vmem>> -> memref<1x64xi32, #tpu.memory_space<vmem>>
      %dma_start3A_1084 = tpu.memref_squeeze %dma_start3A_1083 : memref<1x64xi32, #tpu.memory_space<vmem>> -> memref<64xi32, #tpu.memory_space<vmem>>
      %dma_start3A_1085 = arith.constant 0 : i32
      %dma_start3A_1086 = arith.constant 0 : i32
      %dma_start3A_1087 = tpu.memref_slice %arg11[%dma_start3A_1085, %dma_start3A_1086] : memref<1000x512xf32, #tpu.memory_space<vmem_shared>> -> memref<1000x512xf32, #tpu.memory_space<vmem_shared>>
      tpu.enqueue_indirect_dma source(%dma_start3A_1081 : memref<64x512xf32, #tpu.memory_space<vmem>>) target(%dma_start3A_1087 : memref<1000x512xf32, #tpu.memory_space<vmem_shared>>) offsets(%dma_start3A_1084 : memref<64xi32, #tpu.memory_space<vmem>>) semaphore(%run_scoped3A_1077 : memref<!tpu.dma_semaphore, #tpu.memory_space<semaphore_mem>>) {add = true}
      %dma_wait3A_1088 = arith.constant 0 : i32
      %dma_wait3A_1089 = arith.constant 0 : i32
      %dma_wait3A_1090 = tpu.memref_slice %arg6[%run_scoped3A_890, %dma_wait3A_1088, %dma_wait3A_1089] : memref<2x64x512xf32, #tpu.memory_space<vmem>> -> memref<1x64x512xf32, #tpu.memory_space<vmem>>
      %dma_wait3A_1091 = tpu.memref_squeeze %dma_wait3A_1090 : memref<1x64x512xf32, #tpu.memory_space<vmem>> -> memref<64x512xf32, #tpu.memory_space<vmem>>
      %dma_wait3A_1092 = arith.constant 0 : i32
      %dma_wait3A_1093 = tpu.memref_slice %arg7[%run_scoped3A_891, %dma_wait3A_1092] : memref<2x64xi32, #tpu.memory_space<vmem>> -> memref<1x64xi32, #tpu.memory_space<vmem>>
      %dma_wait3A_1094 = tpu.memref_squeeze %dma_wait3A_1093 : memref<1x64xi32, #tpu.memory_space<vmem>> -> memref<64xi32, #tpu.memory_space<vmem>>
      %dma_wait3A_1095 = arith.constant 0 : i32
      %dma_wait3A_1096 = arith.constant 0 : i32
      %dma_wait3A_1097 = tpu.memref_slice %arg11[%dma_wait3A_1095, %dma_wait3A_1096] : memref<1000x512xf32, #tpu.memory_space<vmem_shared>> -> memref<1000x512xf32, #tpu.memory_space<vmem_shared>>
      tpu.wait_indirect_dma semaphore(%run_scoped3A_1077 : memref<!tpu.dma_semaphore, #tpu.memory_space<semaphore_mem>>) src(%dma_wait3A_1091 : memref<64x512xf32, #tpu.memory_space<vmem>>) dst(%dma_wait3A_1097 : memref<1000x512xf32, #tpu.memory_space<vmem_shared>>)
      tpu.yield
    }) : () -> ()
    %convert_element_type3A_892 = arith.extui %eq3A_79 : i1 to i32
    %cond3A_893 = arith.constant 0 : i32
    %cond3A_894 = arith.cmpi ne, %convert_element_type3A_892, %cond3A_893 : i32
    scf.if %cond3A_894 {
      %run_scoped3A_1077 = arith.constant 0 : i32
      "tpu.region"() ({
        %run_scoped3A_1078 = tpu.sem_alloc : memref<!tpu.dma_semaphore, #tpu.memory_space<semaphore_mem>>
        %dma_start3A_1079 = arith.constant 0 : i32
        %dma_start3A_1080 = tpu.memref_slice %arg7[%run_scoped3A_1077, %dma_start3A_1079] : memref<2x64xi32, #tpu.memory_space<vmem>> -> memref<1x64xi32, #tpu.memory_space<vmem>>
        %dma_start3A_1081 = tpu.memref_squeeze %dma_start3A_1080 : memref<1x64xi32, #tpu.memory_space<vmem>> -> memref<64xi32, #tpu.memory_space<vmem>>
        %dma_start3A_1082 = arith.constant 0 : i32
        %dma_start3A_1083 = tpu.memref_slice %arg12[%dma_start3A_1082] : memref<1024xf32, #tpu.memory_space<vmem_shared>> -> memref<1024xf32, #tpu.memory_space<vmem_shared>>
        tpu.enqueue_indirect_dma source(%arg8 : memref<64xf32, #tpu.memory_space<vmem>>) target(%dma_start3A_1083 : memref<1024xf32, #tpu.memory_space<vmem_shared>>) offsets(%dma_start3A_1081 : memref<64xi32, #tpu.memory_space<vmem>>) semaphore(%run_scoped3A_1078 : memref<!tpu.dma_semaphore, #tpu.memory_space<semaphore_mem>>) {add = true}
        %dma_wait3A_1084 = arith.constant 0 : i32
        %dma_wait3A_1085 = tpu.memref_slice %arg7[%run_scoped3A_1077, %dma_wait3A_1084] : memref<2x64xi32, #tpu.memory_space<vmem>> -> memref<1x64xi32, #tpu.memory_space<vmem>>
        %dma_wait3A_1086 = tpu.memref_squeeze %dma_wait3A_1085 : memref<1x64xi32, #tpu.memory_space<vmem>> -> memref<64xi32, #tpu.memory_space<vmem>>
        %dma_wait3A_1087 = arith.constant 0 : i32
        %dma_wait3A_1088 = tpu.memref_slice %arg12[%dma_wait3A_1087] : memref<1024xf32, #tpu.memory_space<vmem_shared>> -> memref<1024xf32, #tpu.memory_space<vmem_shared>>
        tpu.wait_indirect_dma semaphore(%run_scoped3A_1078 : memref<!tpu.dma_semaphore, #tpu.memory_space<semaphore_mem>>) src(%arg8 : memref<64xf32, #tpu.memory_space<vmem>>) dst(%dma_wait3A_1088 : memref<1024xf32, #tpu.memory_space<vmem_shared>>)
        tpu.yield
      }) : () -> ()
    } else {
    }
    %add3A_895 = arith.constant 896 : i32
    %add3A_896 = arith.addi %mul3A_2, %add3A_895 : i32
    %dma_start3A_897 = arith.constant 0 : i32
    %dma_start3A_898 = arith.constant 0 : i32
    %dma_start3A_899 = arith.constant 0 : i32
    %dma_start3A_900 = tpu.memref_slice %arg7[%dma_start3A_897, %dma_start3A_899] : memref<2x64xi32, #tpu.memory_space<vmem>> -> memref<1x64xi32, #tpu.memory_space<vmem>>
    %dma_start3A_901 = tpu.memref_squeeze %dma_start3A_900 : memref<1x64xi32, #tpu.memory_space<vmem>> -> memref<64xi32, #tpu.memory_space<vmem>>
    %dma_start3A_902 = tpu.memref_slice %arg3[%add3A_896] : memref<16384xi32, #tpu.memory_space<hbm>> -> memref<64xi32, #tpu.memory_space<hbm>>
    %dma_start3A_903 = tpu.memref_slice %arg10[%dma_start3A_898] : memref<2x!tpu.dma_semaphore, #tpu.memory_space<semaphore_mem>> -> memref<1x!tpu.dma_semaphore, #tpu.memory_space<semaphore_mem>>
    %dma_start3A_904 = tpu.memref_squeeze %dma_start3A_903 : memref<1x!tpu.dma_semaphore, #tpu.memory_space<semaphore_mem>> -> memref<!tpu.dma_semaphore, #tpu.memory_space<semaphore_mem>>
    %dma_start3A_905 = arith.constant 0 : i32
    %dma_start3A_906 = tpu.memref_slice %arg7[%dma_start3A_897, %dma_start3A_905] : memref<2x64xi32, #tpu.memory_space<vmem>> -> memref<1x64xi32, #tpu.memory_space<vmem>>
    %dma_start3A_907 = tpu.memref_squeeze %dma_start3A_906 : memref<1x64xi32, #tpu.memory_space<vmem>> -> memref<64xi32, #tpu.memory_space<vmem>>
    %dma_start3A_908 = tpu.memref_slice %arg3[%add3A_896] : memref<16384xi32, #tpu.memory_space<hbm>> -> memref<64xi32, #tpu.memory_space<hbm>>
    tpu.enqueue_dma source(%dma_start3A_908 : memref<64xi32, #tpu.memory_space<hbm>>) target(%dma_start3A_907 : memref<64xi32, #tpu.memory_space<vmem>>) target_semaphore(%dma_start3A_904 : memref<!tpu.dma_semaphore, #tpu.memory_space<semaphore_mem>>)
    %dma_start3A_909 = arith.constant 0 : i32
    %dma_start3A_910 = arith.constant 0 : i32
    %dma_start3A_911 = arith.constant 0 : i32
    %dma_start3A_912 = arith.constant 0 : i32
    %dma_start3A_913 = tpu.memref_slice %arg6[%dma_start3A_909, %dma_start3A_911, %dma_start3A_912] : memref<2x64x512xf32, #tpu.memory_space<vmem>> -> memref<1x64x512xf32, #tpu.memory_space<vmem>>
    %dma_start3A_914 = tpu.memref_squeeze %dma_start3A_913 : memref<1x64x512xf32, #tpu.memory_space<vmem>> -> memref<64x512xf32, #tpu.memory_space<vmem>>
    %dma_start3A_915 = tpu.memref_slice %arg2[%add3A_896, %mul3A_0] : memref<16384x1000xf32, #tpu.memory_space<hbm>> -> memref<64x512xf32, #tpu.memory_space<hbm>>
    %dma_start3A_916 = tpu.memref_slice %arg10[%dma_start3A_910] : memref<2x!tpu.dma_semaphore, #tpu.memory_space<semaphore_mem>> -> memref<1x!tpu.dma_semaphore, #tpu.memory_space<semaphore_mem>>
    %dma_start3A_917 = tpu.memref_squeeze %dma_start3A_916 : memref<1x!tpu.dma_semaphore, #tpu.memory_space<semaphore_mem>> -> memref<!tpu.dma_semaphore, #tpu.memory_space<semaphore_mem>>
    %dma_start3A_918 = arith.constant 0 : i32
    %dma_start3A_919 = arith.constant 0 : i32
    %dma_start3A_920 = tpu.memref_slice %arg6[%dma_start3A_909, %dma_start3A_918, %dma_start3A_919] : memref<2x64x512xf32, #tpu.memory_space<vmem>> -> memref<1x64x512xf32, #tpu.memory_space<vmem>>
    %dma_start3A_921 = tpu.memref_squeeze %dma_start3A_920 : memref<1x64x512xf32, #tpu.memory_space<vmem>> -> memref<64x512xf32, #tpu.memory_space<vmem>>
    %dma_start3A_922 = tpu.memref_slice %arg2[%add3A_896, %mul3A_0] : memref<16384x1000xf32, #tpu.memory_space<hbm>> -> memref<64x512xf32, #tpu.memory_space<hbm>>
    tpu.enqueue_dma source(%dma_start3A_922 : memref<64x512xf32, #tpu.memory_space<hbm>>) target(%dma_start3A_921 : memref<64x512xf32, #tpu.memory_space<vmem>>) target_semaphore(%dma_start3A_917 : memref<!tpu.dma_semaphore, #tpu.memory_space<semaphore_mem>>)
    %dma_wait3A_923 = arith.constant 1 : i32
    %dma_wait3A_924 = arith.constant 1 : i32
    %dma_wait3A_925 = arith.constant 0 : i32
    %dma_wait3A_926 = tpu.memref_slice %arg7[%dma_wait3A_923, %dma_wait3A_925] : memref<2x64xi32, #tpu.memory_space<vmem>> -> memref<1x64xi32, #tpu.memory_space<vmem>>
    %dma_wait3A_927 = tpu.memref_squeeze %dma_wait3A_926 : memref<1x64xi32, #tpu.memory_space<vmem>> -> memref<64xi32, #tpu.memory_space<vmem>>
    %dma_wait3A_928 = arith.constant 0 : i32
    %dma_wait3A_929 = tpu.memref_slice %arg3[%dma_wait3A_928] : memref<16384xi32, #tpu.memory_space<hbm>> -> memref<64xi32, #tpu.memory_space<hbm>>
    %dma_wait3A_930 = tpu.memref_slice %arg10[%dma_wait3A_924] : memref<2x!tpu.dma_semaphore, #tpu.memory_space<semaphore_mem>> -> memref<1x!tpu.dma_semaphore, #tpu.memory_space<semaphore_mem>>
    %dma_wait3A_931 = tpu.memref_squeeze %dma_wait3A_930 : memref<1x!tpu.dma_semaphore, #tpu.memory_space<semaphore_mem>> -> memref<!tpu.dma_semaphore, #tpu.memory_space<semaphore_mem>>
    %dma_wait3A_932 = arith.constant 0 : i32
    %dma_wait3A_933 = tpu.memref_slice %arg7[%dma_wait3A_923, %dma_wait3A_932] : memref<2x64xi32, #tpu.memory_space<vmem>> -> memref<1x64xi32, #tpu.memory_space<vmem>>
    %dma_wait3A_934 = tpu.memref_squeeze %dma_wait3A_933 : memref<1x64xi32, #tpu.memory_space<vmem>> -> memref<64xi32, #tpu.memory_space<vmem>>
    %dma_wait3A_935 = arith.constant 0 : i32
    %dma_wait3A_936 = tpu.memref_slice %arg3[%dma_wait3A_935] : memref<16384xi32, #tpu.memory_space<hbm>> -> memref<64xi32, #tpu.memory_space<hbm>>
    tpu.wait_dma2 semaphore(%dma_wait3A_931 : memref<!tpu.dma_semaphore, #tpu.memory_space<semaphore_mem>>) src(%dma_wait3A_936 : memref<64xi32, #tpu.memory_space<hbm>>) dst(%dma_wait3A_934 : memref<64xi32, #tpu.memory_space<vmem>>)
    %dma_wait3A_937 = arith.constant 1 : i32
    %dma_wait3A_938 = arith.constant 1 : i32
    %dma_wait3A_939 = arith.constant 0 : i32
    %dma_wait3A_940 = arith.constant 0 : i32
    %dma_wait3A_941 = tpu.memref_slice %arg6[%dma_wait3A_937, %dma_wait3A_939, %dma_wait3A_940] : memref<2x64x512xf32, #tpu.memory_space<vmem>> -> memref<1x64x512xf32, #tpu.memory_space<vmem>>
    %dma_wait3A_942 = tpu.memref_squeeze %dma_wait3A_941 : memref<1x64x512xf32, #tpu.memory_space<vmem>> -> memref<64x512xf32, #tpu.memory_space<vmem>>
    %dma_wait3A_943 = arith.constant 0 : i32
    %dma_wait3A_944 = arith.constant 0 : i32
    %dma_wait3A_945 = tpu.memref_slice %arg2[%dma_wait3A_943, %dma_wait3A_944] : memref<16384x1000xf32, #tpu.memory_space<hbm>> -> memref<64x512xf32, #tpu.memory_space<hbm>>
    %dma_wait3A_946 = tpu.memref_slice %arg10[%dma_wait3A_938] : memref<2x!tpu.dma_semaphore, #tpu.memory_space<semaphore_mem>> -> memref<1x!tpu.dma_semaphore, #tpu.memory_space<semaphore_mem>>
    %dma_wait3A_947 = tpu.memref_squeeze %dma_wait3A_946 : memref<1x!tpu.dma_semaphore, #tpu.memory_space<semaphore_mem>> -> memref<!tpu.dma_semaphore, #tpu.memory_space<semaphore_mem>>
    %dma_wait3A_948 = arith.constant 0 : i32
    %dma_wait3A_949 = arith.constant 0 : i32
    %dma_wait3A_950 = tpu.memref_slice %arg6[%dma_wait3A_937, %dma_wait3A_948, %dma_wait3A_949] : memref<2x64x512xf32, #tpu.memory_space<vmem>> -> memref<1x64x512xf32, #tpu.memory_space<vmem>>
    %dma_wait3A_951 = tpu.memref_squeeze %dma_wait3A_950 : memref<1x64x512xf32, #tpu.memory_space<vmem>> -> memref<64x512xf32, #tpu.memory_space<vmem>>
    %dma_wait3A_952 = arith.constant 0 : i32
    %dma_wait3A_953 = arith.constant 0 : i32
    %dma_wait3A_954 = tpu.memref_slice %arg2[%dma_wait3A_952, %dma_wait3A_953] : memref<16384x1000xf32, #tpu.memory_space<hbm>> -> memref<64x512xf32, #tpu.memory_space<hbm>>
    tpu.wait_dma2 semaphore(%dma_wait3A_947 : memref<!tpu.dma_semaphore, #tpu.memory_space<semaphore_mem>>) src(%dma_wait3A_954 : memref<64x512xf32, #tpu.memory_space<hbm>>) dst(%dma_wait3A_951 : memref<64x512xf32, #tpu.memory_space<vmem>>)
    %run_scoped3A_955 = arith.constant 1 : i32
    %run_scoped3A_956 = arith.constant 1 : i32
    "tpu.region"() ({
      %run_scoped3A_1077 = tpu.sem_alloc : memref<!tpu.dma_semaphore, #tpu.memory_space<semaphore_mem>>
      %dma_start3A_1078 = arith.constant 0 : i32
      %dma_start3A_1079 = arith.constant 0 : i32
      %dma_start3A_1080 = tpu.memref_slice %arg6[%run_scoped3A_955, %dma_start3A_1078, %dma_start3A_1079] : memref<2x64x512xf32, #tpu.memory_space<vmem>> -> memref<1x64x512xf32, #tpu.memory_space<vmem>>
      %dma_start3A_1081 = tpu.memref_squeeze %dma_start3A_1080 : memref<1x64x512xf32, #tpu.memory_space<vmem>> -> memref<64x512xf32, #tpu.memory_space<vmem>>
      %dma_start3A_1082 = arith.constant 0 : i32
      %dma_start3A_1083 = tpu.memref_slice %arg7[%run_scoped3A_956, %dma_start3A_1082] : memref<2x64xi32, #tpu.memory_space<vmem>> -> memref<1x64xi32, #tpu.memory_space<vmem>>
      %dma_start3A_1084 = tpu.memref_squeeze %dma_start3A_1083 : memref<1x64xi32, #tpu.memory_space<vmem>> -> memref<64xi32, #tpu.memory_space<vmem>>
      %dma_start3A_1085 = arith.constant 0 : i32
      %dma_start3A_1086 = arith.constant 0 : i32
      %dma_start3A_1087 = tpu.memref_slice %arg11[%dma_start3A_1085, %dma_start3A_1086] : memref<1000x512xf32, #tpu.memory_space<vmem_shared>> -> memref<1000x512xf32, #tpu.memory_space<vmem_shared>>
      tpu.enqueue_indirect_dma source(%dma_start3A_1081 : memref<64x512xf32, #tpu.memory_space<vmem>>) target(%dma_start3A_1087 : memref<1000x512xf32, #tpu.memory_space<vmem_shared>>) offsets(%dma_start3A_1084 : memref<64xi32, #tpu.memory_space<vmem>>) semaphore(%run_scoped3A_1077 : memref<!tpu.dma_semaphore, #tpu.memory_space<semaphore_mem>>) {add = true}
      %dma_wait3A_1088 = arith.constant 0 : i32
      %dma_wait3A_1089 = arith.constant 0 : i32
      %dma_wait3A_1090 = tpu.memref_slice %arg6[%run_scoped3A_955, %dma_wait3A_1088, %dma_wait3A_1089] : memref<2x64x512xf32, #tpu.memory_space<vmem>> -> memref<1x64x512xf32, #tpu.memory_space<vmem>>
      %dma_wait3A_1091 = tpu.memref_squeeze %dma_wait3A_1090 : memref<1x64x512xf32, #tpu.memory_space<vmem>> -> memref<64x512xf32, #tpu.memory_space<vmem>>
      %dma_wait3A_1092 = arith.constant 0 : i32
      %dma_wait3A_1093 = tpu.memref_slice %arg7[%run_scoped3A_956, %dma_wait3A_1092] : memref<2x64xi32, #tpu.memory_space<vmem>> -> memref<1x64xi32, #tpu.memory_space<vmem>>
      %dma_wait3A_1094 = tpu.memref_squeeze %dma_wait3A_1093 : memref<1x64xi32, #tpu.memory_space<vmem>> -> memref<64xi32, #tpu.memory_space<vmem>>
      %dma_wait3A_1095 = arith.constant 0 : i32
      %dma_wait3A_1096 = arith.constant 0 : i32
      %dma_wait3A_1097 = tpu.memref_slice %arg11[%dma_wait3A_1095, %dma_wait3A_1096] : memref<1000x512xf32, #tpu.memory_space<vmem_shared>> -> memref<1000x512xf32, #tpu.memory_space<vmem_shared>>
      tpu.wait_indirect_dma semaphore(%run_scoped3A_1077 : memref<!tpu.dma_semaphore, #tpu.memory_space<semaphore_mem>>) src(%dma_wait3A_1091 : memref<64x512xf32, #tpu.memory_space<vmem>>) dst(%dma_wait3A_1097 : memref<1000x512xf32, #tpu.memory_space<vmem_shared>>)
      tpu.yield
    }) : () -> ()
    %convert_element_type3A_957 = arith.extui %eq3A_79 : i1 to i32
    %cond3A_958 = arith.constant 0 : i32
    %cond3A_959 = arith.cmpi ne, %convert_element_type3A_957, %cond3A_958 : i32
    scf.if %cond3A_959 {
      %run_scoped3A_1077 = arith.constant 1 : i32
      "tpu.region"() ({
        %run_scoped3A_1078 = tpu.sem_alloc : memref<!tpu.dma_semaphore, #tpu.memory_space<semaphore_mem>>
        %dma_start3A_1079 = arith.constant 0 : i32
        %dma_start3A_1080 = tpu.memref_slice %arg7[%run_scoped3A_1077, %dma_start3A_1079] : memref<2x64xi32, #tpu.memory_space<vmem>> -> memref<1x64xi32, #tpu.memory_space<vmem>>
        %dma_start3A_1081 = tpu.memref_squeeze %dma_start3A_1080 : memref<1x64xi32, #tpu.memory_space<vmem>> -> memref<64xi32, #tpu.memory_space<vmem>>
        %dma_start3A_1082 = arith.constant 0 : i32
        %dma_start3A_1083 = tpu.memref_slice %arg12[%dma_start3A_1082] : memref<1024xf32, #tpu.memory_space<vmem_shared>> -> memref<1024xf32, #tpu.memory_space<vmem_shared>>
        tpu.enqueue_indirect_dma source(%arg8 : memref<64xf32, #tpu.memory_space<vmem>>) target(%dma_start3A_1083 : memref<1024xf32, #tpu.memory_space<vmem_shared>>) offsets(%dma_start3A_1081 : memref<64xi32, #tpu.memory_space<vmem>>) semaphore(%run_scoped3A_1078 : memref<!tpu.dma_semaphore, #tpu.memory_space<semaphore_mem>>) {add = true}
        %dma_wait3A_1084 = arith.constant 0 : i32
        %dma_wait3A_1085 = tpu.memref_slice %arg7[%run_scoped3A_1077, %dma_wait3A_1084] : memref<2x64xi32, #tpu.memory_space<vmem>> -> memref<1x64xi32, #tpu.memory_space<vmem>>
        %dma_wait3A_1086 = tpu.memref_squeeze %dma_wait3A_1085 : memref<1x64xi32, #tpu.memory_space<vmem>> -> memref<64xi32, #tpu.memory_space<vmem>>
        %dma_wait3A_1087 = arith.constant 0 : i32
        %dma_wait3A_1088 = tpu.memref_slice %arg12[%dma_wait3A_1087] : memref<1024xf32, #tpu.memory_space<vmem_shared>> -> memref<1024xf32, #tpu.memory_space<vmem_shared>>
        tpu.wait_indirect_dma semaphore(%run_scoped3A_1078 : memref<!tpu.dma_semaphore, #tpu.memory_space<semaphore_mem>>) src(%arg8 : memref<64xf32, #tpu.memory_space<vmem>>) dst(%dma_wait3A_1088 : memref<1024xf32, #tpu.memory_space<vmem_shared>>)
        tpu.yield
      }) : () -> ()
    } else {
    }
    %add3A_960 = arith.constant 960 : i32
    %add3A_961 = arith.addi %mul3A_2, %add3A_960 : i32
    %dma_start3A_962 = arith.constant 1 : i32
    %dma_start3A_963 = arith.constant 1 : i32
    %dma_start3A_964 = arith.constant 0 : i32
    %dma_start3A_965 = tpu.memref_slice %arg7[%dma_start3A_962, %dma_start3A_964] : memref<2x64xi32, #tpu.memory_space<vmem>> -> memref<1x64xi32, #tpu.memory_space<vmem>>
    %dma_start3A_966 = tpu.memref_squeeze %dma_start3A_965 : memref<1x64xi32, #tpu.memory_space<vmem>> -> memref<64xi32, #tpu.memory_space<vmem>>
    %dma_start3A_967 = tpu.memref_slice %arg3[%add3A_961] : memref<16384xi32, #tpu.memory_space<hbm>> -> memref<64xi32, #tpu.memory_space<hbm>>
    %dma_start3A_968 = tpu.memref_slice %arg10[%dma_start3A_963] : memref<2x!tpu.dma_semaphore, #tpu.memory_space<semaphore_mem>> -> memref<1x!tpu.dma_semaphore, #tpu.memory_space<semaphore_mem>>
    %dma_start3A_969 = tpu.memref_squeeze %dma_start3A_968 : memref<1x!tpu.dma_semaphore, #tpu.memory_space<semaphore_mem>> -> memref<!tpu.dma_semaphore, #tpu.memory_space<semaphore_mem>>
    %dma_start3A_970 = arith.constant 0 : i32
    %dma_start3A_971 = tpu.memref_slice %arg7[%dma_start3A_962, %dma_start3A_970] : memref<2x64xi32, #tpu.memory_space<vmem>> -> memref<1x64xi32, #tpu.memory_space<vmem>>
    %dma_start3A_972 = tpu.memref_squeeze %dma_start3A_971 : memref<1x64xi32, #tpu.memory_space<vmem>> -> memref<64xi32, #tpu.memory_space<vmem>>
    %dma_start3A_973 = tpu.memref_slice %arg3[%add3A_961] : memref<16384xi32, #tpu.memory_space<hbm>> -> memref<64xi32, #tpu.memory_space<hbm>>
    tpu.enqueue_dma source(%dma_start3A_973 : memref<64xi32, #tpu.memory_space<hbm>>) target(%dma_start3A_972 : memref<64xi32, #tpu.memory_space<vmem>>) target_semaphore(%dma_start3A_969 : memref<!tpu.dma_semaphore, #tpu.memory_space<semaphore_mem>>)
    %dma_start3A_974 = arith.constant 1 : i32
    %dma_start3A_975 = arith.constant 1 : i32
    %dma_start3A_976 = arith.constant 0 : i32
    %dma_start3A_977 = arith.constant 0 : i32
    %dma_start3A_978 = tpu.memref_slice %arg6[%dma_start3A_974, %dma_start3A_976, %dma_start3A_977] : memref<2x64x512xf32, #tpu.memory_space<vmem>> -> memref<1x64x512xf32, #tpu.memory_space<vmem>>
    %dma_start3A_979 = tpu.memref_squeeze %dma_start3A_978 : memref<1x64x512xf32, #tpu.memory_space<vmem>> -> memref<64x512xf32, #tpu.memory_space<vmem>>
    %dma_start3A_980 = tpu.memref_slice %arg2[%add3A_961, %mul3A_0] : memref<16384x1000xf32, #tpu.memory_space<hbm>> -> memref<64x512xf32, #tpu.memory_space<hbm>>
    %dma_start3A_981 = tpu.memref_slice %arg10[%dma_start3A_975] : memref<2x!tpu.dma_semaphore, #tpu.memory_space<semaphore_mem>> -> memref<1x!tpu.dma_semaphore, #tpu.memory_space<semaphore_mem>>
    %dma_start3A_982 = tpu.memref_squeeze %dma_start3A_981 : memref<1x!tpu.dma_semaphore, #tpu.memory_space<semaphore_mem>> -> memref<!tpu.dma_semaphore, #tpu.memory_space<semaphore_mem>>
    %dma_start3A_983 = arith.constant 0 : i32
    %dma_start3A_984 = arith.constant 0 : i32
    %dma_start3A_985 = tpu.memref_slice %arg6[%dma_start3A_974, %dma_start3A_983, %dma_start3A_984] : memref<2x64x512xf32, #tpu.memory_space<vmem>> -> memref<1x64x512xf32, #tpu.memory_space<vmem>>
    %dma_start3A_986 = tpu.memref_squeeze %dma_start3A_985 : memref<1x64x512xf32, #tpu.memory_space<vmem>> -> memref<64x512xf32, #tpu.memory_space<vmem>>
    %dma_start3A_987 = tpu.memref_slice %arg2[%add3A_961, %mul3A_0] : memref<16384x1000xf32, #tpu.memory_space<hbm>> -> memref<64x512xf32, #tpu.memory_space<hbm>>
    tpu.enqueue_dma source(%dma_start3A_987 : memref<64x512xf32, #tpu.memory_space<hbm>>) target(%dma_start3A_986 : memref<64x512xf32, #tpu.memory_space<vmem>>) target_semaphore(%dma_start3A_982 : memref<!tpu.dma_semaphore, #tpu.memory_space<semaphore_mem>>)
    %dma_wait3A_988 = arith.constant 0 : i32
    %dma_wait3A_989 = arith.constant 0 : i32
    %dma_wait3A_990 = arith.constant 0 : i32
    %dma_wait3A_991 = tpu.memref_slice %arg7[%dma_wait3A_988, %dma_wait3A_990] : memref<2x64xi32, #tpu.memory_space<vmem>> -> memref<1x64xi32, #tpu.memory_space<vmem>>
    %dma_wait3A_992 = tpu.memref_squeeze %dma_wait3A_991 : memref<1x64xi32, #tpu.memory_space<vmem>> -> memref<64xi32, #tpu.memory_space<vmem>>
    %dma_wait3A_993 = arith.constant 0 : i32
    %dma_wait3A_994 = tpu.memref_slice %arg3[%dma_wait3A_993] : memref<16384xi32, #tpu.memory_space<hbm>> -> memref<64xi32, #tpu.memory_space<hbm>>
    %dma_wait3A_995 = tpu.memref_slice %arg10[%dma_wait3A_989] : memref<2x!tpu.dma_semaphore, #tpu.memory_space<semaphore_mem>> -> memref<1x!tpu.dma_semaphore, #tpu.memory_space<semaphore_mem>>
    %dma_wait3A_996 = tpu.memref_squeeze %dma_wait3A_995 : memref<1x!tpu.dma_semaphore, #tpu.memory_space<semaphore_mem>> -> memref<!tpu.dma_semaphore, #tpu.memory_space<semaphore_mem>>
    %dma_wait3A_997 = arith.constant 0 : i32
    %dma_wait3A_998 = tpu.memref_slice %arg7[%dma_wait3A_988, %dma_wait3A_997] : memref<2x64xi32, #tpu.memory_space<vmem>> -> memref<1x64xi32, #tpu.memory_space<vmem>>
    %dma_wait3A_999 = tpu.memref_squeeze %dma_wait3A_998 : memref<1x64xi32, #tpu.memory_space<vmem>> -> memref<64xi32, #tpu.memory_space<vmem>>
    %dma_wait3A_1000 = arith.constant 0 : i32
    %dma_wait3A_1001 = tpu.memref_slice %arg3[%dma_wait3A_1000] : memref<16384xi32, #tpu.memory_space<hbm>> -> memref<64xi32, #tpu.memory_space<hbm>>
    tpu.wait_dma2 semaphore(%dma_wait3A_996 : memref<!tpu.dma_semaphore, #tpu.memory_space<semaphore_mem>>) src(%dma_wait3A_1001 : memref<64xi32, #tpu.memory_space<hbm>>) dst(%dma_wait3A_999 : memref<64xi32, #tpu.memory_space<vmem>>)
    %dma_wait3A_1002 = arith.constant 0 : i32
    %dma_wait3A_1003 = arith.constant 0 : i32
    %dma_wait3A_1004 = arith.constant 0 : i32
    %dma_wait3A_1005 = arith.constant 0 : i32
    %dma_wait3A_1006 = tpu.memref_slice %arg6[%dma_wait3A_1002, %dma_wait3A_1004, %dma_wait3A_1005] : memref<2x64x512xf32, #tpu.memory_space<vmem>> -> memref<1x64x512xf32, #tpu.memory_space<vmem>>
    %dma_wait3A_1007 = tpu.memref_squeeze %dma_wait3A_1006 : memref<1x64x512xf32, #tpu.memory_space<vmem>> -> memref<64x512xf32, #tpu.memory_space<vmem>>
    %dma_wait3A_1008 = arith.constant 0 : i32
    %dma_wait3A_1009 = arith.constant 0 : i32
    %dma_wait3A_1010 = tpu.memref_slice %arg2[%dma_wait3A_1008, %dma_wait3A_1009] : memref<16384x1000xf32, #tpu.memory_space<hbm>> -> memref<64x512xf32, #tpu.memory_space<hbm>>
    %dma_wait3A_1011 = tpu.memref_slice %arg10[%dma_wait3A_1003] : memref<2x!tpu.dma_semaphore, #tpu.memory_space<semaphore_mem>> -> memref<1x!tpu.dma_semaphore, #tpu.memory_space<semaphore_mem>>
    %dma_wait3A_1012 = tpu.memref_squeeze %dma_wait3A_1011 : memref<1x!tpu.dma_semaphore, #tpu.memory_space<semaphore_mem>> -> memref<!tpu.dma_semaphore, #tpu.memory_space<semaphore_mem>>
    %dma_wait3A_1013 = arith.constant 0 : i32
    %dma_wait3A_1014 = arith.constant 0 : i32
    %dma_wait3A_1015 = tpu.memref_slice %arg6[%dma_wait3A_1002, %dma_wait3A_1013, %dma_wait3A_1014] : memref<2x64x512xf32, #tpu.memory_space<vmem>> -> memref<1x64x512xf32, #tpu.memory_space<vmem>>
    %dma_wait3A_1016 = tpu.memref_squeeze %dma_wait3A_1015 : memref<1x64x512xf32, #tpu.memory_space<vmem>> -> memref<64x512xf32, #tpu.memory_space<vmem>>
    %dma_wait3A_1017 = arith.constant 0 : i32
    %dma_wait3A_1018 = arith.constant 0 : i32
    %dma_wait3A_1019 = tpu.memref_slice %arg2[%dma_wait3A_1017, %dma_wait3A_1018] : memref<16384x1000xf32, #tpu.memory_space<hbm>> -> memref<64x512xf32, #tpu.memory_space<hbm>>
    tpu.wait_dma2 semaphore(%dma_wait3A_1012 : memref<!tpu.dma_semaphore, #tpu.memory_space<semaphore_mem>>) src(%dma_wait3A_1019 : memref<64x512xf32, #tpu.memory_space<hbm>>) dst(%dma_wait3A_1016 : memref<64x512xf32, #tpu.memory_space<vmem>>)
    %run_scoped3A_1020 = arith.constant 0 : i32
    %run_scoped3A_1021 = arith.constant 0 : i32
    "tpu.region"() ({
      %run_scoped3A_1077 = tpu.sem_alloc : memref<!tpu.dma_semaphore, #tpu.memory_space<semaphore_mem>>
      %dma_start3A_1078 = arith.constant 0 : i32
      %dma_start3A_1079 = arith.constant 0 : i32
      %dma_start3A_1080 = tpu.memref_slice %arg6[%run_scoped3A_1020, %dma_start3A_1078, %dma_start3A_1079] : memref<2x64x512xf32, #tpu.memory_space<vmem>> -> memref<1x64x512xf32, #tpu.memory_space<vmem>>
      %dma_start3A_1081 = tpu.memref_squeeze %dma_start3A_1080 : memref<1x64x512xf32, #tpu.memory_space<vmem>> -> memref<64x512xf32, #tpu.memory_space<vmem>>
      %dma_start3A_1082 = arith.constant 0 : i32
      %dma_start3A_1083 = tpu.memref_slice %arg7[%run_scoped3A_1021, %dma_start3A_1082] : memref<2x64xi32, #tpu.memory_space<vmem>> -> memref<1x64xi32, #tpu.memory_space<vmem>>
      %dma_start3A_1084 = tpu.memref_squeeze %dma_start3A_1083 : memref<1x64xi32, #tpu.memory_space<vmem>> -> memref<64xi32, #tpu.memory_space<vmem>>
      %dma_start3A_1085 = arith.constant 0 : i32
      %dma_start3A_1086 = arith.constant 0 : i32
      %dma_start3A_1087 = tpu.memref_slice %arg11[%dma_start3A_1085, %dma_start3A_1086] : memref<1000x512xf32, #tpu.memory_space<vmem_shared>> -> memref<1000x512xf32, #tpu.memory_space<vmem_shared>>
      tpu.enqueue_indirect_dma source(%dma_start3A_1081 : memref<64x512xf32, #tpu.memory_space<vmem>>) target(%dma_start3A_1087 : memref<1000x512xf32, #tpu.memory_space<vmem_shared>>) offsets(%dma_start3A_1084 : memref<64xi32, #tpu.memory_space<vmem>>) semaphore(%run_scoped3A_1077 : memref<!tpu.dma_semaphore, #tpu.memory_space<semaphore_mem>>) {add = true}
      %dma_wait3A_1088 = arith.constant 0 : i32
      %dma_wait3A_1089 = arith.constant 0 : i32
      %dma_wait3A_1090 = tpu.memref_slice %arg6[%run_scoped3A_1020, %dma_wait3A_1088, %dma_wait3A_1089] : memref<2x64x512xf32, #tpu.memory_space<vmem>> -> memref<1x64x512xf32, #tpu.memory_space<vmem>>
      %dma_wait3A_1091 = tpu.memref_squeeze %dma_wait3A_1090 : memref<1x64x512xf32, #tpu.memory_space<vmem>> -> memref<64x512xf32, #tpu.memory_space<vmem>>
      %dma_wait3A_1092 = arith.constant 0 : i32
      %dma_wait3A_1093 = tpu.memref_slice %arg7[%run_scoped3A_1021, %dma_wait3A_1092] : memref<2x64xi32, #tpu.memory_space<vmem>> -> memref<1x64xi32, #tpu.memory_space<vmem>>
      %dma_wait3A_1094 = tpu.memref_squeeze %dma_wait3A_1093 : memref<1x64xi32, #tpu.memory_space<vmem>> -> memref<64xi32, #tpu.memory_space<vmem>>
      %dma_wait3A_1095 = arith.constant 0 : i32
      %dma_wait3A_1096 = arith.constant 0 : i32
      %dma_wait3A_1097 = tpu.memref_slice %arg11[%dma_wait3A_1095, %dma_wait3A_1096] : memref<1000x512xf32, #tpu.memory_space<vmem_shared>> -> memref<1000x512xf32, #tpu.memory_space<vmem_shared>>
      tpu.wait_indirect_dma semaphore(%run_scoped3A_1077 : memref<!tpu.dma_semaphore, #tpu.memory_space<semaphore_mem>>) src(%dma_wait3A_1091 : memref<64x512xf32, #tpu.memory_space<vmem>>) dst(%dma_wait3A_1097 : memref<1000x512xf32, #tpu.memory_space<vmem_shared>>)
      tpu.yield
    }) : () -> ()
    %convert_element_type3A_1022 = arith.extui %eq3A_79 : i1 to i32
    %cond3A_1023 = arith.constant 0 : i32
    %cond3A_1024 = arith.cmpi ne, %convert_element_type3A_1022, %cond3A_1023 : i32
    scf.if %cond3A_1024 {
      %run_scoped3A_1077 = arith.constant 0 : i32
      "tpu.region"() ({
        %run_scoped3A_1078 = tpu.sem_alloc : memref<!tpu.dma_semaphore, #tpu.memory_space<semaphore_mem>>
        %dma_start3A_1079 = arith.constant 0 : i32
        %dma_start3A_1080 = tpu.memref_slice %arg7[%run_scoped3A_1077, %dma_start3A_1079] : memref<2x64xi32, #tpu.memory_space<vmem>> -> memref<1x64xi32, #tpu.memory_space<vmem>>
        %dma_start3A_1081 = tpu.memref_squeeze %dma_start3A_1080 : memref<1x64xi32, #tpu.memory_space<vmem>> -> memref<64xi32, #tpu.memory_space<vmem>>
        %dma_start3A_1082 = arith.constant 0 : i32
        %dma_start3A_1083 = tpu.memref_slice %arg12[%dma_start3A_1082] : memref<1024xf32, #tpu.memory_space<vmem_shared>> -> memref<1024xf32, #tpu.memory_space<vmem_shared>>
        tpu.enqueue_indirect_dma source(%arg8 : memref<64xf32, #tpu.memory_space<vmem>>) target(%dma_start3A_1083 : memref<1024xf32, #tpu.memory_space<vmem_shared>>) offsets(%dma_start3A_1081 : memref<64xi32, #tpu.memory_space<vmem>>) semaphore(%run_scoped3A_1078 : memref<!tpu.dma_semaphore, #tpu.memory_space<semaphore_mem>>) {add = true}
        %dma_wait3A_1084 = arith.constant 0 : i32
        %dma_wait3A_1085 = tpu.memref_slice %arg7[%run_scoped3A_1077, %dma_wait3A_1084] : memref<2x64xi32, #tpu.memory_space<vmem>> -> memref<1x64xi32, #tpu.memory_space<vmem>>
        %dma_wait3A_1086 = tpu.memref_squeeze %dma_wait3A_1085 : memref<1x64xi32, #tpu.memory_space<vmem>> -> memref<64xi32, #tpu.memory_space<vmem>>
        %dma_wait3A_1087 = arith.constant 0 : i32
        %dma_wait3A_1088 = tpu.memref_slice %arg12[%dma_wait3A_1087] : memref<1024xf32, #tpu.memory_space<vmem_shared>> -> memref<1024xf32, #tpu.memory_space<vmem_shared>>
        tpu.wait_indirect_dma semaphore(%run_scoped3A_1078 : memref<!tpu.dma_semaphore, #tpu.memory_space<semaphore_mem>>) src(%arg8 : memref<64xf32, #tpu.memory_space<vmem>>) dst(%dma_wait3A_1088 : memref<1024xf32, #tpu.memory_space<vmem_shared>>)
        tpu.yield
      }) : () -> ()
    } else {
    }
    %dma_wait3A_1025 = arith.constant 1 : i32
    %dma_wait3A_1026 = arith.constant 1 : i32
    %dma_wait3A_1027 = arith.constant 0 : i32
    %dma_wait3A_1028 = tpu.memref_slice %arg7[%dma_wait3A_1025, %dma_wait3A_1027] : memref<2x64xi32, #tpu.memory_space<vmem>> -> memref<1x64xi32, #tpu.memory_space<vmem>>
    %dma_wait3A_1029 = tpu.memref_squeeze %dma_wait3A_1028 : memref<1x64xi32, #tpu.memory_space<vmem>> -> memref<64xi32, #tpu.memory_space<vmem>>
    %dma_wait3A_1030 = arith.constant 0 : i32
    %dma_wait3A_1031 = tpu.memref_slice %arg3[%dma_wait3A_1030] : memref<16384xi32, #tpu.memory_space<hbm>> -> memref<64xi32, #tpu.memory_space<hbm>>
    %dma_wait3A_1032 = tpu.memref_slice %arg10[%dma_wait3A_1026] : memref<2x!tpu.dma_semaphore, #tpu.memory_space<semaphore_mem>> -> memref<1x!tpu.dma_semaphore, #tpu.memory_space<semaphore_mem>>
    %dma_wait3A_1033 = tpu.memref_squeeze %dma_wait3A_1032 : memref<1x!tpu.dma_semaphore, #tpu.memory_space<semaphore_mem>> -> memref<!tpu.dma_semaphore, #tpu.memory_space<semaphore_mem>>
    %dma_wait3A_1034 = arith.constant 0 : i32
    %dma_wait3A_1035 = tpu.memref_slice %arg7[%dma_wait3A_1025, %dma_wait3A_1034] : memref<2x64xi32, #tpu.memory_space<vmem>> -> memref<1x64xi32, #tpu.memory_space<vmem>>
    %dma_wait3A_1036 = tpu.memref_squeeze %dma_wait3A_1035 : memref<1x64xi32, #tpu.memory_space<vmem>> -> memref<64xi32, #tpu.memory_space<vmem>>
    %dma_wait3A_1037 = arith.constant 0 : i32
    %dma_wait3A_1038 = tpu.memref_slice %arg3[%dma_wait3A_1037] : memref<16384xi32, #tpu.memory_space<hbm>> -> memref<64xi32, #tpu.memory_space<hbm>>
    tpu.wait_dma2 semaphore(%dma_wait3A_1033 : memref<!tpu.dma_semaphore, #tpu.memory_space<semaphore_mem>>) src(%dma_wait3A_1038 : memref<64xi32, #tpu.memory_space<hbm>>) dst(%dma_wait3A_1036 : memref<64xi32, #tpu.memory_space<vmem>>)
    %dma_wait3A_1039 = arith.constant 1 : i32
    %dma_wait3A_1040 = arith.constant 1 : i32
    %dma_wait3A_1041 = arith.constant 0 : i32
    %dma_wait3A_1042 = arith.constant 0 : i32
    %dma_wait3A_1043 = tpu.memref_slice %arg6[%dma_wait3A_1039, %dma_wait3A_1041, %dma_wait3A_1042] : memref<2x64x512xf32, #tpu.memory_space<vmem>> -> memref<1x64x512xf32, #tpu.memory_space<vmem>>
    %dma_wait3A_1044 = tpu.memref_squeeze %dma_wait3A_1043 : memref<1x64x512xf32, #tpu.memory_space<vmem>> -> memref<64x512xf32, #tpu.memory_space<vmem>>
    %dma_wait3A_1045 = arith.constant 0 : i32
    %dma_wait3A_1046 = arith.constant 0 : i32
    %dma_wait3A_1047 = tpu.memref_slice %arg2[%dma_wait3A_1045, %dma_wait3A_1046] : memref<16384x1000xf32, #tpu.memory_space<hbm>> -> memref<64x512xf32, #tpu.memory_space<hbm>>
    %dma_wait3A_1048 = tpu.memref_slice %arg10[%dma_wait3A_1040] : memref<2x!tpu.dma_semaphore, #tpu.memory_space<semaphore_mem>> -> memref<1x!tpu.dma_semaphore, #tpu.memory_space<semaphore_mem>>
    %dma_wait3A_1049 = tpu.memref_squeeze %dma_wait3A_1048 : memref<1x!tpu.dma_semaphore, #tpu.memory_space<semaphore_mem>> -> memref<!tpu.dma_semaphore, #tpu.memory_space<semaphore_mem>>
    %dma_wait3A_1050 = arith.constant 0 : i32
    %dma_wait3A_1051 = arith.constant 0 : i32
    %dma_wait3A_1052 = tpu.memref_slice %arg6[%dma_wait3A_1039, %dma_wait3A_1050, %dma_wait3A_1051] : memref<2x64x512xf32, #tpu.memory_space<vmem>> -> memref<1x64x512xf32, #tpu.memory_space<vmem>>
    %dma_wait3A_1053 = tpu.memref_squeeze %dma_wait3A_1052 : memref<1x64x512xf32, #tpu.memory_space<vmem>> -> memref<64x512xf32, #tpu.memory_space<vmem>>
    %dma_wait3A_1054 = arith.constant 0 : i32
    %dma_wait3A_1055 = arith.constant 0 : i32
    %dma_wait3A_1056 = tpu.memref_slice %arg2[%dma_wait3A_1054, %dma_wait3A_1055] : memref<16384x1000xf32, #tpu.memory_space<hbm>> -> memref<64x512xf32, #tpu.memory_space<hbm>>
    tpu.wait_dma2 semaphore(%dma_wait3A_1049 : memref<!tpu.dma_semaphore, #tpu.memory_space<semaphore_mem>>) src(%dma_wait3A_1056 : memref<64x512xf32, #tpu.memory_space<hbm>>) dst(%dma_wait3A_1053 : memref<64x512xf32, #tpu.memory_space<vmem>>)
    %run_scoped3A_1057 = arith.constant 1 : i32
    %run_scoped3A_1058 = arith.constant 1 : i32
    "tpu.region"() ({
      %run_scoped3A_1077 = tpu.sem_alloc : memref<!tpu.dma_semaphore, #tpu.memory_space<semaphore_mem>>
      %dma_start3A_1078 = arith.constant 0 : i32
      %dma_start3A_1079 = arith.constant 0 : i32
      %dma_start3A_1080 = tpu.memref_slice %arg6[%run_scoped3A_1057, %dma_start3A_1078, %dma_start3A_1079] : memref<2x64x512xf32, #tpu.memory_space<vmem>> -> memref<1x64x512xf32, #tpu.memory_space<vmem>>
      %dma_start3A_1081 = tpu.memref_squeeze %dma_start3A_1080 : memref<1x64x512xf32, #tpu.memory_space<vmem>> -> memref<64x512xf32, #tpu.memory_space<vmem>>
      %dma_start3A_1082 = arith.constant 0 : i32
      %dma_start3A_1083 = tpu.memref_slice %arg7[%run_scoped3A_1058, %dma_start3A_1082] : memref<2x64xi32, #tpu.memory_space<vmem>> -> memref<1x64xi32, #tpu.memory_space<vmem>>
      %dma_start3A_1084 = tpu.memref_squeeze %dma_start3A_1083 : memref<1x64xi32, #tpu.memory_space<vmem>> -> memref<64xi32, #tpu.memory_space<vmem>>
      %dma_start3A_1085 = arith.constant 0 : i32
      %dma_start3A_1086 = arith.constant 0 : i32
      %dma_start3A_1087 = tpu.memref_slice %arg11[%dma_start3A_1085, %dma_start3A_1086] : memref<1000x512xf32, #tpu.memory_space<vmem_shared>> -> memref<1000x512xf32, #tpu.memory_space<vmem_shared>>
      tpu.enqueue_indirect_dma source(%dma_start3A_1081 : memref<64x512xf32, #tpu.memory_space<vmem>>) target(%dma_start3A_1087 : memref<1000x512xf32, #tpu.memory_space<vmem_shared>>) offsets(%dma_start3A_1084 : memref<64xi32, #tpu.memory_space<vmem>>) semaphore(%run_scoped3A_1077 : memref<!tpu.dma_semaphore, #tpu.memory_space<semaphore_mem>>) {add = true}
      %dma_wait3A_1088 = arith.constant 0 : i32
      %dma_wait3A_1089 = arith.constant 0 : i32
      %dma_wait3A_1090 = tpu.memref_slice %arg6[%run_scoped3A_1057, %dma_wait3A_1088, %dma_wait3A_1089] : memref<2x64x512xf32, #tpu.memory_space<vmem>> -> memref<1x64x512xf32, #tpu.memory_space<vmem>>
      %dma_wait3A_1091 = tpu.memref_squeeze %dma_wait3A_1090 : memref<1x64x512xf32, #tpu.memory_space<vmem>> -> memref<64x512xf32, #tpu.memory_space<vmem>>
      %dma_wait3A_1092 = arith.constant 0 : i32
      %dma_wait3A_1093 = tpu.memref_slice %arg7[%run_scoped3A_1058, %dma_wait3A_1092] : memref<2x64xi32, #tpu.memory_space<vmem>> -> memref<1x64xi32, #tpu.memory_space<vmem>>
      %dma_wait3A_1094 = tpu.memref_squeeze %dma_wait3A_1093 : memref<1x64xi32, #tpu.memory_space<vmem>> -> memref<64xi32, #tpu.memory_space<vmem>>
      %dma_wait3A_1095 = arith.constant 0 : i32
      %dma_wait3A_1096 = arith.constant 0 : i32
      %dma_wait3A_1097 = tpu.memref_slice %arg11[%dma_wait3A_1095, %dma_wait3A_1096] : memref<1000x512xf32, #tpu.memory_space<vmem_shared>> -> memref<1000x512xf32, #tpu.memory_space<vmem_shared>>
      tpu.wait_indirect_dma semaphore(%run_scoped3A_1077 : memref<!tpu.dma_semaphore, #tpu.memory_space<semaphore_mem>>) src(%dma_wait3A_1091 : memref<64x512xf32, #tpu.memory_space<vmem>>) dst(%dma_wait3A_1097 : memref<1000x512xf32, #tpu.memory_space<vmem_shared>>)
      tpu.yield
    }) : () -> ()
    %convert_element_type3A_1059 = arith.extui %eq3A_79 : i1 to i32
    %cond3A_1060 = arith.constant 0 : i32
    %cond3A_1061 = arith.cmpi ne, %convert_element_type3A_1059, %cond3A_1060 : i32
    scf.if %cond3A_1061 {
      %run_scoped3A_1077 = arith.constant 1 : i32
      "tpu.region"() ({
        %run_scoped3A_1078 = tpu.sem_alloc : memref<!tpu.dma_semaphore, #tpu.memory_space<semaphore_mem>>
        %dma_start3A_1079 = arith.constant 0 : i32
        %dma_start3A_1080 = tpu.memref_slice %arg7[%run_scoped3A_1077, %dma_start3A_1079] : memref<2x64xi32, #tpu.memory_space<vmem>> -> memref<1x64xi32, #tpu.memory_space<vmem>>
        %dma_start3A_1081 = tpu.memref_squeeze %dma_start3A_1080 : memref<1x64xi32, #tpu.memory_space<vmem>> -> memref<64xi32, #tpu.memory_space<vmem>>
        %dma_start3A_1082 = arith.constant 0 : i32
        %dma_start3A_1083 = tpu.memref_slice %arg12[%dma_start3A_1082] : memref<1024xf32, #tpu.memory_space<vmem_shared>> -> memref<1024xf32, #tpu.memory_space<vmem_shared>>
        tpu.enqueue_indirect_dma source(%arg8 : memref<64xf32, #tpu.memory_space<vmem>>) target(%dma_start3A_1083 : memref<1024xf32, #tpu.memory_space<vmem_shared>>) offsets(%dma_start3A_1081 : memref<64xi32, #tpu.memory_space<vmem>>) semaphore(%run_scoped3A_1078 : memref<!tpu.dma_semaphore, #tpu.memory_space<semaphore_mem>>) {add = true}
        %dma_wait3A_1084 = arith.constant 0 : i32
        %dma_wait3A_1085 = tpu.memref_slice %arg7[%run_scoped3A_1077, %dma_wait3A_1084] : memref<2x64xi32, #tpu.memory_space<vmem>> -> memref<1x64xi32, #tpu.memory_space<vmem>>
        %dma_wait3A_1086 = tpu.memref_squeeze %dma_wait3A_1085 : memref<1x64xi32, #tpu.memory_space<vmem>> -> memref<64xi32, #tpu.memory_space<vmem>>
        %dma_wait3A_1087 = arith.constant 0 : i32
        %dma_wait3A_1088 = tpu.memref_slice %arg12[%dma_wait3A_1087] : memref<1024xf32, #tpu.memory_space<vmem_shared>> -> memref<1024xf32, #tpu.memory_space<vmem_shared>>
        tpu.wait_indirect_dma semaphore(%run_scoped3A_1078 : memref<!tpu.dma_semaphore, #tpu.memory_space<semaphore_mem>>) src(%arg8 : memref<64xf32, #tpu.memory_space<vmem>>) dst(%dma_wait3A_1088 : memref<1024xf32, #tpu.memory_space<vmem_shared>>)
        tpu.yield
      }) : () -> ()
    } else {
    }
    %barrier3A_1062 = arith.constant 0 : index
    tpu.barrier barrier_id(%barrier3A_1062)
    %scan3A_1063 = arith.constant 0 : i32
    %scan3A_1064 = arith.constant 0 : i32
    %scan3A_1065 = arith.constant 8 : i32
    %scan3A_1066 = arith.addi %scan3A_1064, %scan3A_1065 : i32
    %scan3A_1067 = arith.constant 1 : i32
    %scan3A_1068 = scf.for %scan3A_1077 = %scan3A_1064 to %scan3A_1066 step %scan3A_1067 iter_args(%scan3A_1078 = %scan3A_1063) -> (i32)  : i32 {
      %mul3A_1079 = arith.constant 16 : i32
      %mul3A_1080 = arith.muli %scan3A_1077, %mul3A_1079 : i32
      %add3A_1081 = arith.addi %arg1, %mul3A_1080 : i32
      %lt3A_1082 = arith.constant 125 : i32
      %lt3A_1083 = arith.cmpi slt, %add3A_1081, %lt3A_1082 : i32
      %convert_element_type3A_1084 = arith.extui %lt3A_1083 : i1 to i32
      %cond3A_1085 = arith.constant 0 : i32
      %cond3A_1086 = arith.cmpi ne, %convert_element_type3A_1084, %cond3A_1085 : i32
      scf.if %cond3A_1086 {
        %mul3A_1088 = arith.constant 8 : i32
        %mul3A_1089 = arith.muli %add3A_1081, %mul3A_1088 : i32
        %mul3A_1090 = arith.constant 8 : i32
        %mul3A_1091 = arith.muli %add3A_1081, %mul3A_1090 : i32
        "tpu.region"() ({
          %run_scoped3A_1092 = tpu.sem_alloc : memref<!tpu.dma_semaphore, #tpu.memory_space<semaphore_mem>>
          %dma_start3A_1093 = tpu.memref_slice %arg4[%mul3A_1091, %mul3A_0] : memref<1000x1000xf32, #tpu.memory_space<hbm>> -> memref<8x512xf32, #tpu.memory_space<hbm>>
          %dma_start3A_1094 = arith.constant 0 : i32
          %dma_start3A_1095 = tpu.memref_slice %arg11[%mul3A_1089, %dma_start3A_1094] : memref<1000x512xf32, #tpu.memory_space<vmem_shared>> -> memref<8x512xf32, #tpu.memory_space<vmem_shared>>
          tpu.enqueue_dma source(%dma_start3A_1095 : memref<8x512xf32, #tpu.memory_space<vmem_shared>>) target(%dma_start3A_1093 : memref<8x512xf32, #tpu.memory_space<hbm>>) target_semaphore(%run_scoped3A_1092 : memref<!tpu.dma_semaphore, #tpu.memory_space<semaphore_mem>>)
          %dma_wait3A_1096 = tpu.memref_slice %arg4[%mul3A_1091, %mul3A_0] : memref<1000x1000xf32, #tpu.memory_space<hbm>> -> memref<8x512xf32, #tpu.memory_space<hbm>>
          %dma_wait3A_1097 = arith.constant 0 : i32
          %dma_wait3A_1098 = tpu.memref_slice %arg11[%mul3A_1089, %dma_wait3A_1097] : memref<1000x512xf32, #tpu.memory_space<vmem_shared>> -> memref<8x512xf32, #tpu.memory_space<vmem_shared>>
          tpu.wait_dma2 semaphore(%run_scoped3A_1092 : memref<!tpu.dma_semaphore, #tpu.memory_space<semaphore_mem>>) src(%dma_wait3A_1098 : memref<8x512xf32, #tpu.memory_space<vmem_shared>>) dst(%dma_wait3A_1096 : memref<8x512xf32, #tpu.memory_space<hbm>>)
          tpu.yield
        }) : () -> ()
      } else {
      }
      %scan3A_1087 = arith.constant 0 : i32
      scf.yield %scan3A_1087 : i32
    }
    %scan3A_1069 = arith.constant 8 : i32
    %eq3A_1070 = arith.constant 0 : i32
    %eq3A_1071 = arith.cmpi eq, %arg0, %eq3A_1070 : i32
    %lt3A_1072 = arith.constant 8 : i32
    %lt3A_1073 = arith.cmpi slt, %arg1, %lt3A_1072 : i32
    %and3A = arith.andi %eq3A_1071, %lt3A_1073 : i1
    %convert_element_type3A_1074 = arith.extui %and3A : i1 to i32
    %cond3A_1075 = arith.constant 0 : i32
    %cond3A_1076 = arith.cmpi ne, %convert_element_type3A_1074, %cond3A_1075 : i32
    scf.if %cond3A_1076 {
      %mul3A_1077 = arith.constant 128 : i32
      %mul3A_1078 = arith.muli %arg1, %mul3A_1077 : i32
      %mul3A_1079 = arith.constant 128 : i32
      %mul3A_1080 = arith.muli %arg1, %mul3A_1079 : i32
      "tpu.region"() ({
        %run_scoped3A_1081 = tpu.sem_alloc : memref<!tpu.dma_semaphore, #tpu.memory_space<semaphore_mem>>
        %dma_start3A_1082 = tpu.memref_slice %arg5[%mul3A_1080] : memref<1024xf32, #tpu.memory_space<hbm>> -> memref<128xf32, #tpu.memory_space<hbm>>
        %dma_start3A_1083 = tpu.memref_slice %arg12[%mul3A_1078] : memref<1024xf32, #tpu.memory_space<vmem_shared>> -> memref<128xf32, #tpu.memory_space<vmem_shared>>
        tpu.enqueue_dma source(%dma_start3A_1083 : memref<128xf32, #tpu.memory_space<vmem_shared>>) target(%dma_start3A_1082 : memref<128xf32, #tpu.memory_space<hbm>>) target_semaphore(%run_scoped3A_1081 : memref<!tpu.dma_semaphore, #tpu.memory_space<semaphore_mem>>)
        %dma_wait3A_1084 = tpu.memref_slice %arg5[%mul3A_1080] : memref<1024xf32, #tpu.memory_space<hbm>> -> memref<128xf32, #tpu.memory_space<hbm>>
        %dma_wait3A_1085 = tpu.memref_slice %arg12[%mul3A_1078] : memref<1024xf32, #tpu.memory_space<vmem_shared>> -> memref<128xf32, #tpu.memory_space<vmem_shared>>
        tpu.wait_dma2 semaphore(%run_scoped3A_1081 : memref<!tpu.dma_semaphore, #tpu.memory_space<semaphore_mem>>) src(%dma_wait3A_1085 : memref<128xf32, #tpu.memory_space<vmem_shared>>) dst(%dma_wait3A_1084 : memref<128xf32, #tpu.memory_space<hbm>>)
        tpu.yield
      }) : () -> ()
    } else {
    }
    return
  }
}

module attributes {stable_mosaic.version = 14 : i64} {
  func.func @_ema_body(%arg0: i32, %arg1: memref<200x1000xf32, #tpu.memory_space<vmem>>, %arg2: memref<200x1xf32, #tpu.memory_space<vmem>>, %arg3: memref<200x1000xf32, #tpu.memory_space<vmem>>, %arg4: memref<200x1000xf32, #tpu.memory_space<vmem>>) attributes {dimension_semantics = [#tpu.dimension_semantics<arbitrary>], iteration_bounds = array<i64: 5>, scalar_prefetch = 0 : i64, scratch_operands = 0 : i64, tpu.core_type = #tpu.core_type<tc>, window_params = [{transform_indices = @transform_0, window_bounds = array<i64: 200, 1000>}, {transform_indices = @transform_1, window_bounds = array<i64: 200, 1>}, {transform_indices = @transform_2, window_bounds = array<i64: 200, 1000>}, {transform_indices = @transform_3, window_bounds = array<i64: 200, 1000>}]} {
    %get3A = arith.constant 0 : index
    %get3A_0 = arith.constant 0 : index
    %get3A_1 = vector.load %arg1[%get3A, %get3A_0] : memref<200x1000xf32, #tpu.memory_space<vmem>>, vector<200x1000xf32>
    %get3A_2 = arith.constant 0 : index
    %get3A_3 = arith.constant 0 : index
    %get3A_4 = vector.load %arg2[%get3A_2, %get3A_3] : memref<200x1xf32, #tpu.memory_space<vmem>>, vector<200x1xf32>
    %gt3A = arith.constant 0.000000e+00 : f32
    %gt3A_5 = vector.broadcast %gt3A : f32 to vector<200x1xf32>
    %gt3A_6 = arith.cmpf ogt, %get3A_4, %gt3A_5 : vector<200x1xf32>
    %jit3A = arith.constant 1.000000e+00 : f32
    %broadcast_in_dim3A = vector.broadcast %jit3A : f32 to vector<200x1xf32>
    %select_n3A = arith.select %gt3A_6, %get3A_4, %broadcast_in_dim3A : vector<200x1xi1>, vector<200x1xf32>
    %div3A = arith.constant 1.000000e-01 : f32
    %div3A_7 = vector.broadcast %div3A : f32 to vector<200x1xf32>
    %div3A_8 = arith.divf %div3A_7, %select_n3A : vector<200x1xf32>
    %jit3A_9 = arith.constant 0.000000e+00 : f32
    %broadcast_in_dim3A_10 = vector.broadcast %jit3A_9 : f32 to vector<200x1xf32>
    %select_n3A_11 = arith.select %gt3A_6, %div3A_8, %broadcast_in_dim3A_10 : vector<200x1xi1>, vector<200x1xf32>
    %jit3A_12 = arith.constant 0.899999976 : f32
    %jit3A_13 = arith.constant 1.000000e+00 : f32
    %broadcast_in_dim3A_14 = vector.broadcast %jit3A_12 : f32 to vector<200x1xf32>
    %broadcast_in_dim3A_15 = vector.broadcast %jit3A_13 : f32 to vector<200x1xf32>
    %select_n3A_16 = arith.select %gt3A_6, %broadcast_in_dim3A_14, %broadcast_in_dim3A_15 : vector<200x1xi1>, vector<200x1xf32>
    %mul3A = vector.broadcast %select_n3A_11 : vector<200x1xf32> to vector<200x1000xf32>
    %mul3A_17 = arith.mulf %get3A_1, %mul3A : vector<200x1000xf32>
    %get3A_18 = arith.constant 0 : index
    %get3A_19 = arith.constant 0 : index
    %get3A_20 = vector.load %arg3[%get3A_18, %get3A_19] : memref<200x1000xf32, #tpu.memory_space<vmem>>, vector<200x1000xf32>
    %mul3A_21 = vector.broadcast %select_n3A_16 : vector<200x1xf32> to vector<200x1000xf32>
    %mul3A_22 = arith.mulf %get3A_20, %mul3A_21 : vector<200x1000xf32>
    %add3A = arith.addf %mul3A_17, %mul3A_22 : vector<200x1000xf32>
    %swap3A = arith.constant 0 : index
    %swap3A_23 = arith.constant 0 : index
    %swap3A_24 = vector.load %arg4[%swap3A, %swap3A_23] : memref<200x1000xf32, #tpu.memory_space<vmem>>, vector<200x1000xf32>
    tpu.vector_store %arg4[%swap3A, %swap3A_23], %add3A {strides = array<i32>} : memref<200x1000xf32, #tpu.memory_space<vmem>>, vector<200x1000xf32>,
    return
  }
  func.func @transform_0(%arg0: i32) -> (i32, i32) {
    %c0_i32 = arith.constant 0 : i32
    %c0_i32_0 = arith.constant 0 : i32
    return %arg0, %c0_i32 : i32, i32
  }
  func.func @transform_1(%arg0: i32) -> (i32, i32) {
    %c0_i32 = arith.constant 0 : i32
    %c0_i32_0 = arith.constant 0 : i32
    return %arg0, %c0_i32 : i32, i32
  }
  func.func @transform_2(%arg0: i32) -> (i32, i32) {
    %c0_i32 = arith.constant 0 : i32
    %c0_i32_0 = arith.constant 0 : i32
    return %arg0, %c0_i32 : i32, i32
  }
  func.func @transform_3(%arg0: i32) -> (i32, i32) {
    %c0_i32 = arith.constant 0 : i32
    %c0_i32_0 = arith.constant 0 : i32
    return %arg0, %c0_i32 : i32, i32
  }
}

</mosaic_0001>

<sc_bundles>
// kernel: kernel.4.cloned.1.call-start
scs
__scs_entry_jumppad:
0x0: {  	(pc) =	sbr.rel $0x88, $3  }
0x1: {  	(tag) =	ssettag $0x0;
	lr =	simm.s32 $0x1  }
0x2: {  	[smem:$0x3F9E] =	sst lr;
	_ =	strace $0xD0000000  }
0x3: {  	_ = 	snop  }
0x4: {  	_ = 	snop  }
0x5: {  	_ = 	snop  }
0x6: {  	_ = 	snop  }
0x7: {  	_ = 	snop  }
__scs_overlays_trampoline_lowered:
0x8: {  	[smem:$0x3FAD] =	sst s0  }
0x9: {  	[smem:$0x3FAE] =	sst s1  }
0xa: {  	[smem:$0x3FAF] =	sst s2  }
0xb: {  	[smem:$0x3FB0] =	sst s3  }
0xc: {  	[smem:$0x3FB1] =	sst s4  }
0xd: {  	[smem:$0x3FB2] =	sst s5  }
0xe: {  	[smem:$0x3FB3] =	sst s6  }
0xf: {  	[smem:$0x3FB4] =	sst s7  }
0x10: {  	[smem:$0x3FB5] =	sst s8  }
0x11: {  	[smem:$0x3FB6] =	sst s9;
	s0 =	simm.s32 @!p0 $0x0  }
0x12: {  	s1 =	sld [smem:$0x3F9C];
	s0 =	simm.s32 @p0 $0x1  }
0x13: {  	[smem:$0x3FB7] =	sst s0;
	s0 =	simm.s32 @!p1 $0x0  }
0x14: {  	s2 =	sld [smem:$0x3F9B];
	s0 =	simm.s32 @p1 $0x1  }
0x15: {  	[smem:$0x3FB8] =	sst s0;
	s0 =	simm.s32 @!p2 $0x0  }
0x16: {  	s3 =	sld [smem:$0x3FDB];
	s0 =	simm.s32 @p2 $0x1  }
0x17: {  	s4 =	simm.s32 $0x1BF5;
	[smem:$0x3FBA] =	sst s0  }
0x18: {  	s0 =	sld [smem:$0x3F9D];
	_ =	swait.ge [sflag:s4], $0x0  }
0x19: {  	s7 =	sld [smem:$0x3F9E]  }
0x1a: {  	s8 =	sadd.s32 $0xFFFFE003, lr  }
0x1b: {  	s9 =	sadd.s32 $0xFFFFFEF7, lr;
	s5 =	simm.s32 $0xFFFFFFFF;
	p2 =	slt.u32 s8, $0xFFFFF086  }
0x1c: {  	p1 =	slt.u32 s9, $0xF7A;
	s5 =	simm.s32 @!p2 $0x0  }
0x1d: {  	s5 =	simm.s32 @p1 $0x1;
	p0 =	seq.s32 s7, s2  }
0x1e: {  	s7 =	smul.u32 @!p0 $0xF7A, s2;
	p2 =	seq.s32 @!p0 s5, $0x0  }
0x1f: {  	s9 =	smul.u32 $0xF7A, s1;
	s8 =	simm.s32 @!p0 $0x1BF5;
	p2 =	por !p2, p0  }
0x20: {  	[sflag:s8] =	ssyncset.s32 @!p0 $0xFFFFF086;
	s6 =	sadd.s32 @!p0 s3, s7;
	s7 =	simm.s32 @!p0 $0x108  }
0x21: {  	s3 =	sadd.s32 s3, s9;
	s6 =	sadd.s32 @!p0 $0x88, s6;
	s7 =	simm.s32 @p2 $0x1082  }
0x22: {  	[simem:s7], [sflag:s8] =	dma.local @!p0 [hbm:s6], $0xF7A  }
0x23: {  	s9 =	sor.u32 $0xD0000000, s2;
	s6 =	simm.s32 $0x108;
	_ =	swait.ge @!p0 [sflag:s8], $0x0  }
0x24: {  	s3 =	sadd.s32 $0x88, s3;
	s6 =	simm.s32 @!p1 $0x1082;
	[sflag:s4] =	ssyncset.s32 $0xFFFFF086  }
0x25: {  	[simem:s6], [sflag:s4] =	dma.local [hbm:s3], $0xF7A  }
0x26: {  	[smem:$0x3F9E] =	sst s1;
	(tag) =	ssettag s2;
	_ =	strace s9  }
0x27: {  	s1 =	sld [smem:$0x3FAE]  }
0x28: {  	s2 =	sld [smem:$0x3FAF]  }
0x29: {  	s4 =	sld [smem:$0x3FB1]  }
0x2a: {  	p0 =	seq.s32 s5, $0x0;
	s5 =	sld [smem:$0x3FB2]  }
0x2b: {  	s6 =	sld [smem:$0x3FB3]  }
0x2c: {  	s7 =	sld [smem:$0x3FB4]  }
0x2d: {  	s3 =	simm.s32 $0x108;
	s8 =	sld [smem:$0x3FB5]  }
0x2e: {  	s3 =	simm.s32 @!p0 $0x1082;
	s9 =	sld [smem:$0x3FB6]  }
0x2f: {  	lr =	sadd.s32 s0, s3;
	s0 =	sld [smem:$0x3FAD]  }
0x30: {  	s3 =	sld [smem:$0x3FB0]  }
0x31: {  	[smem:$0x3FB9] =	sst s10  }
0x32: {  	s10 =	sld [smem:$0x3FB7];
	_ =	sdelay $0x3  }
0x33: {  	p0 =	seq.s32 s10, $0x1;
	s10 =	sld [smem:$0x3FB9];
	_ =	sdelay $0x3  }
0x34: {  	[smem:$0x3FB9] =	sst s10  }
0x35: {  	s10 =	sld [smem:$0x3FB8];
	_ =	sdelay $0x3  }
0x36: {  	p1 =	seq.s32 s10, $0x1;
	s10 =	sld [smem:$0x3FB9];
	_ =	sdelay $0x3  }
0x37: {  	[smem:$0x3FB9] =	sst s10  }
0x38: {  	s10 =	sld [smem:$0x3FBA]  }
0x39: {  	_ = 	snop;
	(pc) =	sbr.ind lr, $3  }
0x3a: {  	_ = 	snop  }
0x3b: {  	_ = 	snop  }
0x3c: {  	p2 =	seq.s32 s10, $0x1;
	s10 =	sld [smem:$0x3FB9]  }
0x3d: {  	_ =	shalt  }
0x3e: {  	_ =	shalt  }
0x3f: {  	_ =	shalt  }
0x40: {  	_ =	shalt  }
0x41: {  	_ =	shalt  }
0x42: {  	_ =	shalt  }
0x43: {  	_ =	shalt  }
0x44: {  	_ =	shalt  }
0x45: {  	_ =	shalt  }
0x46: {  	_ =	shalt  }
0x47: {  	_ =	shalt  }
0x48: {  	_ =	shalt  }
0x49: {  	_ =	shalt  }
0x4a: {  	_ =	shalt  }
0x4b: {  	_ =	shalt  }
0x4c: {  	_ =	shalt  }
0x4d: {  	_ =	shalt  }
0x4e: {  	_ =	shalt  }
0x4f: {  	_ =	shalt  }
0x50: {  	_ =	shalt  }
0x51: {  	_ =	shalt  }
0x52: {  	_ =	shalt  }
0x53: {  	_ =	shalt  }
0x54: {  	_ =	shalt  }
0x55: {  	_ =	shalt  }
0x56: {  	_ =	shalt  }
0x57: {  	_ =	shalt  }
0x58: {  	_ =	shalt  }
0x59: {  	_ =	shalt  }
0x5a: {  	_ =	shalt  }
0x5b: {  	_ =	shalt  }
0x5c: {  	_ =	shalt  }
0x5d: {  	_ =	shalt  }
0x5e: {  	_ =	shalt  }
0x5f: {  	_ =	shalt  }
0x60: {  	_ =	shalt  }
0x61: {  	_ =	shalt  }
0x62: {  	_ =	shalt  }
0x63: {  	_ =	shalt  }
0x64: {  	_ =	shalt  }
0x65: {  	_ =	shalt  }
0x66: {  	_ =	shalt  }
0x67: {  	_ =	shalt  }
0x68: {  	_ =	shalt  }
0x69: {  	_ =	shalt  }
0x6a: {  	_ =	shalt  }
0x6b: {  	_ =	shalt  }
0x6c: {  	_ =	shalt  }
0x6d: {  	_ =	shalt  }
0x6e: {  	_ =	shalt  }
0x6f: {  	_ =	shalt  }
0x70: {  	_ =	shalt  }
0x71: {  	_ =	shalt  }
0x72: {  	_ =	shalt  }
0x73: {  	_ =	shalt  }
0x74: {  	_ =	shalt  }
0x75: {  	_ =	shalt  }
0x76: {  	_ =	shalt  }
0x77: {  	_ =	shalt  }
0x78: {  	_ =	shalt  }
0x79: {  	_ =	shalt  }
0x7a: {  	_ =	shalt  }
0x7b: {  	_ =	shalt  }
0x7c: {  	_ =	shalt  }
0x7d: {  	_ =	shalt  }
0x7e: {  	_ =	shalt  }
0x7f: {  	_ =	shalt  }
0x80: {  	_ =	shalt  }
0x81: {  	_ =	shalt  }
0x82: {  	_ =	shalt  }
0x83: {  	_ =	shalt  }
0x84: {  	_ =	shalt  }
0x85: {  	_ =	shalt  }
0x86: {  	_ =	shalt  }
0x87: {  	_ =	shalt  }
.Lfunc_end0:
.L_simem_size_0:
called_computation_lowered:
.L_overlay_start_0:
0x88: {  	s2 =	sld [smem:$0x3FD9]  }
0x89: {  	s3 =	sld [smem:$0x3FFE];
	_ =	sdelay $0x1  }
0x8a: {  	s1 =	srdreg.scid  }
0x8b: {  	s0 =	sand.u32 $0x1, s1  }
0x8c: {  	s17 =	sshll.u32 s0, $0xA;
	s2 =	sadd.s32 s3, s2  }
0x8d: {  	s2 =	sadd.s32 s2, s17  }
0x8e: {  	[smem:$0x3FC5] =	sst s2  }
0x8f: {  	_ = 	snop  }
0x90: {  	s2 =	sld [smem:$0x3FC8]  }
0x91: {  	s18 =	sld [smem:$0x3FD0];
	(tm) =	ssettm $0x1  }
0x92: {  	s4 =	sld [smem:$0x3FFB];
	_ =	sdelay $0x3  }
0x93: {  	_ =	strace s4  }
0x94: {  	s4 =	sld [smem:$0x3FFC];
	_ =	sdelay $0x3  }
0x95: {  	_ =	strace s4  }
0x96: {  	s4 =	sld [smem:$0x3FFD];
	_ =	sdelay $0x3  }
0x97: {  	_ =	strace s4  }
0x98: {  	_ =	strace $0x8FFFFFFF  }
0x99: {  	s19 =	sld [smem:$0x3FDB];
	_ =	sdelay $0x1  }
0x9a: {  	s5 =	simm.s32 $_scs_section_size  }
0x9b: {  	s6 =	simm.s32 $_size__tile_overlayer_lowered;
	s7 =	simm.s32 $_tile_overlayer_lowered  }
0x9c: {  	s22 =	simm.s32 $0x1BFF;
	s21 =	sshll.u32 s7, $0x1;
	s4 =	sadd.s32 s5, s19  }
0x9d: {  	s8 =	simm.s32 $0x0;
	s20 =	sshll.u32 s6, $0x1;
	s6 =	sadd.s32 s21, s4  }
0x9e: {  	[timem:s8], [sflag:s22] =	dma.local [hbm:s6], s20  }
0x9f: {  	_ =	swait.ge [sflag:s22], s20  }
0xa0: {  	s5 =	ssub.s32 $0x0, s20;
	[sflag:s22] =	ssyncset.done $0x0  }
0xa1: {  	[sflag:s22] =	ssyncadd.s32 s5;
	_ =	sdelay $0x1  }
0xa2: {  	s23 =	simm.s32 $0x1B8B  }
0xa3: {  	_ =	swait.ge [sflag:s23], $0x1  }
0xa4: {  	[sflag:s23] =	ssyncset.done $0x0  }
0xa5: {  	s25 =	simm.s32 $0x1B8E;
	s24 =	sld [smem:$0x3FFE];
	[sflag:s23] =	ssyncadd.s32 $0xFFFFFFFF  }
0xa6: {  	s26 =	simm.s32 $execute0_lowered;
	[smem:$0x3FD2] =	sst s25  }
0xa7: {  	s6 =	sshll.u32 s26, $0x1;
	_ =	strace $0x80000046;
	[dreg:$0x1] =	wrdreg $0xFFFFFFFF  }
0xa8: {  	s28 =	simm.s32 $_size_execute0_lowered;
	s4 =	sadd.s32 s4, s6;
	[dreg:$0x0] =	wrdreg $0x0  }
0xa9: {  	s6 =	sshll.u32 s28, $0x1;
	[dreg:$0x2] =	wrdreg s4  }
0xaa: {  	[dreg:$0x3] =	wrdreg s6  }
0xab: {  	[dreg:$0x4] =	wrdreg $0xC0  }
0xac: {  	_ =	task [dreg:s8], $0x5FFFF  }
0xad: {  	[dreg:$0x1] =	wrdreg $0xFFFFFFFF  }
0xae: {  	[dreg:$0x0] =	wrdreg $0x60  }
0xaf: {  	[dreg:$0x2] =	wrdreg s24  }
0xb0: {  	[dreg:$0x3] =	wrdreg s2  }
0xb1: {  	[dreg:$0x4] =	wrdreg s18  }
0xb2: {  	[dreg:$0x5] =	wrdreg $0x110C00  }
0xb3: {  	[dreg:$0x6] =	wrdreg $0x18DC00  }
0xb4: {  	[dreg:$0x7] =	wrdreg $0x9  }
0xb5: {  	_ =	task.clear_ibuf [dreg:s8], $0x8FFFF;
	_ =	strace $0x90000046  }
0xb6: {  	s29 =	simm.s32 $0x9;
	_ =	strace $0x80000048  }
0xb7: {  	_ =	swait.ge [sflag:s29], $0x1  }
0xb8: {  	[sflag:s29] =	ssyncadd.s32 $0xFFFFFFFF  }
0xb9: {  	_ =	strace $0x90000048  }
0xba: {  	_ =	sfence  }
0xbb: {  	s30 =	sld [smem:$0x0];
	_ =	sdelay $0x2  }
0xbc: {  	s31 =	sshll.u32 s1, $0xD;
	s1 =	sshrl.u32 s1, $0x2  }
0xbd: {  	s3 =	sand.u32 $0x4000, s31;
	s1 =	sadd.s32 s1, s30  }
0xbe: {  	s0 =	sor.u32 s3, s0;
	s1 =	sshll.u32 s1, $0x11  }
0xbf: {  	s0 =	sor.u32 s1, s0  }
0xc0: {  	s0 =	sadd.s32 $0x8F2B, s0  }
0xc1: {  	[sflag:s0] =	ssyncadd.remote.s32 $0x1  }
0xc2: {  	_ =	sfence.sel $0xFFFF  }
0xc3: {  	[dreg:$0x0] =	wrdreg $0xFFFFFFFF;
	(pc) =	sbr.abs _section_cstart, $3  }
0xc4: {  	[dreg:$0x1] =	wrdreg $0xFFFFFFFF  }
0xc5: {  	_ =	task.clear_ibuf [dreg:s8], $0x2FFFF;
	_ =	strace $0x9FFFFFFF  }
0xc6: {  	(tm) =	ssettm $0x7FFFFFFF  }
0xc7: {  	_ =	shalt  }
tec
execute0_lowered:
.L_overlay_start_1:
0x0: {  	(tag) =	ssettag $0x1  }
0x1: {  	s0 =	srdreg.scid  }
0x2: {  	s1 =	rddreg [dreg:$0x0];
	s24 =	stileid.u32;
	s22 =	sand.u32 $0x1, s0  }
0x3: {  	s14 =	sadd.s32 $0x200C00, s1;
	s2 =	sshll.u32 s24, $0x4;
	s4 =	smul.u32 $0xFA000, s24  }
0x4: {  	s17 =	sshll.u32 s24, $0xA;
	s10 =	smul.u32 $0x1E8, s22;
	s0 =	sadd.s32 s2, s1  }
0x5: {  	s3 =	ssub.s32 $0x2, s22;
	s6 =	sor.u32 $0x40, s17;
	[smem:$0x7F2] =	sst s0  }
0x6: {  	s8 =	sor.u32 $0x80, s17;
	s9 =	sor.u32 $0xC0, s17;
	[smem:$0x7DF] =	sst s6  }
0x7: {  	s15 =	sor.u32 $0x100, s17;
	s6 =	smul.u32 $0x3E8, s6;
	[smem:$0x7E0] =	sst s8  }
0x8: {  	s5 =	sshrl.u32 s3, $0x1;
	s8 =	smul.u32 $0x3E8, s8;
	[smem:$0x7E1] =	sst s9  }
0x9: {  	s12 =	smul.u32 $0x3E8, s9;
	[smem:$0x7E2] =	sst s15;
	s7 =	ssub.s32 s3, s5  }
0xa: {  	s9 =	smul.u32 $0x3E8, s15;
	s4 =	sor.u32 s10, s4;
	[smem:$0x7F4] =	sst s7  }
0xb: {  	s7 =	sshrl.u32 s4, $0x3;
	s6 =	sor.u32 s10, s6;
	s8 =	sor.u32 s10, s8  }
0xc: {  	s9 =	sor.u32 s10, s9;
	s11 =	sadd.s32 s14, s7;
	s6 =	sshrl.u32 s6, $0x3  }
0xd: {  	s8 =	sshrl.u32 s8, $0x3;
	s7 =	sor.u32 s10, s12;
	s9 =	sshrl.u32 s9, $0x3  }
0xe: {  	[dreg:$0x6] =	wrdreg s11;
	s13 =	sadd.s32 s14, s6;
	s16 =	sadd.s32 s14, s8  }
0xf: {  	s11 =	sshrl.u32 s7, $0x3;
	s7 =	sor.u32 $0x140, s17;
	s8 =	sor.u32 $0x180, s17  }
0x10: {  	s20 =	sadd.s32 s14, s9;
	[dreg:$0x7] =	wrdreg s13;
	s12 =	smul.u32 $0x3E8, s7  }
0x11: {  	s9 =	sor.u32 $0x1C0, s17;
	[dreg:$0x8] =	wrdreg s16;
	s19 =	smul.u32 $0x3E8, s8  }
0x12: {  	s18 =	sadd.s32 s14, s11;
	[dreg:$0xa] =	wrdreg s20;
	s13 =	smul.u32 $0x3E8, s9  }
0x13: {  	[dreg:$0x9] =	wrdreg s18;
	s12 =	sor.u32 s10, s12  }
0x14: {  	s11 =	sor.u32 s10, s19;
	s13 =	sor.u32 s10, s13;
	s12 =	sshrl.u32 s12, $0x3  }
0x15: {  	s15 =	sshrl.u32 s11, $0x3;
	s11 =	sor.u32 $0x200, s17;
	s13 =	sshrl.u32 s13, $0x3  }
0x16: {  	s21 =	sadd.s32 s14, s12;
	s16 =	smul.u32 $0x3E8, s11;
	s12 =	sor.u32 $0x240, s17  }
0x17: {  	s23 =	sadd.s32 s14, s15;
	s26 =	sadd.s32 s14, s13;
	[dreg:$0xb] =	wrdreg s21  }
0x18: {  	s13 =	sor.u32 $0x280, s17;
	s25 =	smul.u32 $0x3E8, s12;
	[dreg:$0xd] =	wrdreg s26  }
0x19: {  	s18 =	smul.u32 $0x3E8, s13;
	s26 =	sor.u32 $0x3C0, s17;
	s16 =	sor.u32 s10, s16  }
0x1a: {  	[dreg:$0xc] =	wrdreg s23;
	s23 =	smul.u32 $0x3E8, s26;
	s16 =	sshrl.u32 s16, $0x3  }
0x1b: {  	s15 =	sor.u32 s10, s25;
	s18 =	sor.u32 s10, s18;
	s1 =	sadd.s32 s14, s16  }
0x1c: {  	s19 =	sshrl.u32 s15, $0x3;
	s15 =	sor.u32 $0x2C0, s17;
	s16 =	sor.u32 $0x300, s17  }
0x1d: {  	s18 =	sshrl.u32 s18, $0x3;
	s29 =	sor.u32 s10, s23;
	s20 =	smul.u32 $0x3E8, s15  }
0x1e: {  	[dreg:$0xe] =	wrdreg s1;
	s2 =	sadd.s32 s14, s19;
	s3 =	smul.u32 $0x3E8, s16  }
0x1f: {  	s4 =	sadd.s32 s14, s18;
	s18 =	sor.u32 $0x340, s17;
	[dreg:$0xf] =	wrdreg s2  }
0x20: {  	s23 =	sor.u32 $0x50, s24;
	[dreg:$0x10] =	wrdreg s4;
	s21 =	smul.u32 $0x3E8, s18  }
0x21: {  	s4 =	sshrl.u32 s29, $0x3;
	s20 =	sor.u32 s10, s20;
	s19 =	sor.u32 s10, s3  }
0x22: {  	s29 =	sor.u32 $0x60, s24;
	s20 =	sshrl.u32 s20, $0x3;
	s19 =	sshrl.u32 s19, $0x3  }
0x23: {  	s6 =	sor.u32 s10, s21;
	s5 =	sadd.s32 s14, s20;
	s25 =	sadd.s32 s14, s19  }
0x24: {  	s20 =	sor.u32 $0x10, s24;
	[dreg:$0x12] =	wrdreg s25;
	s25 =	smul.u32 $0x1F40, s24  }
0x25: {  	s0 =	sshrl.u32 s6, $0x3;
	s19 =	sor.u32 $0x20, s24;
	s28 =	smul.u32 $0x1F40, s20  }
0x26: {  	s6 =	sor.u32 $0x40, s24;
	[dreg:$0x11] =	wrdreg s5;
	s30 =	smul.u32 $0x1F40, s19  }
0x27: {  	s5 =	sor.u32 $0x380, s17;
	s1 =	sadd.s32 s14, s0;
	s31 =	smul.u32 $0x1F40, s6  }
0x28: {  	s0 =	sadd.s32 s14, s4;
	s21 =	smul.u32 $0x3E8, s5;
	[dreg:$0x13] =	wrdreg s1  }
0x29: {  	[dreg:$0x15] =	wrdreg s0;
	s0 =	smul.u32 $0x1F40, s29;
	s25 =	sadd.s32 s10, s25  }
0x2a: {  	s28 =	sadd.s32 s10, s28;
	s30 =	sadd.s32 s10, s30;
	s31 =	sadd.s32 s10, s31  }
0x2b: {  	s17 =	sor.u32 s10, s21;
	s21 =	sor.u32 $0x30, s24;
	s1 =	sadd.s32 s10, s0  }
0x2c: {  	s0 =	rddreg [dreg:$0x2];
	s17 =	sshrl.u32 s17, $0x3;
	s3 =	smul.u32 $0x1F40, s21  }
0x2d: {  	s1 =	sshrl.u32 s1, $0x3;
	s2 =	sadd.s32 s14, s17;
	s14 =	sor.u32 $0x70, s24  }
0x2e: {  	s17 =	simm.s32 $0x0;
	[dreg:$0x14] =	wrdreg s2;
	s2 =	smul.u32 $0x1F40, s23  }
0x2f: {  	s1 =	sadd.s32 s0, s1;
	s4 =	smul.u32 $0x1F40, s14;
	[smem:$0x7FF] =	sst s17  }
0x30: {  	s25 =	sshrl.u32 s25, $0x3;
	s3 =	sadd.s32 s10, s3;
	[dreg:$0x1c] =	wrdreg s1  }
0x31: {  	s3 =	sshrl.u32 s3, $0x3;
	s2 =	sadd.s32 s10, s2;
	s4 =	sadd.s32 s10, s4  }
0x32: {  	s10 =	sadd.s32 s0, s25;
	s25 =	sshrl.u32 s28, $0x3;
	s28 =	rddreg [dreg:$0x4]  }
0x33: {  	s3 =	sadd.s32 s0, s3;
	[dreg:$0x16] =	wrdreg s10  }
0x34: {  	s10 =	sadd.s32 s0, s25;
	s25 =	sshrl.u32 s30, $0x3;
	[dreg:$0x19] =	wrdreg s3  }
0x35: {  	s2 =	sshrl.u32 s2, $0x3;
	[dreg:$0x17] =	wrdreg s10;
	s10 =	sadd.s32 s0, s25  }
0x36: {  	s2 =	sadd.s32 s0, s2;
	[dreg:$0x18] =	wrdreg s10  }
0x37: {  	s25 =	sshrl.u32 s31, $0x3;
	[dreg:$0x1b] =	wrdreg s2  }
0x38: {  	s3 =	sadd.s32 s0, s25;
	s25 =	rddreg [dreg:$0x3];
	s10 =	sshrl.u32 s4, $0x3  }
0x39: {  	[dreg:$0x1a] =	wrdreg s3;
	s0 =	sadd.s32 s0, s10  }
0x3a: {  	[dreg:$0x1d] =	wrdreg s0  }
0x3b: {  	s3 =	rddreg [dreg:$0x1];
	_ =	strace $0x80000047  }
0x3c: {  	s2 =	sld [smem:$0x7DF]  }
0x3d: {  	p1 =	seq.s32 s22, $0x0;
	p0 =	sne.s32 s22, $0x0;
	s22 =	sld [smem:$0x7E2]  }
0x3e: {  	s4 =	sld [smem:$0x7E0]  }
0x3f: {  	s10 =	sld [smem:$0x7E1];
	s0 =	sshrl.u32 s2, $0x3  }
0x40: {  	s1 =	sshrl.u32 s22, $0x3;
	s22 =	sshrl.u32 s15, $0x3;
	s0 =	sadd.s32 s3, s0  }
0x41: {  	s15 =	sshll.u32 s20, $0xC;
	s2 =	sadd.s32 s3, s1;
	[dreg:$0x1e] =	wrdreg s0  }
0x42: {  	s20 =	sshll.u32 s6, $0xC;
	s0 =	sshrl.u32 s4, $0x3;
	[smem:$0x7E4] =	sst s2  }
0x43: {  	s4 =	sshrl.u32 s7, $0x3;
	s7 =	sshrl.u32 s8, $0x3;
	s2 =	sshrl.u32 s18, $0x3  }
0x44: {  	s18 =	sshll.u32 s19, $0xC;
	s19 =	sshll.u32 s21, $0xC;
	s21 =	sadd.s32 s20, s25  }
0x45: {  	s8 =	sshrl.u32 s9, $0x3;
	s0 =	sadd.s32 s3, s0;
	[smem:$0x7FA] =	sst s21  }
0x46: {  	s9 =	sadd.s32 s3, s8;
	[dreg:$0x1f] =	wrdreg s0  }
0x47: {  	s0 =	sshrl.u32 s10, $0x3;
	[smem:$0x7E7] =	sst s9  }
0x48: {  	s10 =	sshrl.u32 s11, $0x3;
	s11 =	sshrl.u32 s12, $0x3;
	s12 =	sshrl.u32 s13, $0x3  }
0x49: {  	s0 =	sadd.s32 s3, s0;
	s13 =	sadd.s32 s3, s12;
	s12 =	sld [smem:$0x7F2]  }
0x4a: {  	p2 =	slt.u32 s24, $0x8;
	[smem:$0x7E3] =	sst s0  }
0x4b: {  	p1 =	por !p1, !p2;
	[smem:$0x7EA] =	sst s13  }
0x4c: {  	p1 =	por !p1, !p1;
	s0 =	sadd.s32 s3, s4;
	s13 =	sld [smem:$0x7F4]  }
0x4d: {  	p2 =	sgt.u32 s14, $0x7C;
	s4 =	sadd.s32 s3, s2;
	[smem:$0x7E5] =	sst s0  }
0x4e: {  	p3 =	sgt.u32 @!p2 s24, $0x7;
	s0 =	sadd.s32 s3, s7;
	[smem:$0x7ED] =	sst s4  }
0x4f: {  	s9 =	sshll.u32 s24, $0x7;
	[smem:$0x7E6] =	sst s0;
	s0 =	sadd.s32 s3, s10  }
0x50: {  	p3 =	por p3, p2;
	s10 =	sadd.s32 s3, s9;
	[smem:$0x7E8] =	sst s0  }
0x51: {  	s30 =	simm.s32 $0x200;
	s0 =	sadd.s32 s3, s11;
	[smem:$0x7F0] =	sst s10  }
0x52: {  	s31 =	simm.s32 $0x3E8;
	s11 =	sadd.s32 s9, s28;
	[smem:$0x7E9] =	sst s0  }
0x53: {  	s1 =	sshrl.u32 s16, $0x3;
	s0 =	sadd.s32 s3, s22;
	[smem:$0x7F1] =	sst s11  }
0x54: {  	s16 =	sshll.u32 s24, $0xC;
	[smem:$0x7EB] =	sst s0;
	s0 =	sadd.s32 s3, s1  }
0x55: {  	s7 =	sshrl.u32 s5, $0x3;
	s1 =	sadd.s32 s16, s25;
	[smem:$0x7EC] =	sst s0  }
0x56: {  	s8 =	sshrl.u32 s26, $0x3;
	s0 =	sadd.s32 s3, s7;
	[smem:$0x7F6] =	sst s1  }
0x57: {  	s26 =	sshll.u32 s14, $0xC;
	[smem:$0x7EE] =	sst s0;
	s0 =	sadd.s32 s3, s8  }
0x58: {  	s24 =	simm.s32 $0x10040;
	[smem:$0x7EF] =	sst s0;
	s0 =	sadd.s32 $0xC00, s12  }
0x59: {  	s2 =	simm.s32 $0x3;
	[smem:$0x7F3] =	sst s0;
	s0 =	smax.u32 s13, $0x1  }
0x5a: {  	s4 =	simm.s32 $0x40;
	[smem:$0x7F5] =	sst s0;
	s0 =	sadd.s32 s15, s25  }
0x5b: {  	s5 =	simm.s32 $0x2;
	[smem:$0x7F7] =	sst s0;
	s0 =	sadd.s32 s18, s25  }
0x5c: {  	s22 =	sshll.u32 s23, $0xC;
	[smem:$0x7F8] =	sst s0;
	s0 =	sadd.s32 s19, s25  }
0x5d: {  	s23 =	sshll.u32 s29, $0xC;
	[smem:$0x7F9] =	sst s0;
	s0 =	sadd.s32 s22, s25  }
0x5e: {  	s29 =	simm.s32 $0x10000;
	[smem:$0x7FB] =	sst s0;
	s0 =	sadd.s32 s23, s25  }
0x5f: {  	s3 =	simm.s32 $0x1;
	[smem:$0x7FC] =	sst s0;
	s0 =	sadd.s32 s26, s25  }
0x60: {  	v0 =	vimm.f32 $0.0e+00;
	v1 =	vimm.f32 $1.000000000e+00;
	s8 =	simm.s32 $0x0;
	[smem:$0x7FD] =	sst s0;
	s0 =	simm.s32 $0x8000  }
.LBB2_1:
0x61: {  	s9 =	sld [smem:$0x7F0];
	_ =	sdelay $0x2  }
0x62: {  	[tilespmem:s29], [sflag:$0x1] =	stream.linear.gather [hbm4b:s9+s17], $0x40, $0x38;
	[tilespmem:$0x18E00] =	vst v63  }
0x63: {  	s22 =	rddreg [dreg:$0x6]  }
0x64: {  	[tilespmem:s17], [sflag:$0x1] =	stream.strided.gather [hbm4b:s22+s30], $0x8000, s31, s30, $0x38;
	[tilespmem:$0x18E00] =	vst v63  }
0x65: {  	s23 =	rddreg [dreg:$0x1e]  }
0x66: {  	[tilespmem:s24], [sflag:$0x2] =	stream.linear.gather [hbm4b:s23+s17], $0x40, $0x38;
	[tilespmem:$0x18E00] =	vst v63  }
0x67: {  	s26 =	rddreg [dreg:$0x7];
	s10 =	simm.s32 $0x800;
	s9 =	simm.s32 $0x0  }
0x68: {  	[tilespmem:s0], [sflag:$0x2] =	stream.strided.gather [hbm4b:s26+s30], $0x8000, s31, s30, $0x38;
	[tilespmem:$0x18E00] =	vst v63  }
.LBB2_2:
0x69: {  	p4 =	sne.s32 s10, $0x3800;
	[tilespmem:s9+$0x102B0] =	vst v0  }
0x6a: {  	[tilespmem:s9+$0x100C0] =	vst v0  }
0x6b: {  	[tilespmem:s9+$0x100D0] =	vst v0  }
0x6c: {  	[tilespmem:s9+$0x100E0] =	vst v0  }
0x6d: {  	[tilespmem:s9+$0x100F0] =	vst v0  }
0x6e: {  	[tilespmem:s9+$0x10100] =	vst v0  }
0x6f: {  	[tilespmem:s9+$0x10110] =	vst v0  }
0x70: {  	[tilespmem:s9+$0x10120] =	vst v0  }
0x71: {  	[tilespmem:s9+$0x10130] =	vst v0  }
0x72: {  	[tilespmem:s9+$0x10140] =	vst v0  }
0x73: {  	[tilespmem:s9+$0x10150] =	vst v0  }
0x74: {  	[tilespmem:s9+$0x10160] =	vst v0  }
0x75: {  	[tilespmem:s9+$0x10170] =	vst v0  }
0x76: {  	[tilespmem:s9+$0x10180] =	vst v0  }
0x77: {  	[tilespmem:s9+$0x10190] =	vst v0  }
0x78: {  	[tilespmem:s9+$0x101A0] =	vst v0  }
0x79: {  	[tilespmem:s9+$0x101B0] =	vst v0  }
0x7a: {  	[tilespmem:s9+$0x101C0] =	vst v0  }
0x7b: {  	[tilespmem:s9+$0x101D0] =	vst v0  }
0x7c: {  	[tilespmem:s9+$0x101E0] =	vst v0  }
0x7d: {  	[tilespmem:s9+$0x101F0] =	vst v0  }
0x7e: {  	[tilespmem:s9+$0x10200] =	vst v0  }
0x7f: {  	[tilespmem:s9+$0x10210] =	vst v0  }
0x80: {  	[tilespmem:s9+$0x10220] =	vst v0  }
0x81: {  	[tilespmem:s9+$0x10230] =	vst v0  }
0x82: {  	[tilespmem:s9+$0x10240] =	vst v0  }
0x83: {  	[tilespmem:s9+$0x10250] =	vst v0  }
.Ltmp0:
0x84: {  	[tilespmem:s9+$0x10260] =	vst v0;
	(pc) =	sbr.rel @p4 .LBB2_2-.Ltmp0, $4  }
0x85: {  	[tilespmem:s9+$0x10270] =	vst v0  }
0x86: {  	[tilespmem:s9+$0x10280] =	vst v0  }
0x87: {  	[tilespmem:s9+$0x10290] =	vst v0  }
0x88: {  	[tilespmem:s9+$0x102A0] =	vst v0;
	s9 =	sshra.s32 s10, $0x2;
	s10 =	sadd.s32 $0x800, s10  }
0x89: {  	[tilespmem:s9+$0x102B0] =	vst v0  }
0x8a: {  	[tilespmem:s9+$0x100C0] =	vst v0  }
0x8b: {  	[tilespmem:s9+$0x100D0] =	vst v0  }
0x8c: {  	[tilespmem:s9+$0x100E0] =	vst v0  }
0x8d: {  	[tilespmem:s9+$0x100F0] =	vst v0  }
0x8e: {  	[tilespmem:s9+$0x10100] =	vst v0  }
0x8f: {  	[tilespmem:s9+$0x10110] =	vst v0  }
0x90: {  	[tilespmem:s9+$0x10120] =	vst v0  }
0x91: {  	[tilespmem:s9+$0x10130] =	vst v0  }
0x92: {  	[tilespmem:s9+$0x10140] =	vst v0  }
0x93: {  	[tilespmem:s9+$0x10150] =	vst v0  }
0x94: {  	[tilespmem:s9+$0x10160] =	vst v0  }
0x95: {  	[tilespmem:s9+$0x10170] =	vst v0  }
0x96: {  	[tilespmem:s9+$0x10180] =	vst v0  }
0x97: {  	[tilespmem:s9+$0x10190] =	vst v0  }
0x98: {  	[tilespmem:s9+$0x101A0] =	vst v0  }
0x99: {  	[tilespmem:s9+$0x101B0] =	vst v0  }
0x9a: {  	[tilespmem:s9+$0x101C0] =	vst v0  }
0x9b: {  	[tilespmem:s9+$0x101D0] =	vst v0  }
0x9c: {  	[tilespmem:s9+$0x101E0] =	vst v0  }
0x9d: {  	[tilespmem:s9+$0x101F0] =	vst v0  }
0x9e: {  	[tilespmem:s9+$0x10200] =	vst v0  }
0x9f: {  	[tilespmem:s9+$0x10210] =	vst v0  }
0xa0: {  	[tilespmem:s9+$0x10220] =	vst v0  }
0xa1: {  	[tilespmem:s9+$0x10230] =	vst v0  }
0xa2: {  	[tilespmem:s9+$0x10240] =	vst v0  }
0xa3: {  	[tilespmem:s9+$0x10250] =	vst v0  }
0xa4: {  	[tilespmem:s9+$0x10260] =	vst v0  }
0xa5: {  	[tilespmem:s9+$0x10270] =	vst v0  }
0xa6: {  	[tilespmem:s9+$0x10280] =	vst v0  }
0xa7: {  	[tilespmem:s9+$0x10290] =	vst v0  }
0xa8: {  	[tilespmem:s9+$0x102A0] =	vst v0  }
0xa9: {  	[tilespmem:$0x10080] =	vst v1  }
0xaa: {  	s20 =	sld [smem:$0x7F6];
	[tilespmem:$0x10090] =	vst v1  }
0xab: {  	[tilespmem:$0x100A0] =	vst v1  }
0xac: {  	s7 =	simm.s32 $0x100C0;
	[tilespmem:$0x100B0] =	vst v1  }
0xad: {  	[spmem:s20] =	stream.linear.scatter [tilespmem:s7], [sflag:$0x3], $0x1000, $0x38;
	[tilespmem:$0x18E00] =	vst v63  }
0xae: {  	_ =	swait.ge [sflag:s2], $0x1000  }
0xaf: {  	s21 =	sld [smem:$0x7F7]  }
0xb0: {  	[sflag:s2] =	ssyncset.done $0x0  }
0xb1: {  	[sflag:s2] =	ssyncadd.s32 $0xFFFFF000  }
0xb2: {  	[spmem:s21] =	stream.linear.scatter [tilespmem:s7], [sflag:$0x3], $0x1000, $0x38;
	[tilespmem:$0x18E00] =	vst v63  }
0xb3: {  	_ =	swait.ge [sflag:s2], $0x1000  }
0xb4: {  	s22 =	sld [smem:$0x7F8]  }
0xb5: {  	[sflag:s2] =	ssyncset.done $0x0  }
0xb6: {  	[sflag:s2] =	ssyncadd.s32 $0xFFFFF000  }
0xb7: {  	[spmem:s22] =	stream.linear.scatter [tilespmem:s7], [sflag:$0x3], $0x1000, $0x38;
	[tilespmem:$0x18E00] =	vst v63  }
0xb8: {  	_ =	swait.ge [sflag:s2], $0x1000  }
0xb9: {  	s23 =	sld [smem:$0x7F9]  }
0xba: {  	[sflag:s2] =	ssyncset.done $0x0  }
0xbb: {  	[sflag:s2] =	ssyncadd.s32 $0xFFFFF000  }
0xbc: {  	[spmem:s23] =	stream.linear.scatter [tilespmem:s7], [sflag:$0x3], $0x1000, $0x38;
	[tilespmem:$0x18E00] =	vst v63  }
0xbd: {  	_ =	swait.ge [sflag:s2], $0x1000  }
0xbe: {  	s26 =	sld [smem:$0x7FA]  }
0xbf: {  	[sflag:s2] =	ssyncset.done $0x0  }
0xc0: {  	[sflag:s2] =	ssyncadd.s32 $0xFFFFF000  }
0xc1: {  	[spmem:s26] =	stream.linear.scatter [tilespmem:s7], [sflag:$0x3], $0x1000, $0x38;
	[tilespmem:$0x18E00] =	vst v63  }
0xc2: {  	_ =	swait.ge [sflag:s2], $0x1000  }
0xc3: {  	s1 =	sld [smem:$0x7FB]  }
0xc4: {  	[sflag:s2] =	ssyncset.done $0x0  }
0xc5: {  	[sflag:s2] =	ssyncadd.s32 $0xFFFFF000  }
0xc6: {  	[spmem:s1] =	stream.linear.scatter [tilespmem:s7], [sflag:$0x3], $0x1000, $0x38;
	[tilespmem:$0x18E00] =	vst v63  }
0xc7: {  	_ =	swait.ge [sflag:s2], $0x1000  }
0xc8: {  	s6 =	sld [smem:$0x7FC]  }
0xc9: {  	[sflag:s2] =	ssyncset.done $0x0  }
0xca: {  	[sflag:s2] =	ssyncadd.s32 $0xFFFFF000  }
0xcb: {  	[spmem:s6] =	stream.linear.scatter [tilespmem:s7], [sflag:$0x3], $0x1000, $0x38;
	[tilespmem:$0x18E00] =	vst v63  }
0xcc: {  	_ =	swait.ge [sflag:s2], $0x1000  }
0xcd: {  	s7 =	sld [smem:$0x7FD]  }
0xce: {  	[sflag:s2] =	ssyncset.done $0x0  }
0xcf: {  	s9 =	simm.s32 @!p2 $0x100C0;
	[sflag:s2] =	ssyncadd.s32 $0xFFFFF000  }
0xd0: {  	[spmem:s7] =	stream.linear.scatter @!p2 [tilespmem:s9], [sflag:$0x3], $0x1000, $0x38;
	[tilespmem:$0x18E00] =	vst v63  }
0xd1: {  	s9 =	simm.s32 @!p2 $0x3  }
0xd2: {  	_ =	swait.ge @!p2 [sflag:s9], $0x1000  }
0xd3: {  	s19 =	sld [smem:$0x7F1]  }
0xd4: {  	[sflag:s9] =	ssyncset.done @!p2 $0x0  }
0xd5: {  	s10 =	simm.s32 @!p3 $0x100C0;
	[sflag:s9] =	ssyncadd.s32 @!p2 $0xFFFFF000  }
0xd6: {  	[spmem:s19] =	stream.linear.scatter @!p3 [tilespmem:s10], [sflag:$0x3], $0x80, $0x38;
	[tilespmem:$0x18E00] =	vst v63  }
0xd7: {  	s10 =	simm.s32 @!p3 $0x3  }
0xd8: {  	_ =	swait.ge @!p3 [sflag:s10], $0x80  }
0xd9: {  	[sflag:s10] =	ssyncset.done @!p3 $0x0  }
0xda: {  	[sflag:s10] =	ssyncadd.s32 @!p3 $0xFFFFFF80  }
0xdb: {  	[bflag:$0x0] =	sbarrier.arrive $0xFFFF  }
0xdc: {  	_ =	swait.ge [sflag:s3], $0x40  }
0xdd: {  	[sflag:s3] =	ssyncset.done $0x0  }
0xde: {  	[sflag:s3] =	ssyncadd.s32 $0xFFFFFFC0  }
0xdf: {  	_ =	swait.ge [sflag:s3], $0x8000  }
0xe0: {  	[sflag:s3] =	ssyncset.done $0x0  }
0xe1: {  	[sflag:s3] =	ssyncadd.s32 $0xFFFF8000  }
0xe2: {  	[spmem:s25] =	stream.indirect.scatter.add.f32 [tilespmem:s17], [sflag:$0x3], $0x200, s29, s4, $0xb8;
	[tilespmem:$0x18E00] =	vst v63  }
0xe3: {  	_ =	swait.ge [sflag:s2], $0x8000  }
0xe4: {  	s14 =	simm.s32 @!p0 $0x10000;
	s12 =	simm.s32 @!p0 $0x10080;
	[sflag:s2] =	ssyncset.done $0x0  }
0xe5: {  	s11 =	simm.s32 @!p0 $0x3;
	s10 =	simm.s32 @!p0 $0x40;
	[sflag:s2] =	ssyncadd.s32 $0xFFFF8000  }
0xe6: {  	[spmem:s28] =	stream.indirect.scatter.add.f32 @!p0 [tilespmem:s12], [sflag:$0x3], $0x1, s14, s10, $0xb8;
	[tilespmem:$0x18E00] =	vst v63  }
0xe7: {  	_ =	swait.ge @!p0 [sflag:s11], $0x40  }
0xe8: {  	[sflag:s11] =	ssyncset.done @!p0 $0x0  }
0xe9: {  	s13 =	rddreg [dreg:$0x1f];
	[sflag:s11] =	ssyncadd.s32 @!p0 $0xFFFFFFC0  }
0xea: {  	[tilespmem:s29], [sflag:$0x1] =	stream.linear.gather [hbm4b:s13+s17], $0x40, $0x38;
	[tilespmem:$0x18E00] =	vst v63  }
0xeb: {  	s15 =	rddreg [dreg:$0x8]  }
0xec: {  	[tilespmem:s17], [sflag:$0x1] =	stream.strided.gather [hbm4b:s15+s30], $0x8000, s31, s30, $0x38;
	[tilespmem:$0x18E00] =	vst v63  }
0xed: {  	_ =	swait.ge [sflag:s5], $0x40  }
0xee: {  	[sflag:s5] =	ssyncset.done $0x0  }
0xef: {  	[sflag:s5] =	ssyncadd.s32 $0xFFFFFFC0  }
0xf0: {  	_ =	swait.ge [sflag:s5], $0x8000  }
0xf1: {  	[sflag:s5] =	ssyncset.done $0x0  }
0xf2: {  	[sflag:s5] =	ssyncadd.s32 $0xFFFF8000  }
0xf3: {  	[spmem:s25] =	stream.indirect.scatter.add.f32 [tilespmem:s0], [sflag:$0x3], $0x200, s24, s4, $0xb8;
	[tilespmem:$0x18E00] =	vst v63  }
0xf4: {  	_ =	swait.ge [sflag:s2], $0x8000  }
0xf5: {  	[sflag:s2] =	ssyncset.done $0x0  }
0xf6: {  	s15 =	simm.s32 @!p0 $0x10040;
	[sflag:s2] =	ssyncadd.s32 $0xFFFF8000  }
0xf7: {  	[spmem:s28] =	stream.indirect.scatter.add.f32 @!p0 [tilespmem:s12], [sflag:$0x3], $0x1, s15, s10, $0xb8;
	[tilespmem:$0x18E00] =	vst v63  }
0xf8: {  	_ =	swait.ge @!p0 [sflag:s11], $0x40  }
0xf9: {  	s16 =	sld [smem:$0x7E3]  }
0xfa: {  	[sflag:s11] =	ssyncset.done @!p0 $0x0  }
0xfb: {  	[sflag:s11] =	ssyncadd.s32 @!p0 $0xFFFFFFC0  }
0xfc: {  	[tilespmem:s24], [sflag:$0x2] =	stream.linear.gather [hbm4b:s16+s17], $0x40, $0x38;
	[tilespmem:$0x18E00] =	vst v63  }
0xfd: {  	s18 =	rddreg [dreg:$0x9]  }
0xfe: {  	[tilespmem:s0], [sflag:$0x2] =	stream.strided.gather [hbm4b:s18+s30], $0x8000, s31, s30, $0x38;
	[tilespmem:$0x18E00] =	vst v63  }
0xff: {  	_ =	swait.ge [sflag:s3], $0x40  }
0x100: {  	[sflag:s3] =	ssyncset.done $0x0  }
0x101: {  	[sflag:s3] =	ssyncadd.s32 $0xFFFFFFC0  }
0x102: {  	_ =	swait.ge [sflag:s3], $0x8000  }
0x103: {  	[sflag:s3] =	ssyncset.done $0x0  }
0x104: {  	[sflag:s3] =	ssyncadd.s32 $0xFFFF8000  }
0x105: {  	[spmem:s25] =	stream.indirect.scatter.add.f32 [tilespmem:s17], [sflag:$0x3], $0x200, s29, s4, $0xb8;
	[tilespmem:$0x18E00] =	vst v63  }
0x106: {  	_ =	swait.ge [sflag:s2], $0x8000  }
0x107: {  	[sflag:s2] =	ssyncset.done $0x0  }
0x108: {  	[sflag:s2] =	ssyncadd.s32 $0xFFFF8000  }
0x109: {  	[spmem:s28] =	stream.indirect.scatter.add.f32 @!p0 [tilespmem:s12], [sflag:$0x3], $0x1, s14, s10, $0xb8;
	[tilespmem:$0x18E00] =	vst v63  }
0x10a: {  	_ =	swait.ge @!p0 [sflag:s11], $0x40  }
0x10b: {  	s16 =	sld [smem:$0x7E4]  }
0x10c: {  	[sflag:s11] =	ssyncset.done @!p0 $0x0  }
0x10d: {  	[sflag:s11] =	ssyncadd.s32 @!p0 $0xFFFFFFC0  }
0x10e: {  	[tilespmem:s29], [sflag:$0x1] =	stream.linear.gather [hbm4b:s16+s17], $0x40, $0x38;
	[tilespmem:$0x18E00] =	vst v63  }
0x10f: {  	s18 =	rddreg [dreg:$0xa]  }
0x110: {  	[tilespmem:s17], [sflag:$0x1] =	stream.strided.gather [hbm4b:s18+s30], $0x8000, s31, s30, $0x38;
	[tilespmem:$0x18E00] =	vst v63  }
0x111: {  	_ =	swait.ge [sflag:s5], $0x40  }
0x112: {  	[sflag:s5] =	ssyncset.done $0x0  }
0x113: {  	[sflag:s5] =	ssyncadd.s32 $0xFFFFFFC0  }
0x114: {  	_ =	swait.ge [sflag:s5], $0x8000  }
0x115: {  	[sflag:s5] =	ssyncset.done $0x0  }
0x116: {  	[sflag:s5] =	ssyncadd.s32 $0xFFFF8000  }
0x117: {  	[spmem:s25] =	stream.indirect.scatter.add.f32 [tilespmem:s0], [sflag:$0x3], $0x200, s24, s4, $0xb8;
	[tilespmem:$0x18E00] =	vst v63  }
0x118: {  	_ =	swait.ge [sflag:s2], $0x8000  }
0x119: {  	[sflag:s2] =	ssyncset.done $0x0  }
0x11a: {  	[sflag:s2] =	ssyncadd.s32 $0xFFFF8000  }
0x11b: {  	[spmem:s28] =	stream.indirect.scatter.add.f32 @!p0 [tilespmem:s12], [sflag:$0x3], $0x1, s15, s10, $0xb8;
	[tilespmem:$0x18E00] =	vst v63  }
0x11c: {  	_ =	swait.ge @!p0 [sflag:s11], $0x40  }
0x11d: {  	s16 =	sld [smem:$0x7E5]  }
0x11e: {  	[sflag:s11] =	ssyncset.done @!p0 $0x0  }
0x11f: {  	[sflag:s11] =	ssyncadd.s32 @!p0 $0xFFFFFFC0  }
0x120: {  	[tilespmem:s24], [sflag:$0x2] =	stream.linear.gather [hbm4b:s16+s17], $0x40, $0x38;
	[tilespmem:$0x18E00] =	vst v63  }
0x121: {  	s18 =	rddreg [dreg:$0xb]  }
0x122: {  	[tilespmem:s0], [sflag:$0x2] =	stream.strided.gather [hbm4b:s18+s30], $0x8000, s31, s30, $0x38;
	[tilespmem:$0x18E00] =	vst v63  }
0x123: {  	_ =	swait.ge [sflag:s3], $0x40  }
0x124: {  	[sflag:s3] =	ssyncset.done $0x0  }
0x125: {  	[sflag:s3] =	ssyncadd.s32 $0xFFFFFFC0  }
0x126: {  	_ =	swait.ge [sflag:s3], $0x8000  }
0x127: {  	[sflag:s3] =	ssyncset.done $0x0  }
0x128: {  	[sflag:s3] =	ssyncadd.s32 $0xFFFF8000  }
0x129: {  	[spmem:s25] =	stream.indirect.scatter.add.f32 [tilespmem:s17], [sflag:$0x3], $0x200, s29, s4, $0xb8;
	[tilespmem:$0x18E00] =	vst v63  }
0x12a: {  	_ =	swait.ge [sflag:s2], $0x8000  }
0x12b: {  	[sflag:s2] =	ssyncset.done $0x0  }
0x12c: {  	[sflag:s2] =	ssyncadd.s32 $0xFFFF8000  }
0x12d: {  	[spmem:s28] =	stream.indirect.scatter.add.f32 @!p0 [tilespmem:s12], [sflag:$0x3], $0x1, s14, s10, $0xb8;
	[tilespmem:$0x18E00] =	vst v63  }
0x12e: {  	_ =	swait.ge @!p0 [sflag:s11], $0x40  }
0x12f: {  	s16 =	sld [smem:$0x7E6]  }
0x130: {  	[sflag:s11] =	ssyncset.done @!p0 $0x0  }
0x131: {  	[sflag:s11] =	ssyncadd.s32 @!p0 $0xFFFFFFC0  }
0x132: {  	[tilespmem:s29], [sflag:$0x1] =	stream.linear.gather [hbm4b:s16+s17], $0x40, $0x38;
	[tilespmem:$0x18E00] =	vst v63  }
0x133: {  	s18 =	rddreg [dreg:$0xc]  }
0x134: {  	[tilespmem:s17], [sflag:$0x1] =	stream.strided.gather [hbm4b:s18+s30], $0x8000, s31, s30, $0x38;
	[tilespmem:$0x18E00] =	vst v63  }
0x135: {  	_ =	swait.ge [sflag:s5], $0x40  }
0x136: {  	[sflag:s5] =	ssyncset.done $0x0  }
0x137: {  	[sflag:s5] =	ssyncadd.s32 $0xFFFFFFC0  }
0x138: {  	_ =	swait.ge [sflag:s5], $0x8000  }
0x139: {  	[sflag:s5] =	ssyncset.done $0x0  }
0x13a: {  	[sflag:s5] =	ssyncadd.s32 $0xFFFF8000  }
0x13b: {  	[spmem:s25] =	stream.indirect.scatter.add.f32 [tilespmem:s0], [sflag:$0x3], $0x200, s24, s4, $0xb8;
	[tilespmem:$0x18E00] =	vst v63  }
0x13c: {  	_ =	swait.ge [sflag:s2], $0x8000  }
0x13d: {  	[sflag:s2] =	ssyncset.done $0x0  }
0x13e: {  	[sflag:s2] =	ssyncadd.s32 $0xFFFF8000  }
0x13f: {  	[spmem:s28] =	stream.indirect.scatter.add.f32 @!p0 [tilespmem:s12], [sflag:$0x3], $0x1, s15, s10, $0xb8;
	[tilespmem:$0x18E00] =	vst v63  }
0x140: {  	_ =	swait.ge @!p0 [sflag:s11], $0x40  }
0x141: {  	s16 =	sld [smem:$0x7E7]  }
0x142: {  	[sflag:s11] =	ssyncset.done @!p0 $0x0  }
0x143: {  	[sflag:s11] =	ssyncadd.s32 @!p0 $0xFFFFFFC0  }
0x144: {  	[tilespmem:s24], [sflag:$0x2] =	stream.linear.gather [hbm4b:s16+s17], $0x40, $0x38;
	[tilespmem:$0x18E00] =	vst v63  }
0x145: {  	s18 =	rddreg [dreg:$0xd]  }
0x146: {  	[tilespmem:s0], [sflag:$0x2] =	stream.strided.gather [hbm4b:s18+s30], $0x8000, s31, s30, $0x38;
	[tilespmem:$0x18E00] =	vst v63  }
0x147: {  	_ =	swait.ge [sflag:s3], $0x40  }
0x148: {  	[sflag:s3] =	ssyncset.done $0x0  }
0x149: {  	[sflag:s3] =	ssyncadd.s32 $0xFFFFFFC0  }
0x14a: {  	_ =	swait.ge [sflag:s3], $0x8000  }
0x14b: {  	[sflag:s3] =	ssyncset.done $0x0  }
0x14c: {  	[sflag:s3] =	ssyncadd.s32 $0xFFFF8000  }
0x14d: {  	[spmem:s25] =	stream.indirect.scatter.add.f32 [tilespmem:s17], [sflag:$0x3], $0x200, s29, s4, $0xb8;
	[tilespmem:$0x18E00] =	vst v63  }
0x14e: {  	_ =	swait.ge [sflag:s2], $0x8000  }
0x14f: {  	[sflag:s2] =	ssyncset.done $0x0  }
0x150: {  	[sflag:s2] =	ssyncadd.s32 $0xFFFF8000  }
0x151: {  	[spmem:s28] =	stream.indirect.scatter.add.f32 @!p0 [tilespmem:s12], [sflag:$0x3], $0x1, s14, s10, $0xb8;
	[tilespmem:$0x18E00] =	vst v63  }
0x152: {  	_ =	swait.ge @!p0 [sflag:s11], $0x40  }
0x153: {  	s16 =	sld [smem:$0x7E8]  }
0x154: {  	[sflag:s11] =	ssyncset.done @!p0 $0x0  }
0x155: {  	[sflag:s11] =	ssyncadd.s32 @!p0 $0xFFFFFFC0  }
0x156: {  	[tilespmem:s29], [sflag:$0x1] =	stream.linear.gather [hbm4b:s16+s17], $0x40, $0x38;
	[tilespmem:$0x18E00] =	vst v63  }
0x157: {  	s18 =	rddreg [dreg:$0xe]  }
0x158: {  	[tilespmem:s17], [sflag:$0x1] =	stream.strided.gather [hbm4b:s18+s30], $0x8000, s31, s30, $0x38;
	[tilespmem:$0x18E00] =	vst v63  }
0x159: {  	_ =	swait.ge [sflag:s5], $0x40  }
0x15a: {  	[sflag:s5] =	ssyncset.done $0x0  }
0x15b: {  	[sflag:s5] =	ssyncadd.s32 $0xFFFFFFC0  }
0x15c: {  	_ =	swait.ge [sflag:s5], $0x8000  }
0x15d: {  	[sflag:s5] =	ssyncset.done $0x0  }
0x15e: {  	[sflag:s5] =	ssyncadd.s32 $0xFFFF8000  }
0x15f: {  	[spmem:s25] =	stream.indirect.scatter.add.f32 [tilespmem:s0], [sflag:$0x3], $0x200, s24, s4, $0xb8;
	[tilespmem:$0x18E00] =	vst v63  }
0x160: {  	_ =	swait.ge [sflag:s2], $0x8000  }
0x161: {  	[sflag:s2] =	ssyncset.done $0x0  }
0x162: {  	[sflag:s2] =	ssyncadd.s32 $0xFFFF8000  }
0x163: {  	[spmem:s28] =	stream.indirect.scatter.add.f32 @!p0 [tilespmem:s12], [sflag:$0x3], $0x1, s15, s10, $0xb8;
	[tilespmem:$0x18E00] =	vst v63  }
0x164: {  	_ =	swait.ge @!p0 [sflag:s11], $0x40  }
0x165: {  	s16 =	sld [smem:$0x7E9]  }
0x166: {  	[sflag:s11] =	ssyncset.done @!p0 $0x0  }
0x167: {  	[sflag:s11] =	ssyncadd.s32 @!p0 $0xFFFFFFC0  }
0x168: {  	[tilespmem:s24], [sflag:$0x2] =	stream.linear.gather [hbm4b:s16+s17], $0x40, $0x38;
	[tilespmem:$0x18E00] =	vst v63  }
0x169: {  	s18 =	rddreg [dreg:$0xf]  }
0x16a: {  	[tilespmem:s0], [sflag:$0x2] =	stream.strided.gather [hbm4b:s18+s30], $0x8000, s31, s30, $0x38;
	[tilespmem:$0x18E00] =	vst v63  }
0x16b: {  	_ =	swait.ge [sflag:s3], $0x40  }
0x16c: {  	[sflag:s3] =	ssyncset.done $0x0  }
0x16d: {  	[sflag:s3] =	ssyncadd.s32 $0xFFFFFFC0  }
0x16e: {  	_ =	swait.ge [sflag:s3], $0x8000  }
0x16f: {  	[sflag:s3] =	ssyncset.done $0x0  }
0x170: {  	[sflag:s3] =	ssyncadd.s32 $0xFFFF8000  }
0x171: {  	[spmem:s25] =	stream.indirect.scatter.add.f32 [tilespmem:s17], [sflag:$0x3], $0x200, s29, s4, $0xb8;
	[tilespmem:$0x18E00] =	vst v63  }
0x172: {  	_ =	swait.ge [sflag:s2], $0x8000  }
0x173: {  	[sflag:s2] =	ssyncset.done $0x0  }
0x174: {  	[sflag:s2] =	ssyncadd.s32 $0xFFFF8000  }
0x175: {  	[spmem:s28] =	stream.indirect.scatter.add.f32 @!p0 [tilespmem:s12], [sflag:$0x3], $0x1, s14, s10, $0xb8;
	[tilespmem:$0x18E00] =	vst v63  }
0x176: {  	_ =	swait.ge @!p0 [sflag:s11], $0x40  }
0x177: {  	s16 =	sld [smem:$0x7EA]  }
0x178: {  	[sflag:s11] =	ssyncset.done @!p0 $0x0  }
0x179: {  	[sflag:s11] =	ssyncadd.s32 @!p0 $0xFFFFFFC0  }
0x17a: {  	[tilespmem:s29], [sflag:$0x1] =	stream.linear.gather [hbm4b:s16+s17], $0x40, $0x38;
	[tilespmem:$0x18E00] =	vst v63  }
0x17b: {  	s18 =	rddreg [dreg:$0x10]  }
0x17c: {  	[tilespmem:s17], [sflag:$0x1] =	stream.strided.gather [hbm4b:s18+s30], $0x8000, s31, s30, $0x38;
	[tilespmem:$0x18E00] =	vst v63  }
0x17d: {  	_ =	swait.ge [sflag:s5], $0x40  }
0x17e: {  	[sflag:s5] =	ssyncset.done $0x0  }
0x17f: {  	[sflag:s5] =	ssyncadd.s32 $0xFFFFFFC0  }
0x180: {  	_ =	swait.ge [sflag:s5], $0x8000  }
0x181: {  	[sflag:s5] =	ssyncset.done $0x0  }
0x182: {  	[sflag:s5] =	ssyncadd.s32 $0xFFFF8000  }
0x183: {  	[spmem:s25] =	stream.indirect.scatter.add.f32 [tilespmem:s0], [sflag:$0x3], $0x200, s24, s4, $0xb8;
	[tilespmem:$0x18E00] =	vst v63  }
0x184: {  	_ =	swait.ge [sflag:s2], $0x8000  }
0x185: {  	[sflag:s2] =	ssyncset.done $0x0  }
0x186: {  	[sflag:s2] =	ssyncadd.s32 $0xFFFF8000  }
0x187: {  	[spmem:s28] =	stream.indirect.scatter.add.f32 @!p0 [tilespmem:s12], [sflag:$0x3], $0x1, s15, s10, $0xb8;
	[tilespmem:$0x18E00] =	vst v63  }
0x188: {  	_ =	swait.ge @!p0 [sflag:s11], $0x40  }
0x189: {  	s16 =	sld [smem:$0x7EB]  }
0x18a: {  	[sflag:s11] =	ssyncset.done @!p0 $0x0  }
0x18b: {  	[sflag:s11] =	ssyncadd.s32 @!p0 $0xFFFFFFC0  }
0x18c: {  	[tilespmem:s24], [sflag:$0x2] =	stream.linear.gather [hbm4b:s16+s17], $0x40, $0x38;
	[tilespmem:$0x18E00] =	vst v63  }
0x18d: {  	s18 =	rddreg [dreg:$0x11]  }
0x18e: {  	[tilespmem:s0], [sflag:$0x2] =	stream.strided.gather [hbm4b:s18+s30], $0x8000, s31, s30, $0x38;
	[tilespmem:$0x18E00] =	vst v63  }
0x18f: {  	_ =	swait.ge [sflag:s3], $0x40  }
0x190: {  	[sflag:s3] =	ssyncset.done $0x0  }
0x191: {  	[sflag:s3] =	ssyncadd.s32 $0xFFFFFFC0  }
0x192: {  	_ =	swait.ge [sflag:s3], $0x8000  }
0x193: {  	[sflag:s3] =	ssyncset.done $0x0  }
0x194: {  	[sflag:s3] =	ssyncadd.s32 $0xFFFF8000  }
0x195: {  	[spmem:s25] =	stream.indirect.scatter.add.f32 [tilespmem:s17], [sflag:$0x3], $0x200, s29, s4, $0xb8;
	[tilespmem:$0x18E00] =	vst v63  }
0x196: {  	_ =	swait.ge [sflag:s2], $0x8000  }
0x197: {  	[sflag:s2] =	ssyncset.done $0x0  }
0x198: {  	[sflag:s2] =	ssyncadd.s32 $0xFFFF8000  }
0x199: {  	[spmem:s28] =	stream.indirect.scatter.add.f32 @!p0 [tilespmem:s12], [sflag:$0x3], $0x1, s14, s10, $0xb8;
	[tilespmem:$0x18E00] =	vst v63  }
0x19a: {  	_ =	swait.ge @!p0 [sflag:s11], $0x40  }
0x19b: {  	s16 =	sld [smem:$0x7EC]  }
0x19c: {  	[sflag:s11] =	ssyncset.done @!p0 $0x0  }
0x19d: {  	[sflag:s11] =	ssyncadd.s32 @!p0 $0xFFFFFFC0  }
0x19e: {  	[tilespmem:s29], [sflag:$0x1] =	stream.linear.gather [hbm4b:s16+s17], $0x40, $0x38;
	[tilespmem:$0x18E00] =	vst v63  }
0x19f: {  	s18 =	rddreg [dreg:$0x12]  }
0x1a0: {  	[tilespmem:s17], [sflag:$0x1] =	stream.strided.gather [hbm4b:s18+s30], $0x8000, s31, s30, $0x38;
	[tilespmem:$0x18E00] =	vst v63  }
0x1a1: {  	_ =	swait.ge [sflag:s5], $0x40  }
0x1a2: {  	[sflag:s5] =	ssyncset.done $0x0  }
0x1a3: {  	[sflag:s5] =	ssyncadd.s32 $0xFFFFFFC0  }
0x1a4: {  	_ =	swait.ge [sflag:s5], $0x8000  }
0x1a5: {  	[sflag:s5] =	ssyncset.done $0x0  }
0x1a6: {  	[sflag:s5] =	ssyncadd.s32 $0xFFFF8000  }
0x1a7: {  	[spmem:s25] =	stream.indirect.scatter.add.f32 [tilespmem:s0], [sflag:$0x3], $0x200, s24, s4, $0xb8;
	[tilespmem:$0x18E00] =	vst v63  }
0x1a8: {  	_ =	swait.ge [sflag:s2], $0x8000  }
0x1a9: {  	[sflag:s2] =	ssyncset.done $0x0  }
0x1aa: {  	[sflag:s2] =	ssyncadd.s32 $0xFFFF8000  }
0x1ab: {  	[spmem:s28] =	stream.indirect.scatter.add.f32 @!p0 [tilespmem:s12], [sflag:$0x3], $0x1, s15, s10, $0xb8;
	[tilespmem:$0x18E00] =	vst v63  }
0x1ac: {  	_ =	swait.ge @!p0 [sflag:s11], $0x40  }
0x1ad: {  	s16 =	sld [smem:$0x7ED]  }
0x1ae: {  	[sflag:s11] =	ssyncset.done @!p0 $0x0  }
0x1af: {  	[sflag:s11] =	ssyncadd.s32 @!p0 $0xFFFFFFC0  }
0x1b0: {  	[tilespmem:s24], [sflag:$0x2] =	stream.linear.gather [hbm4b:s16+s17], $0x40, $0x38;
	[tilespmem:$0x18E00] =	vst v63  }
0x1b1: {  	s18 =	rddreg [dreg:$0x13]  }
0x1b2: {  	[tilespmem:s0], [sflag:$0x2] =	stream.strided.gather [hbm4b:s18+s30], $0x8000, s31, s30, $0x38;
	[tilespmem:$0x18E00] =	vst v63  }
0x1b3: {  	_ =	swait.ge [sflag:s3], $0x40  }
0x1b4: {  	[sflag:s3] =	ssyncset.done $0x0  }
0x1b5: {  	[sflag:s3] =	ssyncadd.s32 $0xFFFFFFC0  }
0x1b6: {  	_ =	swait.ge [sflag:s3], $0x8000  }
0x1b7: {  	[sflag:s3] =	ssyncset.done $0x0  }
0x1b8: {  	[sflag:s3] =	ssyncadd.s32 $0xFFFF8000  }
0x1b9: {  	[spmem:s25] =	stream.indirect.scatter.add.f32 [tilespmem:s17], [sflag:$0x3], $0x200, s29, s4, $0xb8;
	[tilespmem:$0x18E00] =	vst v63  }
0x1ba: {  	_ =	swait.ge [sflag:s2], $0x8000  }
0x1bb: {  	[sflag:s2] =	ssyncset.done $0x0  }
0x1bc: {  	[sflag:s2] =	ssyncadd.s32 $0xFFFF8000  }
0x1bd: {  	[spmem:s28] =	stream.indirect.scatter.add.f32 @!p0 [tilespmem:s12], [sflag:$0x3], $0x1, s14, s10, $0xb8;
	[tilespmem:$0x18E00] =	vst v63  }
0x1be: {  	_ =	swait.ge @!p0 [sflag:s11], $0x40  }
0x1bf: {  	s16 =	sld [smem:$0x7EE]  }
0x1c0: {  	[sflag:s11] =	ssyncset.done @!p0 $0x0  }
0x1c1: {  	[sflag:s11] =	ssyncadd.s32 @!p0 $0xFFFFFFC0  }
0x1c2: {  	[tilespmem:s29], [sflag:$0x1] =	stream.linear.gather [hbm4b:s16+s17], $0x40, $0x38;
	[tilespmem:$0x18E00] =	vst v63  }
0x1c3: {  	s18 =	rddreg [dreg:$0x14]  }
0x1c4: {  	[tilespmem:s17], [sflag:$0x1] =	stream.strided.gather [hbm4b:s18+s30], $0x8000, s31, s30, $0x38;
	[tilespmem:$0x18E00] =	vst v63  }
0x1c5: {  	_ =	swait.ge [sflag:s5], $0x40  }
0x1c6: {  	[sflag:s5] =	ssyncset.done $0x0  }
0x1c7: {  	[sflag:s5] =	ssyncadd.s32 $0xFFFFFFC0  }
0x1c8: {  	_ =	swait.ge [sflag:s5], $0x8000  }
0x1c9: {  	[sflag:s5] =	ssyncset.done $0x0  }
0x1ca: {  	[sflag:s5] =	ssyncadd.s32 $0xFFFF8000  }
0x1cb: {  	[spmem:s25] =	stream.indirect.scatter.add.f32 [tilespmem:s0], [sflag:$0x3], $0x200, s24, s4, $0xb8;
	[tilespmem:$0x18E00] =	vst v63  }
0x1cc: {  	_ =	swait.ge [sflag:s2], $0x8000  }
0x1cd: {  	[sflag:s2] =	ssyncset.done $0x0  }
0x1ce: {  	[sflag:s2] =	ssyncadd.s32 $0xFFFF8000  }
0x1cf: {  	[spmem:s28] =	stream.indirect.scatter.add.f32 @!p0 [tilespmem:s12], [sflag:$0x3], $0x1, s15, s10, $0xb8;
	[tilespmem:$0x18E00] =	vst v63  }
0x1d0: {  	_ =	swait.ge @!p0 [sflag:s11], $0x40  }
0x1d1: {  	s16 =	sld [smem:$0x7EF]  }
0x1d2: {  	[sflag:s11] =	ssyncset.done @!p0 $0x0  }
0x1d3: {  	[sflag:s11] =	ssyncadd.s32 @!p0 $0xFFFFFFC0  }
0x1d4: {  	[tilespmem:s24], [sflag:$0x2] =	stream.linear.gather [hbm4b:s16+s17], $0x40, $0x38;
	[tilespmem:$0x18E00] =	vst v63  }
0x1d5: {  	s18 =	rddreg [dreg:$0x15]  }
0x1d6: {  	[tilespmem:s0], [sflag:$0x2] =	stream.strided.gather [hbm4b:s18+s30], $0x8000, s31, s30, $0x38;
	[tilespmem:$0x18E00] =	vst v63  }
0x1d7: {  	_ =	swait.ge [sflag:s3], $0x40  }
0x1d8: {  	[sflag:s3] =	ssyncset.done $0x0  }
0x1d9: {  	[sflag:s3] =	ssyncadd.s32 $0xFFFFFFC0  }
0x1da: {  	_ =	swait.ge [sflag:s3], $0x8000  }
0x1db: {  	[sflag:s3] =	ssyncset.done $0x0  }
0x1dc: {  	[sflag:s3] =	ssyncadd.s32 $0xFFFF8000  }
0x1dd: {  	[spmem:s25] =	stream.indirect.scatter.add.f32 [tilespmem:s17], [sflag:$0x3], $0x200, s29, s4, $0xb8;
	[tilespmem:$0x18E00] =	vst v63  }
0x1de: {  	_ =	swait.ge [sflag:s2], $0x8000  }
0x1df: {  	[sflag:s2] =	ssyncset.done $0x0  }
0x1e0: {  	s13 =	simm.s32 @p0 $0x2;
	[sflag:s2] =	ssyncadd.s32 $0xFFFF8000  }
0x1e1: {  	_ =	swait.ge @p0 [sflag:s13], $0x40  }
0x1e2: {  	[sflag:s13] =	ssyncset.done @p0 $0x0  }
0x1e3: {  	[sflag:s13] =	ssyncadd.s32 @p0 $0xFFFFFFC0  }
0x1e4: {  	_ =	swait.ge @p0 [sflag:s13], $0x8000  }
0x1e5: {  	s16 =	simm.s32 @p0 $0x10040;
	[sflag:s13] =	ssyncset.done @p0 $0x0  }
0x1e6: {  	s18 =	simm.s32 @p0 $0x8000;
	[sflag:s13] =	ssyncadd.s32 @p0 $0xFFFF8000;
	s13 =	simm.s32 @p0 $0x40  }
0x1e7: {  	[spmem:s25] =	stream.indirect.scatter.add.f32 @p0 [tilespmem:s18], [sflag:$0x3], $0x200, s16, s13, $0xb8;
	[tilespmem:$0x18E00] =	vst v63  }
0x1e8: {  	s13 =	simm.s32 @p0 $0x3  }
0x1e9: {  	_ =	swait.ge @p0 [sflag:s13], $0x8000  }
0x1ea: {  	[sflag:s13] =	ssyncset.done @p0 $0x0  }
0x1eb: {  	[sflag:s13] =	ssyncadd.s32 @p0 $0xFFFF8000  }
0x1ec: {  	[spmem:s28] =	stream.indirect.scatter.add.f32 @!p0 [tilespmem:s12], [sflag:$0x3], $0x1, s14, s10, $0xb8;
	[tilespmem:$0x18E00] =	vst v63  }
0x1ed: {  	_ =	swait.ge @!p0 [sflag:s11], $0x40  }
0x1ee: {  	[sflag:s11] =	ssyncset.done @!p0 $0x0  }
0x1ef: {  	s13 =	simm.s32 @!p0 $0x2;
	[sflag:s11] =	ssyncadd.s32 @!p0 $0xFFFFFFC0  }
0x1f0: {  	_ =	swait.ge @!p0 [sflag:s13], $0x40  }
0x1f1: {  	[sflag:s13] =	ssyncset.done @!p0 $0x0  }
0x1f2: {  	[sflag:s13] =	ssyncadd.s32 @!p0 $0xFFFFFFC0  }
0x1f3: {  	_ =	swait.ge @!p0 [sflag:s13], $0x8000  }
0x1f4: {  	[sflag:s13] =	ssyncset.done @!p0 $0x0  }
0x1f5: {  	[sflag:s13] =	ssyncadd.s32 @!p0 $0xFFFF8000;
	s13 =	simm.s32 @!p0 $0x8000  }
0x1f6: {  	[spmem:s25] =	stream.indirect.scatter.add.f32 @!p0 [tilespmem:s13], [sflag:$0x3], $0x200, s15, s10, $0xb8;
	[tilespmem:$0x18E00] =	vst v63  }
0x1f7: {  	_ =	swait.ge @!p0 [sflag:s11], $0x8000  }
0x1f8: {  	[sflag:s11] =	ssyncset.done @!p0 $0x0  }
0x1f9: {  	[sflag:s11] =	ssyncadd.s32 @!p0 $0xFFFF8000  }
0x1fa: {  	[spmem:s28] =	stream.indirect.scatter.add.f32 @!p0 [tilespmem:s12], [sflag:$0x3], $0x1, s15, s10, $0xb8;
	[tilespmem:$0x18E00] =	vst v63  }
0x1fb: {  	_ =	swait.ge @!p0 [sflag:s11], $0x40  }
0x1fc: {  	[sflag:s11] =	ssyncset.done @!p0 $0x0  }
0x1fd: {  	s14 =	stileid.u32;
	s13 =	simm.s32 $0x4;
	[sflag:s11] =	ssyncadd.s32 @!p0 $0xFFFFFFC0  }
0x1fe: {  	s10 =	sshll.u32 s14, $0x6;
	s15 =	sshrl.u32 s20, $0x3;
	[bflag:$0x0] =	sbarrier.arrive $0xFFFF  }
0x1ff: {  	s14 =	simm.s32 $0x7D;
	s10 =	sor.u32 $0x1C03, s10;
	s16 =	rddreg [dreg:$0x16]  }
0x200: {  	[hbm:s16@s14], [sflag:s10] =	dma.strided [spmem:s15@s4], $0x200, s13, $0x10   }
0x201: {  	_ =	swait.ge [sflag:s2], $0x200  }
0x202: {  	[sflag:s2] =	ssyncset.done $0x0  }
0x203: {  	s18 =	sshrl.u32 s21, $0x3;
	s20 =	rddreg [dreg:$0x17];
	[sflag:s2] =	ssyncadd.s32 $0xFFFFFE00  }
0x204: {  	[hbm:s20@s14], [sflag:s10] =	dma.strided [spmem:s18@s4], $0x200, s13, $0x10   }
0x205: {  	_ =	swait.ge [sflag:s2], $0x200  }
0x206: {  	[sflag:s2] =	ssyncset.done $0x0  }
0x207: {  	s21 =	sshrl.u32 s22, $0x3;
	s22 =	rddreg [dreg:$0x18];
	[sflag:s2] =	ssyncadd.s32 $0xFFFFFE00  }
0x208: {  	[hbm:s22@s14], [sflag:s10] =	dma.strided [spmem:s21@s4], $0x200, s13, $0x10   }
0x209: {  	_ =	swait.ge [sflag:s2], $0x200  }
0x20a: {  	[sflag:s2] =	ssyncset.done $0x0  }
0x20b: {  	s12 =	sshrl.u32 s23, $0x3;
	s15 =	rddreg [dreg:$0x19];
	[sflag:s2] =	ssyncadd.s32 $0xFFFFFE00  }
0x20c: {  	[hbm:s15@s14], [sflag:s10] =	dma.strided [spmem:s12@s4], $0x200, s13, $0x10   }
0x20d: {  	_ =	swait.ge [sflag:s2], $0x200  }
0x20e: {  	[sflag:s2] =	ssyncset.done $0x0  }
0x20f: {  	s16 =	sshrl.u32 s26, $0x3;
	s18 =	rddreg [dreg:$0x1a];
	[sflag:s2] =	ssyncadd.s32 $0xFFFFFE00  }
0x210: {  	[hbm:s18@s14], [sflag:s10] =	dma.strided [spmem:s16@s4], $0x200, s13, $0x10   }
0x211: {  	_ =	swait.ge [sflag:s2], $0x200  }
0x212: {  	[sflag:s2] =	ssyncset.done $0x0  }
0x213: {  	s20 =	sshrl.u32 s1, $0x3;
	s21 =	rddreg [dreg:$0x1b];
	[sflag:s2] =	ssyncadd.s32 $0xFFFFFE00  }
0x214: {  	[hbm:s21@s14], [sflag:s10] =	dma.strided [spmem:s20@s4], $0x200, s13, $0x10   }
0x215: {  	_ =	swait.ge [sflag:s2], $0x200  }
0x216: {  	[sflag:s2] =	ssyncset.done $0x0  }
0x217: {  	s22 =	sshrl.u32 s6, $0x3;
	s23 =	rddreg [dreg:$0x1c];
	[sflag:s2] =	ssyncadd.s32 $0xFFFFFE00  }
0x218: {  	[hbm:s23@s14], [sflag:s10] =	dma.strided [spmem:s22@s4], $0x200, s13, $0x10   }
0x219: {  	s11 =	sshrl.u32 @!p2 s7, $0x3;
	_ =	swait.ge [sflag:s2], $0x200  }
0x21a: {  	s12 =	simm.s32 @!p2 $0x4;
	s13 =	simm.s32 @!p2 $0x7D;
	[sflag:s2] =	ssyncset.done $0x0  }
0x21b: {  	s14 =	simm.s32 @!p2 $0x40;
	s15 =	rddreg [dreg:$0x1d];
	[sflag:s2] =	ssyncadd.s32 $0xFFFFFE00  }
0x21c: {  	[hbm:s15@s13], [sflag:s10] =	dma.strided @!p2 [spmem:s11@s14], $0x200, s12, $0x10   }
0x21d: {  	_ =	swait.ge @!p2 [sflag:s9], $0x200  }
0x21e: {  	s11 =	sld [smem:$0x7F3]  }
0x21f: {  	[sflag:s9] =	ssyncset.done @!p2 $0x0  }
0x220: {  	[sflag:s9] =	ssyncadd.s32 @!p2 $0xFFFFFE00;
	s9 =	sshrl.u32 @p1 s19, $0x3  }
0x221: {  	[hbm:s11], [sflag:s10] =	dma.local @p1 [spmem:s9], $0x10  }
0x222: {  	s9 =	simm.s32 @p1 $0x3  }
0x223: {  	_ =	swait.ge @p1 [sflag:s9], $0x10  }
0x224: {  	s26 =	sld [smem:$0x7F5];
	_ =	sdelay $0x1  }
0x225: {  	s8 =	sadd.s32 $0x1, s8  }
0x226: {  	p4 =	sne.s32 s8, s26  }
.Ltmp1:
0x227: {  	_ = 	snop;
	(pc) =	sbr.rel @p4 .LBB2_1-.Ltmp1, $3  }
0x228: {  	_ =	sdelay $0x1  }
0x229: {  	[sflag:s9] =	ssyncset.done @p1 $0x0  }
0x22a: {  	[sflag:s9] =	ssyncadd.s32 @p1 $0xFFFFFFF0  }
0x22b: {  	_ =	sfence.sel $0x180000  }
0x22c: {  	[bflag:$0x0] =	sbarrier.arrive $0xFFFF  }
0x22d: {  	_ =	strace $0x90000047  }
0x22e: {  	s0 =	stileid.u32;
	[bflag:$0x2] =	sbarrier.arrive $0xFFFF  }
0x22f: {  	p0 =	sne.s32 s0, $0x0;
	s0 =	rddreg [dreg:$0x5]  }
0x230: {  	s0 =	sadd.s32 @!p0 $0x100000, s0  }
0x231: {  	[sflag:s0] =	ssyncadd.tile.s32 @!p0 $0x1;
	_ =	shalt  }
.Lfunc_end2:
_tile_overlayer_lowered:
.L_overlay_start_2:
0x232: {  	(tag) =	ssettag $0x2  }
0x233: {  	s0 =	rddreg [dreg:$0x0];
	s2 =	stileid.u32  }
0x234: {  	s1 =	rddreg [dreg:$0x1];
	p0 =	sne.s32 s2, $0x0  }
0x235: {  	s3 =	rddreg [dreg:$0x2];
	[bflag:$0x3] =	sbarrier.arrive $0xFFFF;
	s2 =	simm.s32 @!p0 $0x1C03  }
0x236: {  	[timem:s3], [sflag:s2] =	dma.local @!p0 [hbm:s0], s1  }
0x237: {  	s0 =	simm.s32 @!p0 $0x3  }
0x238: {  	_ =	swait.ge @!p0 [sflag:s0], s1  }
0x239: {  	s1 =	ssub.s32 @!p0 $0x0, s1;
	[sflag:s0] =	ssyncset.done @!p0 $0x0  }
0x23a: {  	[sflag:s0] =	ssyncadd.s32 @!p0 s1  }
0x23b: {  	[bflag:$0x3] =	sbarrier.arrive $0xFFFF  }
0x23c: {  	_ =	shalt  }

</sc_bundles>
